<compile_context>
chip_gen: v7x
topology: tpu7x:2x2x1
jax: 0.10.2.dev20260603
libtpu: 0.0.44.dev20260713+nightly
codegen_flags: <defaults>
</compile_context>

<pallas_src>
import functools

import jax
import jax.numpy as jnp
from jax import lax
from jax.experimental import pallas as pl
from jax.experimental.pallas import tpu as pltpu
from jax.experimental.pallas import tpu_sc as plsc

N = 10000
E = 160000
D = 128
NC, NS, L = 2, 16, 16
EPT = E // NS
WB = 1000
NWB = N // WB
CH = 128
NFULL = EPT // CH
REM = EPT - NFULL * CH
EPW = E // (NC * NS)
NFULL_P = EPW // CH
REM_P = EPW - NFULL_P * CH
TW = 16

_mesh = plsc.VectorSubcoreMesh(core_axis_name="c", subcore_axis_name="s")



def _tc_l1_body(x2_ref, x3_ref, w2_ref, w3_ref, t0_ref, t1_ref):
    x2 = x2_ref[...]
    x3 = x3_ref[...]
    for r, t_ref in ((0, t0_ref), (1, t1_ref)):
        t_ref[:N, :] = jnp.dot(x2, w2_ref[r], preferred_element_type=jnp.float32)
        t_ref[N:, :] = jnp.dot(x3, w3_ref[r], preferred_element_type=jnp.float32)


def _tc_l1(x2, x3, w2, w3):
    return pl.pallas_call(
        _tc_l1_body,
        out_shape=[jax.ShapeDtypeStruct((2 * N, D), jnp.float32)] * 2,
        compiler_params=pltpu.CompilerParams(vmem_limit_bytes=100 * 1024 * 1024),
    )(x2, x3, w2, w3)


def _tc_l2_body(a0_ref, a1_ref, d0_ref, d1_ref, b2_ref, b3_ref,
                w2_ref, w3_ref, t0_ref, t1_ref):
    inv0 = 1.0 / jnp.maximum(d0_ref[...], 1.0)
    inv1 = 1.0 / jnp.maximum(d1_ref[...], 1.0)
    h2 = jax.nn.relu(a0_ref[:N, :] * inv0 + b2_ref[0] +
                     a1_ref[:N, :] * inv1 + b2_ref[1])
    h3 = jax.nn.relu(a0_ref[N:, :] * inv0 + b3_ref[0] +
                     a1_ref[N:, :] * inv1 + b3_ref[1])
    for r, t_ref in ((0, t0_ref), (1, t1_ref)):
        t_ref[:N, :] = jnp.dot(h2, w2_ref[r], preferred_element_type=jnp.float32)
        t_ref[N:, :] = jnp.dot(h3, w3_ref[r], preferred_element_type=jnp.float32)


def _tc_l2(a0, a1, d0, d1, b2, b3, w2, w3):
    return pl.pallas_call(
        _tc_l2_body,
        out_shape=[jax.ShapeDtypeStruct((2 * N, D), jnp.float32)] * 2,
        compiler_params=pltpu.CompilerParams(vmem_limit_bytes=100 * 1024 * 1024),
    )(a0, a1, d0, d1, b2, b3, w2, w3)


def _tc_pred_body(a0_ref, a1_ref, d0_ref, d1_ref, b2_ref, b3_ref,
                  pw1_ref, pb1_ref, pw2_ref, pb2_ref, ta_ref, tb_ref):
    inv0 = 1.0 / jnp.maximum(d0_ref[...], 1.0)
    inv1 = 1.0 / jnp.maximum(d1_ref[...], 1.0)
    h2 = (a0_ref[:N, :] * inv0 + b2_ref[0] +
          a1_ref[:N, :] * inv1 + b2_ref[1])
    h3 = (a0_ref[N:, :] * inv0 + b3_ref[0] +
          a1_ref[N:, :] * inv1 + b3_ref[1])
    m = jnp.dot(pw1_ref[...], pw2_ref[...], preferred_element_type=jnp.float32)
    cb = jnp.dot(pb1_ref[...].reshape(1, -1), pw2_ref[...],
                 preferred_element_type=jnp.float32) + pb2_ref[...].reshape(1, -1)
    a2 = (jnp.dot(h2, m[0:D], preferred_element_type=jnp.float32) +
          jnp.dot(h3, m[D:2 * D], preferred_element_type=jnp.float32) + cb)
    b2t = (jnp.dot(h2, m[2 * D:3 * D], preferred_element_type=jnp.float32) +
           jnp.dot(h3, m[3 * D:4 * D], preferred_element_type=jnp.float32))
    ta_ref[...] = a2
    tb_ref[...] = b2t


def _tc_pred(a0, a1, d0, d1, b2, b3, pw1, pb1, pw2, pb2):
    return pl.pallas_call(
        _tc_pred_body,
        out_shape=[jax.ShapeDtypeStruct((N, 2), jnp.float32)] * 2,
        compiler_params=pltpu.CompilerParams(vmem_limit_bytes=100 * 1024 * 1024),
    )(a0, a1, d0, d1, b2, b3, pw1, pb1, pw2, pb2)



def _sc_agg_body(with_deg, *refs):
    if with_deg:
        (t0_hbm, t1_hbm, s0_hbm, d0_hbm, s1_hbm, d1_hbm, z_hbm, zd_hbm,
         a0_hbm, a1_hbm, g0_hbm, g1_hbm,
         sidx_v, didx_v, rows_v, ones_v, acc_sh, dega_sh, gsem) = refs
    else:
        (t0_hbm, t1_hbm, s0_hbm, d0_hbm, s1_hbm, d1_hbm, z_hbm,
         a0_hbm, a1_hbm,
         sidx_v, didx_v, rows_v, acc_sh, gsem) = refs
    c = lax.axis_index("c")
    s = lax.axis_index("s")
    coff = c * N
    ebase = s * EPT

    if with_deg:
        def _init_ones(i, carry):
            ones_v[pl.ds(i * L, L)] = jnp.ones((L,), jnp.float32)
            return carry
        lax.fori_loop(0, CH // L, _init_ones, 0)

    for r, (t_hbm, src_hbm, dst_hbm, agg_hbm) in enumerate(
            ((t0_hbm, s0_hbm, d0_hbm, a0_hbm), (t1_hbm, s1_hbm, d1_hbm, a1_hbm))):
        @pl.when(s < NWB)
        def _():
            pltpu.sync_copy(z_hbm, acc_sh.at[pl.ds(s * WB, WB)])
        if with_deg:
            @pl.when(jnp.logical_and(c == r, s == 0))
            def _():
                pltpu.sync_copy(zd_hbm, dega_sh)
        plsc.subcore_barrier()

        def _chunk(k, carry, sz=CH):
            eo = pl.multiple_of(ebase + k * CH, 8)
            pltpu.sync_copy(src_hbm.at[pl.ds(eo, sz)], sidx_v.at[pl.ds(0, sz)])

            def _adj(i, cc):
                sidx_v[pl.ds(i * L, L)] = sidx_v[pl.ds(i * L, L)] + coff
                return cc
            lax.fori_loop(0, sz // L, _adj, 0)
            pltpu.async_copy(t_hbm.at[sidx_v.at[pl.ds(0, sz)]],
                             rows_v.at[pl.ds(0, sz)], gsem).wait()
            pltpu.sync_copy(dst_hbm.at[pl.ds(eo, sz)], didx_v.at[pl.ds(0, sz)])
            pltpu.sync_copy(rows_v.at[pl.ds(0, sz)],
                            acc_sh.at[didx_v.at[pl.ds(0, sz)]], add=True)
            if with_deg:
                @pl.when(c == r)
                def _():
                    pltpu.sync_copy(ones_v.at[pl.ds(0, sz)],
                                    dega_sh.at[didx_v.at[pl.ds(0, sz)]], add=True)
            return carry
        lax.fori_loop(0, NFULL, _chunk, 0)
        _chunk(NFULL, 0, sz=REM)

        plsc.subcore_barrier()

        @pl.when(s < NWB)
        def _():
            pltpu.sync_copy(acc_sh.at[pl.ds(s * WB, WB)],
                            agg_hbm.at[pl.ds(coff + s * WB, WB)])
        if with_deg:
            @pl.when(jnp.logical_and(c == r, s == 0))
            def _():
                pltpu.sync_copy(dega_sh, g0_hbm if r == 0 else g1_hbm)
        plsc.subcore_barrier()


def _sc_agg_deg(t0, t1, s0, d0, s1, d1, z, zd):
    f = pl.kernel(
        functools.partial(_sc_agg_body, True),
        out_type=[jax.ShapeDtypeStruct((2 * N, D), jnp.float32)] * 2 +
                 [jax.ShapeDtypeStruct((N,), jnp.float32)] * 2,
        mesh=_mesh,
        scratch_types=[
            pltpu.VMEM((CH,), jnp.int32),
            pltpu.VMEM((CH,), jnp.int32),
            pltpu.VMEM((CH, D), jnp.float32),
            pltpu.VMEM((CH,), jnp.float32),
            pltpu.VMEM_SHARED((N, D), jnp.float32),
            pltpu.VMEM_SHARED((N,), jnp.float32),
            pltpu.SemaphoreType.DMA,
        ],
    )
    return f(t0, t1, s0, d0, s1, d1, z, zd)


def _sc_agg(t0, t1, s0, d0, s1, d1, z):
    f = pl.kernel(
        functools.partial(_sc_agg_body, False),
        out_type=[jax.ShapeDtypeStruct((2 * N, D), jnp.float32)] * 2,
        mesh=_mesh,
        scratch_types=[
            pltpu.VMEM((CH,), jnp.int32),
            pltpu.VMEM((CH,), jnp.int32),
            pltpu.VMEM((CH, D), jnp.float32),
            pltpu.VMEM_SHARED((N, D), jnp.float32),
            pltpu.SemaphoreType.DMA,
        ],
    )
    return f(t0, t1, s0, d0, s1, d1, z)


def _sc_pred_body(ta_hbm, tb_hbm, ds_hbm, dd_hbm, out_hbm,
                  ta_v, tb_v, sidx_v, didx_v, ov_v):
    c = lax.axis_index("c")
    s = lax.axis_index("s")
    wid = s * NC + c
    base = pl.multiple_of(wid * EPW, 8)
    pltpu.sync_copy(ta_hbm, ta_v)
    pltpu.sync_copy(tb_hbm, tb_v)
    pltpu.sync_copy(ds_hbm.at[pl.ds(base, EPW)], sidx_v.at[pl.ds(0, EPW)])
    pltpu.sync_copy(dd_hbm.at[pl.ds(base, EPW)], didx_v.at[pl.ds(0, EPW)])

    lanes = lax.iota(jnp.int32, L)

    def _group(eoff):
        si = sidx_v[pl.ds(eoff, L)] * 2
        di = didx_v[pl.ds(eoff, L)] * 2
        s0 = plsc.load_gather(ta_v, [si]) + plsc.load_gather(tb_v, [di])
        s1 = plsc.load_gather(ta_v, [si + 1]) + plsc.load_gather(tb_v, [di + 1])
        oi = eoff * 2 + lanes * 2
        plsc.store_scatter(ov_v, [oi], s0)
        plsc.store_scatter(ov_v, [oi + 1], s1)

    def _body(g, carry):
        _group(g * L)
        return carry
    lax.fori_loop(0, EPW // L, _body, 0)
    if EPW % L:
        _group(EPW - L)
    pltpu.sync_copy(ov_v, out_hbm.at[pl.ds(base * 2, 2 * EPW)])


def _sc_pred(ta, tb, dsrc, ddst):
    idx_pad = EPW
    f = pl.kernel(
        _sc_pred_body,
        out_type=jax.ShapeDtypeStruct((2 * E,), jnp.float32),
        mesh=_mesh,
        scratch_types=[
            pltpu.VMEM((2 * N,), jnp.float32),
            pltpu.VMEM((2 * N,), jnp.float32),
            pltpu.VMEM((idx_pad,), jnp.int32),
            pltpu.VMEM((idx_pad,), jnp.int32),
            pltpu.VMEM((2 * EPW,), jnp.float32),
        ],
        compiler_params=pltpu.CompilerParams(needs_layout_passes=False),
    )
    return f(ta, tb, dsrc, ddst)



def kernel(node2_features, mpnn_features, edge_index_r0, edge_index_r1,
           dec_edge_index,
           sage2_W1, sage2_b1, sage2_W2, sage2_b2,
           sage3_W1, sage3_b1, sage3_W2, sage3_b2,
           pred_W1, pred_b1, pred_W2, pred_b2):
    s0, d0 = edge_index_r0[0], edge_index_r0[1]
    s1, d1 = edge_index_r1[0], edge_index_r1[1]
    dsrc, ddst = dec_edge_index[0], dec_edge_index[1]
    z = jnp.zeros((WB, D), jnp.float32)
    zd = jnp.zeros((N,), jnp.float32)

    t10, t11 = _tc_l1(node2_features, mpnn_features, sage2_W1, sage3_W1)
    a10, a11, deg0, deg1 = _sc_agg_deg(t10, t11, s0, d0, s1, d1, z, zd)
    d0c = deg0.reshape(N, 1)
    d1c = deg1.reshape(N, 1)
    t20, t21 = _tc_l2(a10, a11, d0c, d1c, sage2_b1, sage3_b1,
                      sage2_W2, sage3_W2)
    a20, a21 = _sc_agg(t20, t21, s0, d0, s1, d1, z)
    ta, tb = _tc_pred(a20, a21, d0c, d1c, sage2_b2, sage3_b2,
                      pred_W1, pred_b1, pred_W2, pred_b2)
    outp = _sc_pred(ta.reshape(-1), tb.reshape(-1), dsrc, ddst)
    return outp.reshape(E, 2)

# --- scband reference (transcript-rebuilt; emitter-appended) ---
"""Pipeline reference for scband-model-20418274525858 (READ-ONLY COPY).

The authoritative reference and input builder live on the scoring server;
editing this copy changes nothing except your own understanding.
"""

import jax, jax.numpy as jnp
import numpy as np

N_NODES = 10000
E_REL = 160000
E_DEC = 160000
D = 128
HID = 128
OUT = 128
N_CLASSES = 2


def _gconv(x, W, b, src, dst):
    # DGL-style GraphConv with mean aggregation: project, gather by src, segment-sum into dst, normalize by in-degree
    msg = (x @ W)[src]
    agg = jax.ops.segment_sum(msg, dst, num_segments=N_NODES)
    deg = jax.ops.segment_sum(jnp.ones((src.shape[0],), x.dtype), dst, num_segments=N_NODES)
    return agg / jnp.clip(deg, 1.0)[:, None] + b


def _hgcn(x, W1, b1, W2, b2, edges):
    # HeteroGraphConv layer 1 (sum-aggregate over relations) + ReLU + layer 2
    h = jnp.zeros((N_NODES, W1.shape[2]), x.dtype)
    for r in range(W1.shape[0]):
        src, dst = edges[r]
        h = h + _gconv(x, W1[r], b1[r], src, dst)
    h = jax.nn.relu(h)
    out = jnp.zeros((N_NODES, W2.shape[2]), x.dtype)
    for r in range(W2.shape[0]):
        src, dst = edges[r]
        out = out + _gconv(h, W2[r], b2[r], src, dst)
    return out


def setup_inputs(seed: int = 0):
    key = jax.random.key(seed)
    ks = jax.random.split(key, 20)
    s = 0.05
    return {
        "node2_features": jax.random.normal(ks[0], (N_NODES, D), jnp.float32),
        "mpnn_features": jax.random.normal(ks[1], (N_NODES, D), jnp.float32),
        "edge_index_r0": jax.random.randint(ks[2], (2, E_REL), 0, N_NODES, jnp.int32),
        "edge_index_r1": jax.random.randint(ks[3], (2, E_REL), 0, N_NODES, jnp.int32),
        "dec_edge_index": jax.random.randint(ks[4], (2, E_DEC), 0, N_NODES, jnp.int32),
        "sage2_W1": jax.random.normal(ks[5], (2, D, HID), jnp.float32) * s,
        "sage2_b1": jnp.zeros((2, HID), jnp.float32),
        "sage2_W2": jax.random.normal(ks[6], (2, HID, OUT), jnp.float32) * s,
        "sage2_b2": jnp.zeros((2, OUT), jnp.float32),
        "sage3_W1": jax.random.normal(ks[7], (2, D, HID), jnp.float32) * s,
        "sage3_b1": jnp.zeros((2, HID), jnp.float32),
        "sage3_W2": jax.random.normal(ks[8], (2, HID, OUT), jnp.float32) * s,
        "sage3_b2": jnp.zeros((2, OUT), jnp.float32),
        "pred_W1": jax.random.normal(ks[9], (4 * OUT, 256), jnp.float32) * s,
        "pred_b1": jnp.zeros((256,), jnp.float32),
        "pred_W2": jax.random.normal(ks[10], (256, N_CLASSES), jnp.float32) * s,
        "pred_b2": jnp.zeros((N_CLASSES,), jnp.float32),
    }


def reference(node2_features, mpnn_features, edge_index_r0, edge_index_r1, dec_edge_index,
              sage2_W1, sage2_b1, sage2_W2, sage2_b2,
              sage3_W1, sage3_b1, sage3_W2, sage3_b2,
              pred_W1, pred_b1, pred_W2, pred_b2):
    edges = [(edge_index_r0[0], edge_index_r0[1]), (edge_index_r1[0], edge_index_r1[1])]
    h2 = _hgcn(node2_features, sage2_W1, sage2_b1, sage2_W2, sage2_b2, edges)
    h3 = _hgcn(mpnn_features, sage3_W1, sage3_b1, sage3_W2, sage3_b2, edges)
    # HeteroMLPPredictor: concat h2 and h3 node features, then score each dec edge
    hc = jnp.concatenate([h2, h3], axis=1)
    dsrc = dec_edge_index[0]
    ddst = dec_edge_index[1]
    xe = jnp.concatenate([hc[dsrc], hc[ddst]], axis=1)
    score = (xe @ pred_W1 + pred_b1) @ pred_W2 + pred_b2
    return score

if __name__ == "__main__":
    import jax
    _d = setup_inputs()
    print(jax.jit(kernel)(*tuple(_d.values())))

</pallas_src>

<mosaic_0001>
#map = affine_map<(d0, d1) -> (0, 0)>
#map1 = affine_map<(d0, d1) -> (0)>
module attributes {stable_mosaic.version = 14 : i64} {
  func.func @_sc_agg_body(%arg0: i32, %arg1: i32, %arg2: memref<20000x128xf32, #tpu.memory_space<hbm>>, %arg3: memref<20000x128xf32, #tpu.memory_space<hbm>>, %arg4: memref<160000xi32, #tpu.memory_space<hbm>>, %arg5: memref<160000xi32, #tpu.memory_space<hbm>>, %arg6: memref<160000xi32, #tpu.memory_space<hbm>>, %arg7: memref<160000xi32, #tpu.memory_space<hbm>>, %arg8: memref<1000x128xf32, #tpu.memory_space<hbm>>, %arg9: memref<10000xf32, #tpu.memory_space<hbm>>, %arg10: memref<20000x128xf32, #tpu.memory_space<hbm>>, %arg11: memref<20000x128xf32, #tpu.memory_space<hbm>>, %arg12: memref<10000xf32, #tpu.memory_space<hbm>>, %arg13: memref<10000xf32, #tpu.memory_space<hbm>>, %arg14: memref<128xi32, #tpu.memory_space<vmem>>, %arg15: memref<128xi32, #tpu.memory_space<vmem>>, %arg16: memref<128x128xf32, #tpu.memory_space<vmem>>, %arg17: memref<128xf32, #tpu.memory_space<vmem>>, %arg18: memref<10000x128xf32, #tpu.memory_space<vmem_shared>>, %arg19: memref<10000xf32, #tpu.memory_space<vmem_shared>>, %arg20: memref<!tpu.dma_semaphore, #tpu.memory_space<semaphore_mem>>) attributes {dimension_semantics = [#tpu.dimension_semantics<core_parallel>, #tpu.dimension_semantics<subcore_parallel>], iteration_bounds = array<i64: 2, 16>, scalar_prefetch = 0 : i64, scratch_operands = 7 : i64, tpu.core_type = #tpu.core_type<sc_vector_subcore>, window_params = [{transform_indices = #map}, {transform_indices = #map}, {transform_indices = #map1}, {transform_indices = #map1}, {transform_indices = #map1}, {transform_indices = #map1}, {transform_indices = #map}, {transform_indices = #map1}, {transform_indices = #map}, {transform_indices = #map}, {transform_indices = #map1}, {transform_indices = #map1}]} {
    %mul3A = arith.constant 10000 : i32
    %mul3A_0 = arith.muli %arg0, %mul3A : i32
    %mul3A_1 = arith.constant 10000 : i32
    %mul3A_2 = arith.muli %arg1, %mul3A_1 : i32
    %scan3A = arith.constant 0 : i32
    %scan3A_3 = arith.constant 0 : i32
    %scan3A_4 = arith.constant 8 : i32
    %scan3A_5 = arith.addi %scan3A_3, %scan3A_4 : i32
    %scan3A_6 = arith.constant 1 : i32
    scf.for %scan3A_146 = %scan3A_3 to %scan3A_5 step %scan3A_6  : i32 {
      %broadcast_in_dim3A = arith.constant 1.000000e+00 : f32
      %broadcast_in_dim3A_147 = vector.broadcast %broadcast_in_dim3A : f32 to vector<16xf32>
      %mul3A_148 = arith.constant 16 : i32
      %mul3A_149 = arith.muli %scan3A_146, %mul3A_148 : i32
      %swap3A_150 = arith.index_cast %mul3A_149 : i32 to index
      %swap3A_151 = tpu.vector_load %arg17[%swap3A_150] {strides = array<i32>} : memref<128xf32, #tpu.memory_space<vmem>>, vector<16xf32>,
      %swap3A_152 = vector.shape_cast %swap3A_151 : vector<16xf32> to vector<16xf32>
      %swap3A_153 = vector.shape_cast %broadcast_in_dim3A_147 : vector<16xf32> to vector<16xf32>
      tpu.vector_store %arg17[%swap3A_150], %swap3A_153 {strides = array<i32>} : memref<128xf32, #tpu.memory_space<vmem>>, vector<16xf32>,
    }
    %scan3A_7 = arith.constant 8 : i32
    %lt3A = arith.constant 10 : i32
    %lt3A_8 = arith.cmpi slt, %arg1, %lt3A : i32
    %convert_element_type3A = arith.extui %lt3A_8 : i1 to i32
    %cond3A = arith.constant 0 : i32
    %cond3A_9 = arith.cmpi ne, %convert_element_type3A, %cond3A : i32
    scf.if %cond3A_9 {
      %mul3A_146 = arith.constant 1000 : i32
      %mul3A_147 = arith.muli %arg1, %mul3A_146 : i32
      "tpu.region"() ({
        %run_scoped3A = tpu.sem_alloc : memref<!tpu.dma_semaphore, #tpu.memory_space<semaphore_mem>>
        %dma_start3A_148 = arith.constant 0 : i32
        %dma_start3A_149 = tpu.memref_slice %arg18[%mul3A_147, %dma_start3A_148] : memref<10000x128xf32, #tpu.memory_space<vmem_shared>> -> memref<1000x128xf32, #tpu.memory_space<vmem_shared>>
        tpu.enqueue_dma source(%arg8 : memref<1000x128xf32, #tpu.memory_space<hbm>>) target(%dma_start3A_149 : memref<1000x128xf32, #tpu.memory_space<vmem_shared>>) target_semaphore(%run_scoped3A : memref<!tpu.dma_semaphore, #tpu.memory_space<semaphore_mem>>)
        %dma_wait3A_150 = arith.constant 0 : i32
        %dma_wait3A_151 = tpu.memref_slice %arg18[%mul3A_147, %dma_wait3A_150] : memref<10000x128xf32, #tpu.memory_space<vmem_shared>> -> memref<1000x128xf32, #tpu.memory_space<vmem_shared>>
        tpu.wait_dma2 semaphore(%run_scoped3A : memref<!tpu.dma_semaphore, #tpu.memory_space<semaphore_mem>>) src(%arg8 : memref<1000x128xf32, #tpu.memory_space<hbm>>) dst(%dma_wait3A_151 : memref<1000x128xf32, #tpu.memory_space<vmem_shared>>)
        tpu.yield
      }) : () -> ()
    } else {
    }
    %eq3A = arith.constant 0 : i32
    %eq3A_10 = arith.cmpi eq, %arg0, %eq3A : i32
    %eq3A_11 = arith.constant 0 : i32
    %eq3A_12 = arith.cmpi eq, %arg1, %eq3A_11 : i32
    %and3A = arith.andi %eq3A_10, %eq3A_12 : i1
    %convert_element_type3A_13 = arith.extui %and3A : i1 to i32
    %cond3A_14 = arith.constant 0 : i32
    %cond3A_15 = arith.cmpi ne, %convert_element_type3A_13, %cond3A_14 : i32
    scf.if %cond3A_15 {
      "tpu.region"() ({
        %run_scoped3A = tpu.sem_alloc : memref<!tpu.dma_semaphore, #tpu.memory_space<semaphore_mem>>
        tpu.enqueue_dma source(%arg9 : memref<10000xf32, #tpu.memory_space<hbm>>) target(%arg19 : memref<10000xf32, #tpu.memory_space<vmem_shared>>) target_semaphore(%run_scoped3A : memref<!tpu.dma_semaphore, #tpu.memory_space<semaphore_mem>>)
        tpu.wait_dma2 semaphore(%run_scoped3A : memref<!tpu.dma_semaphore, #tpu.memory_space<semaphore_mem>>) src(%arg9 : memref<10000xf32, #tpu.memory_space<hbm>>) dst(%arg19 : memref<10000xf32, #tpu.memory_space<vmem_shared>>)
        tpu.yield
      }) : () -> ()
    } else {
    }
    %barrier3A = arith.constant 0 : index
    tpu.barrier barrier_id(%barrier3A)
    %scan3A_16 = arith.constant 0 : i32
    %scan3A_17 = arith.constant 0 : i32
    %scan3A_18 = arith.constant 78 : i32
    %scan3A_19 = arith.addi %scan3A_17, %scan3A_18 : i32
    %scan3A_20 = arith.constant 1 : i32
    scf.for %scan3A_146 = %scan3A_17 to %scan3A_19 step %scan3A_20  : i32 {
      %mul3A_147 = arith.constant 128 : i32
      %mul3A_148 = arith.muli %scan3A_146, %mul3A_147 : i32
      %add3A_149 = arith.addi %mul3A_2, %mul3A_148 : i32
      %multiple_of3A_150 = tpu.assume_multiple %add3A_149, 8 : i32
      "tpu.region"() ({
        %run_scoped3A = tpu.sem_alloc : memref<!tpu.dma_semaphore, #tpu.memory_space<semaphore_mem>>
        %dma_start3A_178 = arith.constant 0 : i32
        %dma_start3A_179 = tpu.memref_slice %arg14[%dma_start3A_178] : memref<128xi32, #tpu.memory_space<vmem>> -> memref<128xi32, #tpu.memory_space<vmem>>
        %dma_start3A_180 = tpu.memref_slice %arg4[%multiple_of3A_150] : memref<160000xi32, #tpu.memory_space<hbm>> -> memref<128xi32, #tpu.memory_space<hbm>>
        %dma_start3A_181 = arith.constant 0 : i32
        %dma_start3A_182 = tpu.memref_slice %arg14[%dma_start3A_181] : memref<128xi32, #tpu.memory_space<vmem>> -> memref<128xi32, #tpu.memory_space<vmem>>
        %dma_start3A_183 = tpu.memref_slice %arg4[%multiple_of3A_150] : memref<160000xi32, #tpu.memory_space<hbm>> -> memref<128xi32, #tpu.memory_space<hbm>>
        tpu.enqueue_dma source(%dma_start3A_183 : memref<128xi32, #tpu.memory_space<hbm>>) target(%dma_start3A_182 : memref<128xi32, #tpu.memory_space<vmem>>) target_semaphore(%run_scoped3A : memref<!tpu.dma_semaphore, #tpu.memory_space<semaphore_mem>>)
        %dma_wait3A_184 = arith.constant 0 : i32
        %dma_wait3A_185 = tpu.memref_slice %arg14[%dma_wait3A_184] : memref<128xi32, #tpu.memory_space<vmem>> -> memref<128xi32, #tpu.memory_space<vmem>>
        %dma_wait3A_186 = tpu.memref_slice %arg4[%multiple_of3A_150] : memref<160000xi32, #tpu.memory_space<hbm>> -> memref<128xi32, #tpu.memory_space<hbm>>
        %dma_wait3A_187 = arith.constant 0 : i32
        %dma_wait3A_188 = tpu.memref_slice %arg14[%dma_wait3A_187] : memref<128xi32, #tpu.memory_space<vmem>> -> memref<128xi32, #tpu.memory_space<vmem>>
        %dma_wait3A_189 = tpu.memref_slice %arg4[%multiple_of3A_150] : memref<160000xi32, #tpu.memory_space<hbm>> -> memref<128xi32, #tpu.memory_space<hbm>>
        tpu.wait_dma2 semaphore(%run_scoped3A : memref<!tpu.dma_semaphore, #tpu.memory_space<semaphore_mem>>) src(%dma_wait3A_189 : memref<128xi32, #tpu.memory_space<hbm>>) dst(%dma_wait3A_188 : memref<128xi32, #tpu.memory_space<vmem>>)
        tpu.yield
      }) : () -> ()
      %scan3A_151 = arith.constant 0 : i32
      %scan3A_152 = arith.constant 0 : i32
      %scan3A_153 = arith.constant 8 : i32
      %scan3A_154 = arith.addi %scan3A_152, %scan3A_153 : i32
      %scan3A_155 = arith.constant 1 : i32
      scf.for %scan3A_178 = %scan3A_152 to %scan3A_154 step %scan3A_155  : i32 {
        %mul3A_179 = arith.constant 16 : i32
        %mul3A_180 = arith.muli %scan3A_178, %mul3A_179 : i32
        %get3A_181 = arith.index_cast %mul3A_180 : i32 to index
        %get3A_182 = tpu.vector_load %arg14[%get3A_181] {strides = array<i32>} : memref<128xi32, #tpu.memory_space<vmem>>, vector<16xi32>,
        %get3A_183 = vector.shape_cast %get3A_182 : vector<16xi32> to vector<16xi32>
        %add3A_184 = vector.broadcast %mul3A_0 : i32 to vector<16xi32>
        %add3A_185 = arith.addi %get3A_183, %add3A_184 : vector<16xi32>
        %mul3A_186 = arith.constant 16 : i32
        %mul3A_187 = arith.muli %scan3A_178, %mul3A_186 : i32
        %swap3A_188 = arith.index_cast %mul3A_187 : i32 to index
        %swap3A_189 = tpu.vector_load %arg14[%swap3A_188] {strides = array<i32>} : memref<128xi32, #tpu.memory_space<vmem>>, vector<16xi32>,
        %swap3A_190 = vector.shape_cast %swap3A_189 : vector<16xi32> to vector<16xi32>
        %swap3A_191 = vector.shape_cast %add3A_185 : vector<16xi32> to vector<16xi32>
        tpu.vector_store %arg14[%swap3A_188], %swap3A_191 {strides = array<i32>} : memref<128xi32, #tpu.memory_space<vmem>>, vector<16xi32>,
      }
      %scan3A_156 = arith.constant 8 : i32
      %dma_start3A_157 = arith.constant 0 : i32
      %dma_start3A_158 = arith.constant 0 : i32
      %dma_start3A_159 = tpu.memref_slice %arg16[%dma_start3A_157, %dma_start3A_158] : memref<128x128xf32, #tpu.memory_space<vmem>> -> memref<128x128xf32, #tpu.memory_space<vmem>>
      %dma_start3A_160 = arith.constant 0 : i32
      %dma_start3A_161 = tpu.memref_slice %arg14[%dma_start3A_160] : memref<128xi32, #tpu.memory_space<vmem>> -> memref<128xi32, #tpu.memory_space<vmem>>
      %dma_start3A_162 = arith.constant 0 : i32
      %dma_start3A_163 = arith.constant 0 : i32
      %dma_start3A_164 = tpu.memref_slice %arg2[%dma_start3A_162, %dma_start3A_163] : memref<20000x128xf32, #tpu.memory_space<hbm>> -> memref<20000x128xf32, #tpu.memory_space<hbm>>
      tpu.enqueue_indirect_dma source(%dma_start3A_164 : memref<20000x128xf32, #tpu.memory_space<hbm>>) target(%dma_start3A_159 : memref<128x128xf32, #tpu.memory_space<vmem>>) offsets(%dma_start3A_161 : memref<128xi32, #tpu.memory_space<vmem>>) semaphore(%arg20 : memref<!tpu.dma_semaphore, #tpu.memory_space<semaphore_mem>>)
      %dma_wait3A_165 = arith.constant 0 : i32
      %dma_wait3A_166 = arith.constant 0 : i32
      %dma_wait3A_167 = tpu.memref_slice %arg16[%dma_wait3A_165, %dma_wait3A_166] : memref<128x128xf32, #tpu.memory_space<vmem>> -> memref<128x128xf32, #tpu.memory_space<vmem>>
      %dma_wait3A_168 = arith.constant 0 : i32
      %dma_wait3A_169 = tpu.memref_slice %arg14[%dma_wait3A_168] : memref<128xi32, #tpu.memory_space<vmem>> -> memref<128xi32, #tpu.memory_space<vmem>>
      %dma_wait3A_170 = arith.constant 0 : i32
      %dma_wait3A_171 = arith.constant 0 : i32
      %dma_wait3A_172 = tpu.memref_slice %arg2[%dma_wait3A_170, %dma_wait3A_171] : memref<20000x128xf32, #tpu.memory_space<hbm>> -> memref<20000x128xf32, #tpu.memory_space<hbm>>
      tpu.wait_indirect_dma semaphore(%arg20 : memref<!tpu.dma_semaphore, #tpu.memory_space<semaphore_mem>>) src(%dma_wait3A_172 : memref<20000x128xf32, #tpu.memory_space<hbm>>) dst(%dma_wait3A_167 : memref<128x128xf32, #tpu.memory_space<vmem>>)
      "tpu.region"() ({
        %run_scoped3A = tpu.sem_alloc : memref<!tpu.dma_semaphore, #tpu.memory_space<semaphore_mem>>
        %dma_start3A_178 = arith.constant 0 : i32
        %dma_start3A_179 = tpu.memref_slice %arg15[%dma_start3A_178] : memref<128xi32, #tpu.memory_space<vmem>> -> memref<128xi32, #tpu.memory_space<vmem>>
        %dma_start3A_180 = tpu.memref_slice %arg5[%multiple_of3A_150] : memref<160000xi32, #tpu.memory_space<hbm>> -> memref<128xi32, #tpu.memory_space<hbm>>
        %dma_start3A_181 = arith.constant 0 : i32
        %dma_start3A_182 = tpu.memref_slice %arg15[%dma_start3A_181] : memref<128xi32, #tpu.memory_space<vmem>> -> memref<128xi32, #tpu.memory_space<vmem>>
        %dma_start3A_183 = tpu.memref_slice %arg5[%multiple_of3A_150] : memref<160000xi32, #tpu.memory_space<hbm>> -> memref<128xi32, #tpu.memory_space<hbm>>
        tpu.enqueue_dma source(%dma_start3A_183 : memref<128xi32, #tpu.memory_space<hbm>>) target(%dma_start3A_182 : memref<128xi32, #tpu.memory_space<vmem>>) target_semaphore(%run_scoped3A : memref<!tpu.dma_semaphore, #tpu.memory_space<semaphore_mem>>)
        %dma_wait3A_184 = arith.constant 0 : i32
        %dma_wait3A_185 = tpu.memref_slice %arg15[%dma_wait3A_184] : memref<128xi32, #tpu.memory_space<vmem>> -> memref<128xi32, #tpu.memory_space<vmem>>
        %dma_wait3A_186 = tpu.memref_slice %arg5[%multiple_of3A_150] : memref<160000xi32, #tpu.memory_space<hbm>> -> memref<128xi32, #tpu.memory_space<hbm>>
        %dma_wait3A_187 = arith.constant 0 : i32
        %dma_wait3A_188 = tpu.memref_slice %arg15[%dma_wait3A_187] : memref<128xi32, #tpu.memory_space<vmem>> -> memref<128xi32, #tpu.memory_space<vmem>>
        %dma_wait3A_189 = tpu.memref_slice %arg5[%multiple_of3A_150] : memref<160000xi32, #tpu.memory_space<hbm>> -> memref<128xi32, #tpu.memory_space<hbm>>
        tpu.wait_dma2 semaphore(%run_scoped3A : memref<!tpu.dma_semaphore, #tpu.memory_space<semaphore_mem>>) src(%dma_wait3A_189 : memref<128xi32, #tpu.memory_space<hbm>>) dst(%dma_wait3A_188 : memref<128xi32, #tpu.memory_space<vmem>>)
        tpu.yield
      }) : () -> ()
      "tpu.region"() ({
        %run_scoped3A = tpu.sem_alloc : memref<!tpu.dma_semaphore, #tpu.memory_space<semaphore_mem>>
        %dma_start3A_178 = arith.constant 0 : i32
        %dma_start3A_179 = arith.constant 0 : i32
        %dma_start3A_180 = tpu.memref_slice %arg16[%dma_start3A_178, %dma_start3A_179] : memref<128x128xf32, #tpu.memory_space<vmem>> -> memref<128x128xf32, #tpu.memory_space<vmem>>
        %dma_start3A_181 = arith.constant 0 : i32
        %dma_start3A_182 = tpu.memref_slice %arg15[%dma_start3A_181] : memref<128xi32, #tpu.memory_space<vmem>> -> memref<128xi32, #tpu.memory_space<vmem>>
        %dma_start3A_183 = arith.constant 0 : i32
        %dma_start3A_184 = arith.constant 0 : i32
        %dma_start3A_185 = tpu.memref_slice %arg18[%dma_start3A_183, %dma_start3A_184] : memref<10000x128xf32, #tpu.memory_space<vmem_shared>> -> memref<10000x128xf32, #tpu.memory_space<vmem_shared>>
        tpu.enqueue_indirect_dma source(%dma_start3A_180 : memref<128x128xf32, #tpu.memory_space<vmem>>) target(%dma_start3A_185 : memref<10000x128xf32, #tpu.memory_space<vmem_shared>>) offsets(%dma_start3A_182 : memref<128xi32, #tpu.memory_space<vmem>>) semaphore(%run_scoped3A : memref<!tpu.dma_semaphore, #tpu.memory_space<semaphore_mem>>) {add = true}
        %dma_wait3A_186 = arith.constant 0 : i32
        %dma_wait3A_187 = arith.constant 0 : i32
        %dma_wait3A_188 = tpu.memref_slice %arg16[%dma_wait3A_186, %dma_wait3A_187] : memref<128x128xf32, #tpu.memory_space<vmem>> -> memref<128x128xf32, #tpu.memory_space<vmem>>
        %dma_wait3A_189 = arith.constant 0 : i32
        %dma_wait3A_190 = tpu.memref_slice %arg15[%dma_wait3A_189] : memref<128xi32, #tpu.memory_space<vmem>> -> memref<128xi32, #tpu.memory_space<vmem>>
        %dma_wait3A_191 = arith.constant 0 : i32
        %dma_wait3A_192 = arith.constant 0 : i32
        %dma_wait3A_193 = tpu.memref_slice %arg18[%dma_wait3A_191, %dma_wait3A_192] : memref<10000x128xf32, #tpu.memory_space<vmem_shared>> -> memref<10000x128xf32, #tpu.memory_space<vmem_shared>>
        tpu.wait_indirect_dma semaphore(%run_scoped3A : memref<!tpu.dma_semaphore, #tpu.memory_space<semaphore_mem>>) src(%dma_wait3A_188 : memref<128x128xf32, #tpu.memory_space<vmem>>) dst(%dma_wait3A_193 : memref<10000x128xf32, #tpu.memory_space<vmem_shared>>)
        tpu.yield
      }) : () -> ()
      %eq3A_173 = arith.constant 0 : i32
      %eq3A_174 = arith.cmpi eq, %arg0, %eq3A_173 : i32
      %convert_element_type3A_175 = arith.extui %eq3A_174 : i1 to i32
      %cond3A_176 = arith.constant 0 : i32
      %cond3A_177 = arith.cmpi ne, %convert_element_type3A_175, %cond3A_176 : i32
      scf.if %cond3A_177 {
        "tpu.region"() ({
          %run_scoped3A = tpu.sem_alloc : memref<!tpu.dma_semaphore, #tpu.memory_space<semaphore_mem>>
          %dma_start3A_178 = arith.constant 0 : i32
          %dma_start3A_179 = tpu.memref_slice %arg17[%dma_start3A_178] : memref<128xf32, #tpu.memory_space<vmem>> -> memref<128xf32, #tpu.memory_space<vmem>>
          %dma_start3A_180 = arith.constant 0 : i32
          %dma_start3A_181 = tpu.memref_slice %arg15[%dma_start3A_180] : memref<128xi32, #tpu.memory_space<vmem>> -> memref<128xi32, #tpu.memory_space<vmem>>
          %dma_start3A_182 = arith.constant 0 : i32
          %dma_start3A_183 = tpu.memref_slice %arg19[%dma_start3A_182] : memref<10000xf32, #tpu.memory_space<vmem_shared>> -> memref<10000xf32, #tpu.memory_space<vmem_shared>>
          tpu.enqueue_indirect_dma source(%dma_start3A_179 : memref<128xf32, #tpu.memory_space<vmem>>) target(%dma_start3A_183 : memref<10000xf32, #tpu.memory_space<vmem_shared>>) offsets(%dma_start3A_181 : memref<128xi32, #tpu.memory_space<vmem>>) semaphore(%run_scoped3A : memref<!tpu.dma_semaphore, #tpu.memory_space<semaphore_mem>>) {add = true}
          %dma_wait3A_184 = arith.constant 0 : i32
          %dma_wait3A_185 = tpu.memref_slice %arg17[%dma_wait3A_184] : memref<128xf32, #tpu.memory_space<vmem>> -> memref<128xf32, #tpu.memory_space<vmem>>
          %dma_wait3A_186 = arith.constant 0 : i32
          %dma_wait3A_187 = tpu.memref_slice %arg15[%dma_wait3A_186] : memref<128xi32, #tpu.memory_space<vmem>> -> memref<128xi32, #tpu.memory_space<vmem>>
          %dma_wait3A_188 = arith.constant 0 : i32
          %dma_wait3A_189 = tpu.memref_slice %arg19[%dma_wait3A_188] : memref<10000xf32, #tpu.memory_space<vmem_shared>> -> memref<10000xf32, #tpu.memory_space<vmem_shared>>
          tpu.wait_indirect_dma semaphore(%run_scoped3A : memref<!tpu.dma_semaphore, #tpu.memory_space<semaphore_mem>>) src(%dma_wait3A_185 : memref<128xf32, #tpu.memory_space<vmem>>) dst(%dma_wait3A_189 : memref<10000xf32, #tpu.memory_space<vmem_shared>>)
          tpu.yield
        }) : () -> ()
      } else {
      }
    }
    %scan3A_21 = arith.constant 78 : i32
    %add3A = arith.constant 9984 : i32
    %add3A_22 = arith.addi %mul3A_2, %add3A : i32
    %multiple_of3A = tpu.assume_multiple %add3A_22, 8 : i32
    "tpu.region"() ({
      %run_scoped3A = tpu.sem_alloc : memref<!tpu.dma_semaphore, #tpu.memory_space<semaphore_mem>>
      %dma_start3A_146 = arith.constant 0 : i32
      %dma_start3A_147 = tpu.memref_slice %arg14[%dma_start3A_146] : memref<128xi32, #tpu.memory_space<vmem>> -> memref<16xi32, #tpu.memory_space<vmem>>
      %dma_start3A_148 = tpu.memref_slice %arg4[%multiple_of3A] : memref<160000xi32, #tpu.memory_space<hbm>> -> memref<16xi32, #tpu.memory_space<hbm>>
      %dma_start3A_149 = arith.constant 0 : i32
      %dma_start3A_150 = tpu.memref_slice %arg14[%dma_start3A_149] : memref<128xi32, #tpu.memory_space<vmem>> -> memref<16xi32, #tpu.memory_space<vmem>>
      %dma_start3A_151 = tpu.memref_slice %arg4[%multiple_of3A] : memref<160000xi32, #tpu.memory_space<hbm>> -> memref<16xi32, #tpu.memory_space<hbm>>
      tpu.enqueue_dma source(%dma_start3A_151 : memref<16xi32, #tpu.memory_space<hbm>>) target(%dma_start3A_150 : memref<16xi32, #tpu.memory_space<vmem>>) target_semaphore(%run_scoped3A : memref<!tpu.dma_semaphore, #tpu.memory_space<semaphore_mem>>)
      %dma_wait3A_152 = arith.constant 0 : i32
      %dma_wait3A_153 = tpu.memref_slice %arg14[%dma_wait3A_152] : memref<128xi32, #tpu.memory_space<vmem>> -> memref<16xi32, #tpu.memory_space<vmem>>
      %dma_wait3A_154 = tpu.memref_slice %arg4[%multiple_of3A] : memref<160000xi32, #tpu.memory_space<hbm>> -> memref<16xi32, #tpu.memory_space<hbm>>
      %dma_wait3A_155 = arith.constant 0 : i32
      %dma_wait3A_156 = tpu.memref_slice %arg14[%dma_wait3A_155] : memref<128xi32, #tpu.memory_space<vmem>> -> memref<16xi32, #tpu.memory_space<vmem>>
      %dma_wait3A_157 = tpu.memref_slice %arg4[%multiple_of3A] : memref<160000xi32, #tpu.memory_space<hbm>> -> memref<16xi32, #tpu.memory_space<hbm>>
      tpu.wait_dma2 semaphore(%run_scoped3A : memref<!tpu.dma_semaphore, #tpu.memory_space<semaphore_mem>>) src(%dma_wait3A_157 : memref<16xi32, #tpu.memory_space<hbm>>) dst(%dma_wait3A_156 : memref<16xi32, #tpu.memory_space<vmem>>)
      tpu.yield
    }) : () -> ()
    %scan3A_23 = arith.constant 0 : i32
    %scan3A_24 = arith.constant 0 : i32
    %mul3A_25 = arith.constant 16 : i32
    %mul3A_26 = arith.muli %scan3A_24, %mul3A_25 : i32
    %get3A = arith.index_cast %mul3A_26 : i32 to index
    %get3A_27 = tpu.vector_load %arg14[%get3A] {strides = array<i32>} : memref<128xi32, #tpu.memory_space<vmem>>, vector<16xi32>,
    %get3A_28 = vector.shape_cast %get3A_27 : vector<16xi32> to vector<16xi32>
    %add3A_29 = vector.broadcast %mul3A_0 : i32 to vector<16xi32>
    %add3A_30 = arith.addi %get3A_28, %add3A_29 : vector<16xi32>
    %mul3A_31 = arith.constant 16 : i32
    %mul3A_32 = arith.muli %scan3A_24, %mul3A_31 : i32
    %swap3A = arith.index_cast %mul3A_32 : i32 to index
    %swap3A_33 = tpu.vector_load %arg14[%swap3A] {strides = array<i32>} : memref<128xi32, #tpu.memory_space<vmem>>, vector<16xi32>,
    %swap3A_34 = vector.shape_cast %swap3A_33 : vector<16xi32> to vector<16xi32>
    %swap3A_35 = vector.shape_cast %add3A_30 : vector<16xi32> to vector<16xi32>
    tpu.vector_store %arg14[%swap3A], %swap3A_35 {strides = array<i32>} : memref<128xi32, #tpu.memory_space<vmem>>, vector<16xi32>,
    %scan3A_36 = arith.constant 1 : i32
    %dma_start3A = arith.constant 0 : i32
    %dma_start3A_37 = arith.constant 0 : i32
    %dma_start3A_38 = tpu.memref_slice %arg16[%dma_start3A, %dma_start3A_37] : memref<128x128xf32, #tpu.memory_space<vmem>> -> memref<16x128xf32, #tpu.memory_space<vmem>>
    %dma_start3A_39 = arith.constant 0 : i32
    %dma_start3A_40 = tpu.memref_slice %arg14[%dma_start3A_39] : memref<128xi32, #tpu.memory_space<vmem>> -> memref<16xi32, #tpu.memory_space<vmem>>
    %dma_start3A_41 = arith.constant 0 : i32
    %dma_start3A_42 = arith.constant 0 : i32
    %dma_start3A_43 = tpu.memref_slice %arg2[%dma_start3A_41, %dma_start3A_42] : memref<20000x128xf32, #tpu.memory_space<hbm>> -> memref<20000x128xf32, #tpu.memory_space<hbm>>
    tpu.enqueue_indirect_dma source(%dma_start3A_43 : memref<20000x128xf32, #tpu.memory_space<hbm>>) target(%dma_start3A_38 : memref<16x128xf32, #tpu.memory_space<vmem>>) offsets(%dma_start3A_40 : memref<16xi32, #tpu.memory_space<vmem>>) semaphore(%arg20 : memref<!tpu.dma_semaphore, #tpu.memory_space<semaphore_mem>>)
    %dma_wait3A = arith.constant 0 : i32
    %dma_wait3A_44 = arith.constant 0 : i32
    %dma_wait3A_45 = tpu.memref_slice %arg16[%dma_wait3A, %dma_wait3A_44] : memref<128x128xf32, #tpu.memory_space<vmem>> -> memref<16x128xf32, #tpu.memory_space<vmem>>
    %dma_wait3A_46 = arith.constant 0 : i32
    %dma_wait3A_47 = tpu.memref_slice %arg14[%dma_wait3A_46] : memref<128xi32, #tpu.memory_space<vmem>> -> memref<16xi32, #tpu.memory_space<vmem>>
    %dma_wait3A_48 = arith.constant 0 : i32
    %dma_wait3A_49 = arith.constant 0 : i32
    %dma_wait3A_50 = tpu.memref_slice %arg2[%dma_wait3A_48, %dma_wait3A_49] : memref<20000x128xf32, #tpu.memory_space<hbm>> -> memref<20000x128xf32, #tpu.memory_space<hbm>>
    tpu.wait_indirect_dma semaphore(%arg20 : memref<!tpu.dma_semaphore, #tpu.memory_space<semaphore_mem>>) src(%dma_wait3A_50 : memref<20000x128xf32, #tpu.memory_space<hbm>>) dst(%dma_wait3A_45 : memref<16x128xf32, #tpu.memory_space<vmem>>)
    "tpu.region"() ({
      %run_scoped3A = tpu.sem_alloc : memref<!tpu.dma_semaphore, #tpu.memory_space<semaphore_mem>>
      %dma_start3A_146 = arith.constant 0 : i32
      %dma_start3A_147 = tpu.memref_slice %arg15[%dma_start3A_146] : memref<128xi32, #tpu.memory_space<vmem>> -> memref<16xi32, #tpu.memory_space<vmem>>
      %dma_start3A_148 = tpu.memref_slice %arg5[%multiple_of3A] : memref<160000xi32, #tpu.memory_space<hbm>> -> memref<16xi32, #tpu.memory_space<hbm>>
      %dma_start3A_149 = arith.constant 0 : i32
      %dma_start3A_150 = tpu.memref_slice %arg15[%dma_start3A_149] : memref<128xi32, #tpu.memory_space<vmem>> -> memref<16xi32, #tpu.memory_space<vmem>>
      %dma_start3A_151 = tpu.memref_slice %arg5[%multiple_of3A] : memref<160000xi32, #tpu.memory_space<hbm>> -> memref<16xi32, #tpu.memory_space<hbm>>
      tpu.enqueue_dma source(%dma_start3A_151 : memref<16xi32, #tpu.memory_space<hbm>>) target(%dma_start3A_150 : memref<16xi32, #tpu.memory_space<vmem>>) target_semaphore(%run_scoped3A : memref<!tpu.dma_semaphore, #tpu.memory_space<semaphore_mem>>)
      %dma_wait3A_152 = arith.constant 0 : i32
      %dma_wait3A_153 = tpu.memref_slice %arg15[%dma_wait3A_152] : memref<128xi32, #tpu.memory_space<vmem>> -> memref<16xi32, #tpu.memory_space<vmem>>
      %dma_wait3A_154 = tpu.memref_slice %arg5[%multiple_of3A] : memref<160000xi32, #tpu.memory_space<hbm>> -> memref<16xi32, #tpu.memory_space<hbm>>
      %dma_wait3A_155 = arith.constant 0 : i32
      %dma_wait3A_156 = tpu.memref_slice %arg15[%dma_wait3A_155] : memref<128xi32, #tpu.memory_space<vmem>> -> memref<16xi32, #tpu.memory_space<vmem>>
      %dma_wait3A_157 = tpu.memref_slice %arg5[%multiple_of3A] : memref<160000xi32, #tpu.memory_space<hbm>> -> memref<16xi32, #tpu.memory_space<hbm>>
      tpu.wait_dma2 semaphore(%run_scoped3A : memref<!tpu.dma_semaphore, #tpu.memory_space<semaphore_mem>>) src(%dma_wait3A_157 : memref<16xi32, #tpu.memory_space<hbm>>) dst(%dma_wait3A_156 : memref<16xi32, #tpu.memory_space<vmem>>)
      tpu.yield
    }) : () -> ()
    "tpu.region"() ({
      %run_scoped3A = tpu.sem_alloc : memref<!tpu.dma_semaphore, #tpu.memory_space<semaphore_mem>>
      %dma_start3A_146 = arith.constant 0 : i32
      %dma_start3A_147 = arith.constant 0 : i32
      %dma_start3A_148 = tpu.memref_slice %arg16[%dma_start3A_146, %dma_start3A_147] : memref<128x128xf32, #tpu.memory_space<vmem>> -> memref<16x128xf32, #tpu.memory_space<vmem>>
      %dma_start3A_149 = arith.constant 0 : i32
      %dma_start3A_150 = tpu.memref_slice %arg15[%dma_start3A_149] : memref<128xi32, #tpu.memory_space<vmem>> -> memref<16xi32, #tpu.memory_space<vmem>>
      %dma_start3A_151 = arith.constant 0 : i32
      %dma_start3A_152 = arith.constant 0 : i32
      %dma_start3A_153 = tpu.memref_slice %arg18[%dma_start3A_151, %dma_start3A_152] : memref<10000x128xf32, #tpu.memory_space<vmem_shared>> -> memref<10000x128xf32, #tpu.memory_space<vmem_shared>>
      tpu.enqueue_indirect_dma source(%dma_start3A_148 : memref<16x128xf32, #tpu.memory_space<vmem>>) target(%dma_start3A_153 : memref<10000x128xf32, #tpu.memory_space<vmem_shared>>) offsets(%dma_start3A_150 : memref<16xi32, #tpu.memory_space<vmem>>) semaphore(%run_scoped3A : memref<!tpu.dma_semaphore, #tpu.memory_space<semaphore_mem>>) {add = true}
      %dma_wait3A_154 = arith.constant 0 : i32
      %dma_wait3A_155 = arith.constant 0 : i32
      %dma_wait3A_156 = tpu.memref_slice %arg16[%dma_wait3A_154, %dma_wait3A_155] : memref<128x128xf32, #tpu.memory_space<vmem>> -> memref<16x128xf32, #tpu.memory_space<vmem>>
      %dma_wait3A_157 = arith.constant 0 : i32
      %dma_wait3A_158 = tpu.memref_slice %arg15[%dma_wait3A_157] : memref<128xi32, #tpu.memory_space<vmem>> -> memref<16xi32, #tpu.memory_space<vmem>>
      %dma_wait3A_159 = arith.constant 0 : i32
      %dma_wait3A_160 = arith.constant 0 : i32
      %dma_wait3A_161 = tpu.memref_slice %arg18[%dma_wait3A_159, %dma_wait3A_160] : memref<10000x128xf32, #tpu.memory_space<vmem_shared>> -> memref<10000x128xf32, #tpu.memory_space<vmem_shared>>
      tpu.wait_indirect_dma semaphore(%run_scoped3A : memref<!tpu.dma_semaphore, #tpu.memory_space<semaphore_mem>>) src(%dma_wait3A_156 : memref<16x128xf32, #tpu.memory_space<vmem>>) dst(%dma_wait3A_161 : memref<10000x128xf32, #tpu.memory_space<vmem_shared>>)
      tpu.yield
    }) : () -> ()
    %eq3A_51 = arith.constant 0 : i32
    %eq3A_52 = arith.cmpi eq, %arg0, %eq3A_51 : i32
    %convert_element_type3A_53 = arith.extui %eq3A_52 : i1 to i32
    %cond3A_54 = arith.constant 0 : i32
    %cond3A_55 = arith.cmpi ne, %convert_element_type3A_53, %cond3A_54 : i32
    scf.if %cond3A_55 {
      "tpu.region"() ({
        %run_scoped3A = tpu.sem_alloc : memref<!tpu.dma_semaphore, #tpu.memory_space<semaphore_mem>>
        %dma_start3A_146 = arith.constant 0 : i32
        %dma_start3A_147 = tpu.memref_slice %arg17[%dma_start3A_146] : memref<128xf32, #tpu.memory_space<vmem>> -> memref<16xf32, #tpu.memory_space<vmem>>
        %dma_start3A_148 = arith.constant 0 : i32
        %dma_start3A_149 = tpu.memref_slice %arg15[%dma_start3A_148] : memref<128xi32, #tpu.memory_space<vmem>> -> memref<16xi32, #tpu.memory_space<vmem>>
        %dma_start3A_150 = arith.constant 0 : i32
        %dma_start3A_151 = tpu.memref_slice %arg19[%dma_start3A_150] : memref<10000xf32, #tpu.memory_space<vmem_shared>> -> memref<10000xf32, #tpu.memory_space<vmem_shared>>
        tpu.enqueue_indirect_dma source(%dma_start3A_147 : memref<16xf32, #tpu.memory_space<vmem>>) target(%dma_start3A_151 : memref<10000xf32, #tpu.memory_space<vmem_shared>>) offsets(%dma_start3A_149 : memref<16xi32, #tpu.memory_space<vmem>>) semaphore(%run_scoped3A : memref<!tpu.dma_semaphore, #tpu.memory_space<semaphore_mem>>) {add = true}
        %dma_wait3A_152 = arith.constant 0 : i32
        %dma_wait3A_153 = tpu.memref_slice %arg17[%dma_wait3A_152] : memref<128xf32, #tpu.memory_space<vmem>> -> memref<16xf32, #tpu.memory_space<vmem>>
        %dma_wait3A_154 = arith.constant 0 : i32
        %dma_wait3A_155 = tpu.memref_slice %arg15[%dma_wait3A_154] : memref<128xi32, #tpu.memory_space<vmem>> -> memref<16xi32, #tpu.memory_space<vmem>>
        %dma_wait3A_156 = arith.constant 0 : i32
        %dma_wait3A_157 = tpu.memref_slice %arg19[%dma_wait3A_156] : memref<10000xf32, #tpu.memory_space<vmem_shared>> -> memref<10000xf32, #tpu.memory_space<vmem_shared>>
        tpu.wait_indirect_dma semaphore(%run_scoped3A : memref<!tpu.dma_semaphore, #tpu.memory_space<semaphore_mem>>) src(%dma_wait3A_153 : memref<16xf32, #tpu.memory_space<vmem>>) dst(%dma_wait3A_157 : memref<10000xf32, #tpu.memory_space<vmem_shared>>)
        tpu.yield
      }) : () -> ()
    } else {
    }
    %barrier3A_56 = arith.constant 0 : index
    tpu.barrier barrier_id(%barrier3A_56)
    %lt3A_57 = arith.constant 10 : i32
    %lt3A_58 = arith.cmpi slt, %arg1, %lt3A_57 : i32
    %convert_element_type3A_59 = arith.extui %lt3A_58 : i1 to i32
    %cond3A_60 = arith.constant 0 : i32
    %cond3A_61 = arith.cmpi ne, %convert_element_type3A_59, %cond3A_60 : i32
    scf.if %cond3A_61 {
      %mul3A_146 = arith.constant 1000 : i32
      %mul3A_147 = arith.muli %arg1, %mul3A_146 : i32
      %mul3A_148 = arith.constant 1000 : i32
      %mul3A_149 = arith.muli %arg1, %mul3A_148 : i32
      %add3A_150 = arith.addi %mul3A_0, %mul3A_149 : i32
      "tpu.region"() ({
        %run_scoped3A = tpu.sem_alloc : memref<!tpu.dma_semaphore, #tpu.memory_space<semaphore_mem>>
        %dma_start3A_151 = arith.constant 0 : i32
        %dma_start3A_152 = tpu.memref_slice %arg10[%add3A_150, %dma_start3A_151] : memref<20000x128xf32, #tpu.memory_space<hbm>> -> memref<1000x128xf32, #tpu.memory_space<hbm>>
        %dma_start3A_153 = arith.constant 0 : i32
        %dma_start3A_154 = tpu.memref_slice %arg18[%mul3A_147, %dma_start3A_153] : memref<10000x128xf32, #tpu.memory_space<vmem_shared>> -> memref<1000x128xf32, #tpu.memory_space<vmem_shared>>
        tpu.enqueue_dma source(%dma_start3A_154 : memref<1000x128xf32, #tpu.memory_space<vmem_shared>>) target(%dma_start3A_152 : memref<1000x128xf32, #tpu.memory_space<hbm>>) target_semaphore(%run_scoped3A : memref<!tpu.dma_semaphore, #tpu.memory_space<semaphore_mem>>)
        %dma_wait3A_155 = arith.constant 0 : i32
        %dma_wait3A_156 = tpu.memref_slice %arg10[%add3A_150, %dma_wait3A_155] : memref<20000x128xf32, #tpu.memory_space<hbm>> -> memref<1000x128xf32, #tpu.memory_space<hbm>>
        %dma_wait3A_157 = arith.constant 0 : i32
        %dma_wait3A_158 = tpu.memref_slice %arg18[%mul3A_147, %dma_wait3A_157] : memref<10000x128xf32, #tpu.memory_space<vmem_shared>> -> memref<1000x128xf32, #tpu.memory_space<vmem_shared>>
        tpu.wait_dma2 semaphore(%run_scoped3A : memref<!tpu.dma_semaphore, #tpu.memory_space<semaphore_mem>>) src(%dma_wait3A_158 : memref<1000x128xf32, #tpu.memory_space<vmem_shared>>) dst(%dma_wait3A_156 : memref<1000x128xf32, #tpu.memory_space<hbm>>)
        tpu.yield
      }) : () -> ()
    } else {
    }
    %eq3A_62 = arith.constant 0 : i32
    %eq3A_63 = arith.cmpi eq, %arg0, %eq3A_62 : i32
    %eq3A_64 = arith.constant 0 : i32
    %eq3A_65 = arith.cmpi eq, %arg1, %eq3A_64 : i32
    %and3A_66 = arith.andi %eq3A_63, %eq3A_65 : i1
    %convert_element_type3A_67 = arith.extui %and3A_66 : i1 to i32
    %cond3A_68 = arith.constant 0 : i32
    %cond3A_69 = arith.cmpi ne, %convert_element_type3A_67, %cond3A_68 : i32
    scf.if %cond3A_69 {
      "tpu.region"() ({
        %run_scoped3A = tpu.sem_alloc : memref<!tpu.dma_semaphore, #tpu.memory_space<semaphore_mem>>
        tpu.enqueue_dma source(%arg19 : memref<10000xf32, #tpu.memory_space<vmem_shared>>) target(%arg12 : memref<10000xf32, #tpu.memory_space<hbm>>) target_semaphore(%run_scoped3A : memref<!tpu.dma_semaphore, #tpu.memory_space<semaphore_mem>>)
        tpu.wait_dma2 semaphore(%run_scoped3A : memref<!tpu.dma_semaphore, #tpu.memory_space<semaphore_mem>>) src(%arg19 : memref<10000xf32, #tpu.memory_space<vmem_shared>>) dst(%arg12 : memref<10000xf32, #tpu.memory_space<hbm>>)
        tpu.yield
      }) : () -> ()
    } else {
    }
    %barrier3A_70 = arith.constant 0 : index
    tpu.barrier barrier_id(%barrier3A_70)
    %lt3A_71 = arith.constant 10 : i32
    %lt3A_72 = arith.cmpi slt, %arg1, %lt3A_71 : i32
    %convert_element_type3A_73 = arith.extui %lt3A_72 : i1 to i32
    %cond3A_74 = arith.constant 0 : i32
    %cond3A_75 = arith.cmpi ne, %convert_element_type3A_73, %cond3A_74 : i32
    scf.if %cond3A_75 {
      %mul3A_146 = arith.constant 1000 : i32
      %mul3A_147 = arith.muli %arg1, %mul3A_146 : i32
      "tpu.region"() ({
        %run_scoped3A = tpu.sem_alloc : memref<!tpu.dma_semaphore, #tpu.memory_space<semaphore_mem>>
        %dma_start3A_148 = arith.constant 0 : i32
        %dma_start3A_149 = tpu.memref_slice %arg18[%mul3A_147, %dma_start3A_148] : memref<10000x128xf32, #tpu.memory_space<vmem_shared>> -> memref<1000x128xf32, #tpu.memory_space<vmem_shared>>
        tpu.enqueue_dma source(%arg8 : memref<1000x128xf32, #tpu.memory_space<hbm>>) target(%dma_start3A_149 : memref<1000x128xf32, #tpu.memory_space<vmem_shared>>) target_semaphore(%run_scoped3A : memref<!tpu.dma_semaphore, #tpu.memory_space<semaphore_mem>>)
        %dma_wait3A_150 = arith.constant 0 : i32
        %dma_wait3A_151 = tpu.memref_slice %arg18[%mul3A_147, %dma_wait3A_150] : memref<10000x128xf32, #tpu.memory_space<vmem_shared>> -> memref<1000x128xf32, #tpu.memory_space<vmem_shared>>
        tpu.wait_dma2 semaphore(%run_scoped3A : memref<!tpu.dma_semaphore, #tpu.memory_space<semaphore_mem>>) src(%arg8 : memref<1000x128xf32, #tpu.memory_space<hbm>>) dst(%dma_wait3A_151 : memref<1000x128xf32, #tpu.memory_space<vmem_shared>>)
        tpu.yield
      }) : () -> ()
    } else {
    }
    %eq3A_76 = arith.constant 1 : i32
    %eq3A_77 = arith.cmpi eq, %arg0, %eq3A_76 : i32
    %eq3A_78 = arith.constant 0 : i32
    %eq3A_79 = arith.cmpi eq, %arg1, %eq3A_78 : i32
    %and3A_80 = arith.andi %eq3A_77, %eq3A_79 : i1
    %convert_element_type3A_81 = arith.extui %and3A_80 : i1 to i32
    %cond3A_82 = arith.constant 0 : i32
    %cond3A_83 = arith.cmpi ne, %convert_element_type3A_81, %cond3A_82 : i32
    scf.if %cond3A_83 {
      "tpu.region"() ({
        %run_scoped3A = tpu.sem_alloc : memref<!tpu.dma_semaphore, #tpu.memory_space<semaphore_mem>>
        tpu.enqueue_dma source(%arg9 : memref<10000xf32, #tpu.memory_space<hbm>>) target(%arg19 : memref<10000xf32, #tpu.memory_space<vmem_shared>>) target_semaphore(%run_scoped3A : memref<!tpu.dma_semaphore, #tpu.memory_space<semaphore_mem>>)
        tpu.wait_dma2 semaphore(%run_scoped3A : memref<!tpu.dma_semaphore, #tpu.memory_space<semaphore_mem>>) src(%arg9 : memref<10000xf32, #tpu.memory_space<hbm>>) dst(%arg19 : memref<10000xf32, #tpu.memory_space<vmem_shared>>)
        tpu.yield
      }) : () -> ()
    } else {
    }
    %barrier3A_84 = arith.constant 0 : index
    tpu.barrier barrier_id(%barrier3A_84)
    %scan3A_85 = arith.constant 0 : i32
    %scan3A_86 = arith.constant 0 : i32
    %scan3A_87 = arith.constant 78 : i32
    %scan3A_88 = arith.addi %scan3A_86, %scan3A_87 : i32
    %scan3A_89 = arith.constant 1 : i32
    scf.for %scan3A_146 = %scan3A_86 to %scan3A_88 step %scan3A_89  : i32 {
      %mul3A_147 = arith.constant 128 : i32
      %mul3A_148 = arith.muli %scan3A_146, %mul3A_147 : i32
      %add3A_149 = arith.addi %mul3A_2, %mul3A_148 : i32
      %multiple_of3A_150 = tpu.assume_multiple %add3A_149, 8 : i32
      "tpu.region"() ({
        %run_scoped3A = tpu.sem_alloc : memref<!tpu.dma_semaphore, #tpu.memory_space<semaphore_mem>>
        %dma_start3A_178 = arith.constant 0 : i32
        %dma_start3A_179 = tpu.memref_slice %arg14[%dma_start3A_178] : memref<128xi32, #tpu.memory_space<vmem>> -> memref<128xi32, #tpu.memory_space<vmem>>
        %dma_start3A_180 = tpu.memref_slice %arg6[%multiple_of3A_150] : memref<160000xi32, #tpu.memory_space<hbm>> -> memref<128xi32, #tpu.memory_space<hbm>>
        %dma_start3A_181 = arith.constant 0 : i32
        %dma_start3A_182 = tpu.memref_slice %arg14[%dma_start3A_181] : memref<128xi32, #tpu.memory_space<vmem>> -> memref<128xi32, #tpu.memory_space<vmem>>
        %dma_start3A_183 = tpu.memref_slice %arg6[%multiple_of3A_150] : memref<160000xi32, #tpu.memory_space<hbm>> -> memref<128xi32, #tpu.memory_space<hbm>>
        tpu.enqueue_dma source(%dma_start3A_183 : memref<128xi32, #tpu.memory_space<hbm>>) target(%dma_start3A_182 : memref<128xi32, #tpu.memory_space<vmem>>) target_semaphore(%run_scoped3A : memref<!tpu.dma_semaphore, #tpu.memory_space<semaphore_mem>>)
        %dma_wait3A_184 = arith.constant 0 : i32
        %dma_wait3A_185 = tpu.memref_slice %arg14[%dma_wait3A_184] : memref<128xi32, #tpu.memory_space<vmem>> -> memref<128xi32, #tpu.memory_space<vmem>>
        %dma_wait3A_186 = tpu.memref_slice %arg6[%multiple_of3A_150] : memref<160000xi32, #tpu.memory_space<hbm>> -> memref<128xi32, #tpu.memory_space<hbm>>
        %dma_wait3A_187 = arith.constant 0 : i32
        %dma_wait3A_188 = tpu.memref_slice %arg14[%dma_wait3A_187] : memref<128xi32, #tpu.memory_space<vmem>> -> memref<128xi32, #tpu.memory_space<vmem>>
        %dma_wait3A_189 = tpu.memref_slice %arg6[%multiple_of3A_150] : memref<160000xi32, #tpu.memory_space<hbm>> -> memref<128xi32, #tpu.memory_space<hbm>>
        tpu.wait_dma2 semaphore(%run_scoped3A : memref<!tpu.dma_semaphore, #tpu.memory_space<semaphore_mem>>) src(%dma_wait3A_189 : memref<128xi32, #tpu.memory_space<hbm>>) dst(%dma_wait3A_188 : memref<128xi32, #tpu.memory_space<vmem>>)
        tpu.yield
      }) : () -> ()
      %scan3A_151 = arith.constant 0 : i32
      %scan3A_152 = arith.constant 0 : i32
      %scan3A_153 = arith.constant 8 : i32
      %scan3A_154 = arith.addi %scan3A_152, %scan3A_153 : i32
      %scan3A_155 = arith.constant 1 : i32
      scf.for %scan3A_178 = %scan3A_152 to %scan3A_154 step %scan3A_155  : i32 {
        %mul3A_179 = arith.constant 16 : i32
        %mul3A_180 = arith.muli %scan3A_178, %mul3A_179 : i32
        %get3A_181 = arith.index_cast %mul3A_180 : i32 to index
        %get3A_182 = tpu.vector_load %arg14[%get3A_181] {strides = array<i32>} : memref<128xi32, #tpu.memory_space<vmem>>, vector<16xi32>,
        %get3A_183 = vector.shape_cast %get3A_182 : vector<16xi32> to vector<16xi32>
        %add3A_184 = vector.broadcast %mul3A_0 : i32 to vector<16xi32>
        %add3A_185 = arith.addi %get3A_183, %add3A_184 : vector<16xi32>
        %mul3A_186 = arith.constant 16 : i32
        %mul3A_187 = arith.muli %scan3A_178, %mul3A_186 : i32
        %swap3A_188 = arith.index_cast %mul3A_187 : i32 to index
        %swap3A_189 = tpu.vector_load %arg14[%swap3A_188] {strides = array<i32>} : memref<128xi32, #tpu.memory_space<vmem>>, vector<16xi32>,
        %swap3A_190 = vector.shape_cast %swap3A_189 : vector<16xi32> to vector<16xi32>
        %swap3A_191 = vector.shape_cast %add3A_185 : vector<16xi32> to vector<16xi32>
        tpu.vector_store %arg14[%swap3A_188], %swap3A_191 {strides = array<i32>} : memref<128xi32, #tpu.memory_space<vmem>>, vector<16xi32>,
      }
      %scan3A_156 = arith.constant 8 : i32
      %dma_start3A_157 = arith.constant 0 : i32
      %dma_start3A_158 = arith.constant 0 : i32
      %dma_start3A_159 = tpu.memref_slice %arg16[%dma_start3A_157, %dma_start3A_158] : memref<128x128xf32, #tpu.memory_space<vmem>> -> memref<128x128xf32, #tpu.memory_space<vmem>>
      %dma_start3A_160 = arith.constant 0 : i32
      %dma_start3A_161 = tpu.memref_slice %arg14[%dma_start3A_160] : memref<128xi32, #tpu.memory_space<vmem>> -> memref<128xi32, #tpu.memory_space<vmem>>
      %dma_start3A_162 = arith.constant 0 : i32
      %dma_start3A_163 = arith.constant 0 : i32
      %dma_start3A_164 = tpu.memref_slice %arg3[%dma_start3A_162, %dma_start3A_163] : memref<20000x128xf32, #tpu.memory_space<hbm>> -> memref<20000x128xf32, #tpu.memory_space<hbm>>
      tpu.enqueue_indirect_dma source(%dma_start3A_164 : memref<20000x128xf32, #tpu.memory_space<hbm>>) target(%dma_start3A_159 : memref<128x128xf32, #tpu.memory_space<vmem>>) offsets(%dma_start3A_161 : memref<128xi32, #tpu.memory_space<vmem>>) semaphore(%arg20 : memref<!tpu.dma_semaphore, #tpu.memory_space<semaphore_mem>>)
      %dma_wait3A_165 = arith.constant 0 : i32
      %dma_wait3A_166 = arith.constant 0 : i32
      %dma_wait3A_167 = tpu.memref_slice %arg16[%dma_wait3A_165, %dma_wait3A_166] : memref<128x128xf32, #tpu.memory_space<vmem>> -> memref<128x128xf32, #tpu.memory_space<vmem>>
      %dma_wait3A_168 = arith.constant 0 : i32
      %dma_wait3A_169 = tpu.memref_slice %arg14[%dma_wait3A_168] : memref<128xi32, #tpu.memory_space<vmem>> -> memref<128xi32, #tpu.memory_space<vmem>>
      %dma_wait3A_170 = arith.constant 0 : i32
      %dma_wait3A_171 = arith.constant 0 : i32
      %dma_wait3A_172 = tpu.memref_slice %arg3[%dma_wait3A_170, %dma_wait3A_171] : memref<20000x128xf32, #tpu.memory_space<hbm>> -> memref<20000x128xf32, #tpu.memory_space<hbm>>
      tpu.wait_indirect_dma semaphore(%arg20 : memref<!tpu.dma_semaphore, #tpu.memory_space<semaphore_mem>>) src(%dma_wait3A_172 : memref<20000x128xf32, #tpu.memory_space<hbm>>) dst(%dma_wait3A_167 : memref<128x128xf32, #tpu.memory_space<vmem>>)
      "tpu.region"() ({
        %run_scoped3A = tpu.sem_alloc : memref<!tpu.dma_semaphore, #tpu.memory_space<semaphore_mem>>
        %dma_start3A_178 = arith.constant 0 : i32
        %dma_start3A_179 = tpu.memref_slice %arg15[%dma_start3A_178] : memref<128xi32, #tpu.memory_space<vmem>> -> memref<128xi32, #tpu.memory_space<vmem>>
        %dma_start3A_180 = tpu.memref_slice %arg7[%multiple_of3A_150] : memref<160000xi32, #tpu.memory_space<hbm>> -> memref<128xi32, #tpu.memory_space<hbm>>
        %dma_start3A_181 = arith.constant 0 : i32
        %dma_start3A_182 = tpu.memref_slice %arg15[%dma_start3A_181] : memref<128xi32, #tpu.memory_space<vmem>> -> memref<128xi32, #tpu.memory_space<vmem>>
        %dma_start3A_183 = tpu.memref_slice %arg7[%multiple_of3A_150] : memref<160000xi32, #tpu.memory_space<hbm>> -> memref<128xi32, #tpu.memory_space<hbm>>
        tpu.enqueue_dma source(%dma_start3A_183 : memref<128xi32, #tpu.memory_space<hbm>>) target(%dma_start3A_182 : memref<128xi32, #tpu.memory_space<vmem>>) target_semaphore(%run_scoped3A : memref<!tpu.dma_semaphore, #tpu.memory_space<semaphore_mem>>)
        %dma_wait3A_184 = arith.constant 0 : i32
        %dma_wait3A_185 = tpu.memref_slice %arg15[%dma_wait3A_184] : memref<128xi32, #tpu.memory_space<vmem>> -> memref<128xi32, #tpu.memory_space<vmem>>
        %dma_wait3A_186 = tpu.memref_slice %arg7[%multiple_of3A_150] : memref<160000xi32, #tpu.memory_space<hbm>> -> memref<128xi32, #tpu.memory_space<hbm>>
        %dma_wait3A_187 = arith.constant 0 : i32
        %dma_wait3A_188 = tpu.memref_slice %arg15[%dma_wait3A_187] : memref<128xi32, #tpu.memory_space<vmem>> -> memref<128xi32, #tpu.memory_space<vmem>>
        %dma_wait3A_189 = tpu.memref_slice %arg7[%multiple_of3A_150] : memref<160000xi32, #tpu.memory_space<hbm>> -> memref<128xi32, #tpu.memory_space<hbm>>
        tpu.wait_dma2 semaphore(%run_scoped3A : memref<!tpu.dma_semaphore, #tpu.memory_space<semaphore_mem>>) src(%dma_wait3A_189 : memref<128xi32, #tpu.memory_space<hbm>>) dst(%dma_wait3A_188 : memref<128xi32, #tpu.memory_space<vmem>>)
        tpu.yield
      }) : () -> ()
      "tpu.region"() ({
        %run_scoped3A = tpu.sem_alloc : memref<!tpu.dma_semaphore, #tpu.memory_space<semaphore_mem>>
        %dma_start3A_178 = arith.constant 0 : i32
        %dma_start3A_179 = arith.constant 0 : i32
        %dma_start3A_180 = tpu.memref_slice %arg16[%dma_start3A_178, %dma_start3A_179] : memref<128x128xf32, #tpu.memory_space<vmem>> -> memref<128x128xf32, #tpu.memory_space<vmem>>
        %dma_start3A_181 = arith.constant 0 : i32
        %dma_start3A_182 = tpu.memref_slice %arg15[%dma_start3A_181] : memref<128xi32, #tpu.memory_space<vmem>> -> memref<128xi32, #tpu.memory_space<vmem>>
        %dma_start3A_183 = arith.constant 0 : i32
        %dma_start3A_184 = arith.constant 0 : i32
        %dma_start3A_185 = tpu.memref_slice %arg18[%dma_start3A_183, %dma_start3A_184] : memref<10000x128xf32, #tpu.memory_space<vmem_shared>> -> memref<10000x128xf32, #tpu.memory_space<vmem_shared>>
        tpu.enqueue_indirect_dma source(%dma_start3A_180 : memref<128x128xf32, #tpu.memory_space<vmem>>) target(%dma_start3A_185 : memref<10000x128xf32, #tpu.memory_space<vmem_shared>>) offsets(%dma_start3A_182 : memref<128xi32, #tpu.memory_space<vmem>>) semaphore(%run_scoped3A : memref<!tpu.dma_semaphore, #tpu.memory_space<semaphore_mem>>) {add = true}
        %dma_wait3A_186 = arith.constant 0 : i32
        %dma_wait3A_187 = arith.constant 0 : i32
        %dma_wait3A_188 = tpu.memref_slice %arg16[%dma_wait3A_186, %dma_wait3A_187] : memref<128x128xf32, #tpu.memory_space<vmem>> -> memref<128x128xf32, #tpu.memory_space<vmem>>
        %dma_wait3A_189 = arith.constant 0 : i32
        %dma_wait3A_190 = tpu.memref_slice %arg15[%dma_wait3A_189] : memref<128xi32, #tpu.memory_space<vmem>> -> memref<128xi32, #tpu.memory_space<vmem>>
        %dma_wait3A_191 = arith.constant 0 : i32
        %dma_wait3A_192 = arith.constant 0 : i32
        %dma_wait3A_193 = tpu.memref_slice %arg18[%dma_wait3A_191, %dma_wait3A_192] : memref<10000x128xf32, #tpu.memory_space<vmem_shared>> -> memref<10000x128xf32, #tpu.memory_space<vmem_shared>>
        tpu.wait_indirect_dma semaphore(%run_scoped3A : memref<!tpu.dma_semaphore, #tpu.memory_space<semaphore_mem>>) src(%dma_wait3A_188 : memref<128x128xf32, #tpu.memory_space<vmem>>) dst(%dma_wait3A_193 : memref<10000x128xf32, #tpu.memory_space<vmem_shared>>)
        tpu.yield
      }) : () -> ()
      %eq3A_173 = arith.constant 1 : i32
      %eq3A_174 = arith.cmpi eq, %arg0, %eq3A_173 : i32
      %convert_element_type3A_175 = arith.extui %eq3A_174 : i1 to i32
      %cond3A_176 = arith.constant 0 : i32
      %cond3A_177 = arith.cmpi ne, %convert_element_type3A_175, %cond3A_176 : i32
      scf.if %cond3A_177 {
        "tpu.region"() ({
          %run_scoped3A = tpu.sem_alloc : memref<!tpu.dma_semaphore, #tpu.memory_space<semaphore_mem>>
          %dma_start3A_178 = arith.constant 0 : i32
          %dma_start3A_179 = tpu.memref_slice %arg17[%dma_start3A_178] : memref<128xf32, #tpu.memory_space<vmem>> -> memref<128xf32, #tpu.memory_space<vmem>>
          %dma_start3A_180 = arith.constant 0 : i32
          %dma_start3A_181 = tpu.memref_slice %arg15[%dma_start3A_180] : memref<128xi32, #tpu.memory_space<vmem>> -> memref<128xi32, #tpu.memory_space<vmem>>
          %dma_start3A_182 = arith.constant 0 : i32
          %dma_start3A_183 = tpu.memref_slice %arg19[%dma_start3A_182] : memref<10000xf32, #tpu.memory_space<vmem_shared>> -> memref<10000xf32, #tpu.memory_space<vmem_shared>>
          tpu.enqueue_indirect_dma source(%dma_start3A_179 : memref<128xf32, #tpu.memory_space<vmem>>) target(%dma_start3A_183 : memref<10000xf32, #tpu.memory_space<vmem_shared>>) offsets(%dma_start3A_181 : memref<128xi32, #tpu.memory_space<vmem>>) semaphore(%run_scoped3A : memref<!tpu.dma_semaphore, #tpu.memory_space<semaphore_mem>>) {add = true}
          %dma_wait3A_184 = arith.constant 0 : i32
          %dma_wait3A_185 = tpu.memref_slice %arg17[%dma_wait3A_184] : memref<128xf32, #tpu.memory_space<vmem>> -> memref<128xf32, #tpu.memory_space<vmem>>
          %dma_wait3A_186 = arith.constant 0 : i32
          %dma_wait3A_187 = tpu.memref_slice %arg15[%dma_wait3A_186] : memref<128xi32, #tpu.memory_space<vmem>> -> memref<128xi32, #tpu.memory_space<vmem>>
          %dma_wait3A_188 = arith.constant 0 : i32
          %dma_wait3A_189 = tpu.memref_slice %arg19[%dma_wait3A_188] : memref<10000xf32, #tpu.memory_space<vmem_shared>> -> memref<10000xf32, #tpu.memory_space<vmem_shared>>
          tpu.wait_indirect_dma semaphore(%run_scoped3A : memref<!tpu.dma_semaphore, #tpu.memory_space<semaphore_mem>>) src(%dma_wait3A_185 : memref<128xf32, #tpu.memory_space<vmem>>) dst(%dma_wait3A_189 : memref<10000xf32, #tpu.memory_space<vmem_shared>>)
          tpu.yield
        }) : () -> ()
      } else {
      }
    }
    %scan3A_90 = arith.constant 78 : i32
    %add3A_91 = arith.constant 9984 : i32
    %add3A_92 = arith.addi %mul3A_2, %add3A_91 : i32
    %multiple_of3A_93 = tpu.assume_multiple %add3A_92, 8 : i32
    "tpu.region"() ({
      %run_scoped3A = tpu.sem_alloc : memref<!tpu.dma_semaphore, #tpu.memory_space<semaphore_mem>>
      %dma_start3A_146 = arith.constant 0 : i32
      %dma_start3A_147 = tpu.memref_slice %arg14[%dma_start3A_146] : memref<128xi32, #tpu.memory_space<vmem>> -> memref<16xi32, #tpu.memory_space<vmem>>
      %dma_start3A_148 = tpu.memref_slice %arg6[%multiple_of3A_93] : memref<160000xi32, #tpu.memory_space<hbm>> -> memref<16xi32, #tpu.memory_space<hbm>>
      %dma_start3A_149 = arith.constant 0 : i32
      %dma_start3A_150 = tpu.memref_slice %arg14[%dma_start3A_149] : memref<128xi32, #tpu.memory_space<vmem>> -> memref<16xi32, #tpu.memory_space<vmem>>
      %dma_start3A_151 = tpu.memref_slice %arg6[%multiple_of3A_93] : memref<160000xi32, #tpu.memory_space<hbm>> -> memref<16xi32, #tpu.memory_space<hbm>>
      tpu.enqueue_dma source(%dma_start3A_151 : memref<16xi32, #tpu.memory_space<hbm>>) target(%dma_start3A_150 : memref<16xi32, #tpu.memory_space<vmem>>) target_semaphore(%run_scoped3A : memref<!tpu.dma_semaphore, #tpu.memory_space<semaphore_mem>>)
      %dma_wait3A_152 = arith.constant 0 : i32
      %dma_wait3A_153 = tpu.memref_slice %arg14[%dma_wait3A_152] : memref<128xi32, #tpu.memory_space<vmem>> -> memref<16xi32, #tpu.memory_space<vmem>>
      %dma_wait3A_154 = tpu.memref_slice %arg6[%multiple_of3A_93] : memref<160000xi32, #tpu.memory_space<hbm>> -> memref<16xi32, #tpu.memory_space<hbm>>
      %dma_wait3A_155 = arith.constant 0 : i32
      %dma_wait3A_156 = tpu.memref_slice %arg14[%dma_wait3A_155] : memref<128xi32, #tpu.memory_space<vmem>> -> memref<16xi32, #tpu.memory_space<vmem>>
      %dma_wait3A_157 = tpu.memref_slice %arg6[%multiple_of3A_93] : memref<160000xi32, #tpu.memory_space<hbm>> -> memref<16xi32, #tpu.memory_space<hbm>>
      tpu.wait_dma2 semaphore(%run_scoped3A : memref<!tpu.dma_semaphore, #tpu.memory_space<semaphore_mem>>) src(%dma_wait3A_157 : memref<16xi32, #tpu.memory_space<hbm>>) dst(%dma_wait3A_156 : memref<16xi32, #tpu.memory_space<vmem>>)
      tpu.yield
    }) : () -> ()
    %scan3A_94 = arith.constant 0 : i32
    %scan3A_95 = arith.constant 0 : i32
    %mul3A_96 = arith.constant 16 : i32
    %mul3A_97 = arith.muli %scan3A_95, %mul3A_96 : i32
    %get3A_98 = arith.index_cast %mul3A_97 : i32 to index
    %get3A_99 = tpu.vector_load %arg14[%get3A_98] {strides = array<i32>} : memref<128xi32, #tpu.memory_space<vmem>>, vector<16xi32>,
    %get3A_100 = vector.shape_cast %get3A_99 : vector<16xi32> to vector<16xi32>
    %add3A_101 = vector.broadcast %mul3A_0 : i32 to vector<16xi32>
    %add3A_102 = arith.addi %get3A_100, %add3A_101 : vector<16xi32>
    %mul3A_103 = arith.constant 16 : i32
    %mul3A_104 = arith.muli %scan3A_95, %mul3A_103 : i32
    %swap3A_105 = arith.index_cast %mul3A_104 : i32 to index
    %swap3A_106 = tpu.vector_load %arg14[%swap3A_105] {strides = array<i32>} : memref<128xi32, #tpu.memory_space<vmem>>, vector<16xi32>,
    %swap3A_107 = vector.shape_cast %swap3A_106 : vector<16xi32> to vector<16xi32>
    %swap3A_108 = vector.shape_cast %add3A_102 : vector<16xi32> to vector<16xi32>
    tpu.vector_store %arg14[%swap3A_105], %swap3A_108 {strides = array<i32>} : memref<128xi32, #tpu.memory_space<vmem>>, vector<16xi32>,
    %scan3A_109 = arith.constant 1 : i32
    %dma_start3A_110 = arith.constant 0 : i32
    %dma_start3A_111 = arith.constant 0 : i32
    %dma_start3A_112 = tpu.memref_slice %arg16[%dma_start3A_110, %dma_start3A_111] : memref<128x128xf32, #tpu.memory_space<vmem>> -> memref<16x128xf32, #tpu.memory_space<vmem>>
    %dma_start3A_113 = arith.constant 0 : i32
    %dma_start3A_114 = tpu.memref_slice %arg14[%dma_start3A_113] : memref<128xi32, #tpu.memory_space<vmem>> -> memref<16xi32, #tpu.memory_space<vmem>>
    %dma_start3A_115 = arith.constant 0 : i32
    %dma_start3A_116 = arith.constant 0 : i32
    %dma_start3A_117 = tpu.memref_slice %arg3[%dma_start3A_115, %dma_start3A_116] : memref<20000x128xf32, #tpu.memory_space<hbm>> -> memref<20000x128xf32, #tpu.memory_space<hbm>>
    tpu.enqueue_indirect_dma source(%dma_start3A_117 : memref<20000x128xf32, #tpu.memory_space<hbm>>) target(%dma_start3A_112 : memref<16x128xf32, #tpu.memory_space<vmem>>) offsets(%dma_start3A_114 : memref<16xi32, #tpu.memory_space<vmem>>) semaphore(%arg20 : memref<!tpu.dma_semaphore, #tpu.memory_space<semaphore_mem>>)
    %dma_wait3A_118 = arith.constant 0 : i32
    %dma_wait3A_119 = arith.constant 0 : i32
    %dma_wait3A_120 = tpu.memref_slice %arg16[%dma_wait3A_118, %dma_wait3A_119] : memref<128x128xf32, #tpu.memory_space<vmem>> -> memref<16x128xf32, #tpu.memory_space<vmem>>
    %dma_wait3A_121 = arith.constant 0 : i32
    %dma_wait3A_122 = tpu.memref_slice %arg14[%dma_wait3A_121] : memref<128xi32, #tpu.memory_space<vmem>> -> memref<16xi32, #tpu.memory_space<vmem>>
    %dma_wait3A_123 = arith.constant 0 : i32
    %dma_wait3A_124 = arith.constant 0 : i32
    %dma_wait3A_125 = tpu.memref_slice %arg3[%dma_wait3A_123, %dma_wait3A_124] : memref<20000x128xf32, #tpu.memory_space<hbm>> -> memref<20000x128xf32, #tpu.memory_space<hbm>>
    tpu.wait_indirect_dma semaphore(%arg20 : memref<!tpu.dma_semaphore, #tpu.memory_space<semaphore_mem>>) src(%dma_wait3A_125 : memref<20000x128xf32, #tpu.memory_space<hbm>>) dst(%dma_wait3A_120 : memref<16x128xf32, #tpu.memory_space<vmem>>)
    "tpu.region"() ({
      %run_scoped3A = tpu.sem_alloc : memref<!tpu.dma_semaphore, #tpu.memory_space<semaphore_mem>>
      %dma_start3A_146 = arith.constant 0 : i32
      %dma_start3A_147 = tpu.memref_slice %arg15[%dma_start3A_146] : memref<128xi32, #tpu.memory_space<vmem>> -> memref<16xi32, #tpu.memory_space<vmem>>
      %dma_start3A_148 = tpu.memref_slice %arg7[%multiple_of3A_93] : memref<160000xi32, #tpu.memory_space<hbm>> -> memref<16xi32, #tpu.memory_space<hbm>>
      %dma_start3A_149 = arith.constant 0 : i32
      %dma_start3A_150 = tpu.memref_slice %arg15[%dma_start3A_149] : memref<128xi32, #tpu.memory_space<vmem>> -> memref<16xi32, #tpu.memory_space<vmem>>
      %dma_start3A_151 = tpu.memref_slice %arg7[%multiple_of3A_93] : memref<160000xi32, #tpu.memory_space<hbm>> -> memref<16xi32, #tpu.memory_space<hbm>>
      tpu.enqueue_dma source(%dma_start3A_151 : memref<16xi32, #tpu.memory_space<hbm>>) target(%dma_start3A_150 : memref<16xi32, #tpu.memory_space<vmem>>) target_semaphore(%run_scoped3A : memref<!tpu.dma_semaphore, #tpu.memory_space<semaphore_mem>>)
      %dma_wait3A_152 = arith.constant 0 : i32
      %dma_wait3A_153 = tpu.memref_slice %arg15[%dma_wait3A_152] : memref<128xi32, #tpu.memory_space<vmem>> -> memref<16xi32, #tpu.memory_space<vmem>>
      %dma_wait3A_154 = tpu.memref_slice %arg7[%multiple_of3A_93] : memref<160000xi32, #tpu.memory_space<hbm>> -> memref<16xi32, #tpu.memory_space<hbm>>
      %dma_wait3A_155 = arith.constant 0 : i32
      %dma_wait3A_156 = tpu.memref_slice %arg15[%dma_wait3A_155] : memref<128xi32, #tpu.memory_space<vmem>> -> memref<16xi32, #tpu.memory_space<vmem>>
      %dma_wait3A_157 = tpu.memref_slice %arg7[%multiple_of3A_93] : memref<160000xi32, #tpu.memory_space<hbm>> -> memref<16xi32, #tpu.memory_space<hbm>>
      tpu.wait_dma2 semaphore(%run_scoped3A : memref<!tpu.dma_semaphore, #tpu.memory_space<semaphore_mem>>) src(%dma_wait3A_157 : memref<16xi32, #tpu.memory_space<hbm>>) dst(%dma_wait3A_156 : memref<16xi32, #tpu.memory_space<vmem>>)
      tpu.yield
    }) : () -> ()
    "tpu.region"() ({
      %run_scoped3A = tpu.sem_alloc : memref<!tpu.dma_semaphore, #tpu.memory_space<semaphore_mem>>
      %dma_start3A_146 = arith.constant 0 : i32
      %dma_start3A_147 = arith.constant 0 : i32
      %dma_start3A_148 = tpu.memref_slice %arg16[%dma_start3A_146, %dma_start3A_147] : memref<128x128xf32, #tpu.memory_space<vmem>> -> memref<16x128xf32, #tpu.memory_space<vmem>>
      %dma_start3A_149 = arith.constant 0 : i32
      %dma_start3A_150 = tpu.memref_slice %arg15[%dma_start3A_149] : memref<128xi32, #tpu.memory_space<vmem>> -> memref<16xi32, #tpu.memory_space<vmem>>
      %dma_start3A_151 = arith.constant 0 : i32
      %dma_start3A_152 = arith.constant 0 : i32
      %dma_start3A_153 = tpu.memref_slice %arg18[%dma_start3A_151, %dma_start3A_152] : memref<10000x128xf32, #tpu.memory_space<vmem_shared>> -> memref<10000x128xf32, #tpu.memory_space<vmem_shared>>
      tpu.enqueue_indirect_dma source(%dma_start3A_148 : memref<16x128xf32, #tpu.memory_space<vmem>>) target(%dma_start3A_153 : memref<10000x128xf32, #tpu.memory_space<vmem_shared>>) offsets(%dma_start3A_150 : memref<16xi32, #tpu.memory_space<vmem>>) semaphore(%run_scoped3A : memref<!tpu.dma_semaphore, #tpu.memory_space<semaphore_mem>>) {add = true}
      %dma_wait3A_154 = arith.constant 0 : i32
      %dma_wait3A_155 = arith.constant 0 : i32
      %dma_wait3A_156 = tpu.memref_slice %arg16[%dma_wait3A_154, %dma_wait3A_155] : memref<128x128xf32, #tpu.memory_space<vmem>> -> memref<16x128xf32, #tpu.memory_space<vmem>>
      %dma_wait3A_157 = arith.constant 0 : i32
      %dma_wait3A_158 = tpu.memref_slice %arg15[%dma_wait3A_157] : memref<128xi32, #tpu.memory_space<vmem>> -> memref<16xi32, #tpu.memory_space<vmem>>
      %dma_wait3A_159 = arith.constant 0 : i32
      %dma_wait3A_160 = arith.constant 0 : i32
      %dma_wait3A_161 = tpu.memref_slice %arg18[%dma_wait3A_159, %dma_wait3A_160] : memref<10000x128xf32, #tpu.memory_space<vmem_shared>> -> memref<10000x128xf32, #tpu.memory_space<vmem_shared>>
      tpu.wait_indirect_dma semaphore(%run_scoped3A : memref<!tpu.dma_semaphore, #tpu.memory_space<semaphore_mem>>) src(%dma_wait3A_156 : memref<16x128xf32, #tpu.memory_space<vmem>>) dst(%dma_wait3A_161 : memref<10000x128xf32, #tpu.memory_space<vmem_shared>>)
      tpu.yield
    }) : () -> ()
    %eq3A_126 = arith.constant 1 : i32
    %eq3A_127 = arith.cmpi eq, %arg0, %eq3A_126 : i32
    %convert_element_type3A_128 = arith.extui %eq3A_127 : i1 to i32
    %cond3A_129 = arith.constant 0 : i32
    %cond3A_130 = arith.cmpi ne, %convert_element_type3A_128, %cond3A_129 : i32
    scf.if %cond3A_130 {
      "tpu.region"() ({
        %run_scoped3A = tpu.sem_alloc : memref<!tpu.dma_semaphore, #tpu.memory_space<semaphore_mem>>
        %dma_start3A_146 = arith.constant 0 : i32
        %dma_start3A_147 = tpu.memref_slice %arg17[%dma_start3A_146] : memref<128xf32, #tpu.memory_space<vmem>> -> memref<16xf32, #tpu.memory_space<vmem>>
        %dma_start3A_148 = arith.constant 0 : i32
        %dma_start3A_149 = tpu.memref_slice %arg15[%dma_start3A_148] : memref<128xi32, #tpu.memory_space<vmem>> -> memref<16xi32, #tpu.memory_space<vmem>>
        %dma_start3A_150 = arith.constant 0 : i32
        %dma_start3A_151 = tpu.memref_slice %arg19[%dma_start3A_150] : memref<10000xf32, #tpu.memory_space<vmem_shared>> -> memref<10000xf32, #tpu.memory_space<vmem_shared>>
        tpu.enqueue_indirect_dma source(%dma_start3A_147 : memref<16xf32, #tpu.memory_space<vmem>>) target(%dma_start3A_151 : memref<10000xf32, #tpu.memory_space<vmem_shared>>) offsets(%dma_start3A_149 : memref<16xi32, #tpu.memory_space<vmem>>) semaphore(%run_scoped3A : memref<!tpu.dma_semaphore, #tpu.memory_space<semaphore_mem>>) {add = true}
        %dma_wait3A_152 = arith.constant 0 : i32
        %dma_wait3A_153 = tpu.memref_slice %arg17[%dma_wait3A_152] : memref<128xf32, #tpu.memory_space<vmem>> -> memref<16xf32, #tpu.memory_space<vmem>>
        %dma_wait3A_154 = arith.constant 0 : i32
        %dma_wait3A_155 = tpu.memref_slice %arg15[%dma_wait3A_154] : memref<128xi32, #tpu.memory_space<vmem>> -> memref<16xi32, #tpu.memory_space<vmem>>
        %dma_wait3A_156 = arith.constant 0 : i32
        %dma_wait3A_157 = tpu.memref_slice %arg19[%dma_wait3A_156] : memref<10000xf32, #tpu.memory_space<vmem_shared>> -> memref<10000xf32, #tpu.memory_space<vmem_shared>>
        tpu.wait_indirect_dma semaphore(%run_scoped3A : memref<!tpu.dma_semaphore, #tpu.memory_space<semaphore_mem>>) src(%dma_wait3A_153 : memref<16xf32, #tpu.memory_space<vmem>>) dst(%dma_wait3A_157 : memref<10000xf32, #tpu.memory_space<vmem_shared>>)
        tpu.yield
      }) : () -> ()
    } else {
    }
    %barrier3A_131 = arith.constant 0 : index
    tpu.barrier barrier_id(%barrier3A_131)
    %lt3A_132 = arith.constant 10 : i32
    %lt3A_133 = arith.cmpi slt, %arg1, %lt3A_132 : i32
    %convert_element_type3A_134 = arith.extui %lt3A_133 : i1 to i32
    %cond3A_135 = arith.constant 0 : i32
    %cond3A_136 = arith.cmpi ne, %convert_element_type3A_134, %cond3A_135 : i32
    scf.if %cond3A_136 {
      %mul3A_146 = arith.constant 1000 : i32
      %mul3A_147 = arith.muli %arg1, %mul3A_146 : i32
      %mul3A_148 = arith.constant 1000 : i32
      %mul3A_149 = arith.muli %arg1, %mul3A_148 : i32
      %add3A_150 = arith.addi %mul3A_0, %mul3A_149 : i32
      "tpu.region"() ({
        %run_scoped3A = tpu.sem_alloc : memref<!tpu.dma_semaphore, #tpu.memory_space<semaphore_mem>>
        %dma_start3A_151 = arith.constant 0 : i32
        %dma_start3A_152 = tpu.memref_slice %arg11[%add3A_150, %dma_start3A_151] : memref<20000x128xf32, #tpu.memory_space<hbm>> -> memref<1000x128xf32, #tpu.memory_space<hbm>>
        %dma_start3A_153 = arith.constant 0 : i32
        %dma_start3A_154 = tpu.memref_slice %arg18[%mul3A_147, %dma_start3A_153] : memref<10000x128xf32, #tpu.memory_space<vmem_shared>> -> memref<1000x128xf32, #tpu.memory_space<vmem_shared>>
        tpu.enqueue_dma source(%dma_start3A_154 : memref<1000x128xf32, #tpu.memory_space<vmem_shared>>) target(%dma_start3A_152 : memref<1000x128xf32, #tpu.memory_space<hbm>>) target_semaphore(%run_scoped3A : memref<!tpu.dma_semaphore, #tpu.memory_space<semaphore_mem>>)
        %dma_wait3A_155 = arith.constant 0 : i32
        %dma_wait3A_156 = tpu.memref_slice %arg11[%add3A_150, %dma_wait3A_155] : memref<20000x128xf32, #tpu.memory_space<hbm>> -> memref<1000x128xf32, #tpu.memory_space<hbm>>
        %dma_wait3A_157 = arith.constant 0 : i32
        %dma_wait3A_158 = tpu.memref_slice %arg18[%mul3A_147, %dma_wait3A_157] : memref<10000x128xf32, #tpu.memory_space<vmem_shared>> -> memref<1000x128xf32, #tpu.memory_space<vmem_shared>>
        tpu.wait_dma2 semaphore(%run_scoped3A : memref<!tpu.dma_semaphore, #tpu.memory_space<semaphore_mem>>) src(%dma_wait3A_158 : memref<1000x128xf32, #tpu.memory_space<vmem_shared>>) dst(%dma_wait3A_156 : memref<1000x128xf32, #tpu.memory_space<hbm>>)
        tpu.yield
      }) : () -> ()
    } else {
    }
    %eq3A_137 = arith.constant 1 : i32
    %eq3A_138 = arith.cmpi eq, %arg0, %eq3A_137 : i32
    %eq3A_139 = arith.constant 0 : i32
    %eq3A_140 = arith.cmpi eq, %arg1, %eq3A_139 : i32
    %and3A_141 = arith.andi %eq3A_138, %eq3A_140 : i1
    %convert_element_type3A_142 = arith.extui %and3A_141 : i1 to i32
    %cond3A_143 = arith.constant 0 : i32
    %cond3A_144 = arith.cmpi ne, %convert_element_type3A_142, %cond3A_143 : i32
    scf.if %cond3A_144 {
      "tpu.region"() ({
        %run_scoped3A = tpu.sem_alloc : memref<!tpu.dma_semaphore, #tpu.memory_space<semaphore_mem>>
        tpu.enqueue_dma source(%arg19 : memref<10000xf32, #tpu.memory_space<vmem_shared>>) target(%arg13 : memref<10000xf32, #tpu.memory_space<hbm>>) target_semaphore(%run_scoped3A : memref<!tpu.dma_semaphore, #tpu.memory_space<semaphore_mem>>)
        tpu.wait_dma2 semaphore(%run_scoped3A : memref<!tpu.dma_semaphore, #tpu.memory_space<semaphore_mem>>) src(%arg19 : memref<10000xf32, #tpu.memory_space<vmem_shared>>) dst(%arg13 : memref<10000xf32, #tpu.memory_space<hbm>>)
        tpu.yield
      }) : () -> ()
    } else {
    }
    %barrier3A_145 = arith.constant 0 : index
    tpu.barrier barrier_id(%barrier3A_145)
    return
  }
}

#map = affine_map<(d0, d1) -> (0)>
module attributes {stable_mosaic.version = 14 : i64} {
  func.func @_sc_pred_body(%arg0: i32, %arg1: i32, %arg2: memref<20000xf32, #tpu.memory_space<hbm>>, %arg3: memref<20000xf32, #tpu.memory_space<hbm>>, %arg4: memref<160000xi32, #tpu.memory_space<hbm>>, %arg5: memref<160000xi32, #tpu.memory_space<hbm>>, %arg6: memref<320000xf32, #tpu.memory_space<hbm>>, %arg7: memref<20000xf32, #tpu.memory_space<vmem>>, %arg8: memref<20000xf32, #tpu.memory_space<vmem>>, %arg9: memref<5000xi32, #tpu.memory_space<vmem>>, %arg10: memref<5000xi32, #tpu.memory_space<vmem>>, %arg11: memref<10000xf32, #tpu.memory_space<vmem>>) attributes {dimension_semantics = [#tpu.dimension_semantics<core_parallel>, #tpu.dimension_semantics<subcore_parallel>], iteration_bounds = array<i64: 2, 16>, scalar_prefetch = 0 : i64, scratch_operands = 5 : i64, tpu.core_type = #tpu.core_type<sc_vector_subcore>, window_params = [{transform_indices = #map}, {transform_indices = #map}, {transform_indices = #map}, {transform_indices = #map}, {transform_indices = #map}]} {
    %mul3A = arith.constant 2 : i32
    %mul3A_0 = arith.muli %arg1, %mul3A : i32
    %add3A = arith.addi %mul3A_0, %arg0 : i32
    %mul3A_1 = arith.constant 5000 : i32
    %mul3A_2 = arith.muli %add3A, %mul3A_1 : i32
    %multiple_of3A = tpu.assume_multiple %mul3A_2, 8 : i32
    "tpu.region"() ({
      %run_scoped3A = tpu.sem_alloc : memref<!tpu.dma_semaphore, #tpu.memory_space<semaphore_mem>>
      tpu.enqueue_dma source(%arg2 : memref<20000xf32, #tpu.memory_space<hbm>>) target(%arg7 : memref<20000xf32, #tpu.memory_space<vmem>>) target_semaphore(%run_scoped3A : memref<!tpu.dma_semaphore, #tpu.memory_space<semaphore_mem>>)
      tpu.wait_dma2 semaphore(%run_scoped3A : memref<!tpu.dma_semaphore, #tpu.memory_space<semaphore_mem>>) src(%arg2 : memref<20000xf32, #tpu.memory_space<hbm>>) dst(%arg7 : memref<20000xf32, #tpu.memory_space<vmem>>)
      tpu.yield
    }) : () -> ()
    "tpu.region"() ({
      %run_scoped3A = tpu.sem_alloc : memref<!tpu.dma_semaphore, #tpu.memory_space<semaphore_mem>>
      tpu.enqueue_dma source(%arg3 : memref<20000xf32, #tpu.memory_space<hbm>>) target(%arg8 : memref<20000xf32, #tpu.memory_space<vmem>>) target_semaphore(%run_scoped3A : memref<!tpu.dma_semaphore, #tpu.memory_space<semaphore_mem>>)
      tpu.wait_dma2 semaphore(%run_scoped3A : memref<!tpu.dma_semaphore, #tpu.memory_space<semaphore_mem>>) src(%arg3 : memref<20000xf32, #tpu.memory_space<hbm>>) dst(%arg8 : memref<20000xf32, #tpu.memory_space<vmem>>)
      tpu.yield
    }) : () -> ()
    "tpu.region"() ({
      %run_scoped3A = tpu.sem_alloc : memref<!tpu.dma_semaphore, #tpu.memory_space<semaphore_mem>>
      %dma_start3A = arith.constant 0 : i32
      %dma_start3A_39 = tpu.memref_slice %arg9[%dma_start3A] : memref<5000xi32, #tpu.memory_space<vmem>> -> memref<5000xi32, #tpu.memory_space<vmem>>
      %dma_start3A_40 = tpu.memref_slice %arg4[%multiple_of3A] : memref<160000xi32, #tpu.memory_space<hbm>> -> memref<5000xi32, #tpu.memory_space<hbm>>
      %dma_start3A_41 = arith.constant 0 : i32
      %dma_start3A_42 = tpu.memref_slice %arg9[%dma_start3A_41] : memref<5000xi32, #tpu.memory_space<vmem>> -> memref<5000xi32, #tpu.memory_space<vmem>>
      %dma_start3A_43 = tpu.memref_slice %arg4[%multiple_of3A] : memref<160000xi32, #tpu.memory_space<hbm>> -> memref<5000xi32, #tpu.memory_space<hbm>>
      tpu.enqueue_dma source(%dma_start3A_43 : memref<5000xi32, #tpu.memory_space<hbm>>) target(%dma_start3A_42 : memref<5000xi32, #tpu.memory_space<vmem>>) target_semaphore(%run_scoped3A : memref<!tpu.dma_semaphore, #tpu.memory_space<semaphore_mem>>)
      %dma_wait3A = arith.constant 0 : i32
      %dma_wait3A_44 = tpu.memref_slice %arg9[%dma_wait3A] : memref<5000xi32, #tpu.memory_space<vmem>> -> memref<5000xi32, #tpu.memory_space<vmem>>
      %dma_wait3A_45 = tpu.memref_slice %arg4[%multiple_of3A] : memref<160000xi32, #tpu.memory_space<hbm>> -> memref<5000xi32, #tpu.memory_space<hbm>>
      %dma_wait3A_46 = arith.constant 0 : i32
      %dma_wait3A_47 = tpu.memref_slice %arg9[%dma_wait3A_46] : memref<5000xi32, #tpu.memory_space<vmem>> -> memref<5000xi32, #tpu.memory_space<vmem>>
      %dma_wait3A_48 = tpu.memref_slice %arg4[%multiple_of3A] : memref<160000xi32, #tpu.memory_space<hbm>> -> memref<5000xi32, #tpu.memory_space<hbm>>
      tpu.wait_dma2 semaphore(%run_scoped3A : memref<!tpu.dma_semaphore, #tpu.memory_space<semaphore_mem>>) src(%dma_wait3A_48 : memref<5000xi32, #tpu.memory_space<hbm>>) dst(%dma_wait3A_47 : memref<5000xi32, #tpu.memory_space<vmem>>)
      tpu.yield
    }) : () -> ()
    "tpu.region"() ({
      %run_scoped3A = tpu.sem_alloc : memref<!tpu.dma_semaphore, #tpu.memory_space<semaphore_mem>>
      %dma_start3A = arith.constant 0 : i32
      %dma_start3A_39 = tpu.memref_slice %arg10[%dma_start3A] : memref<5000xi32, #tpu.memory_space<vmem>> -> memref<5000xi32, #tpu.memory_space<vmem>>
      %dma_start3A_40 = tpu.memref_slice %arg5[%multiple_of3A] : memref<160000xi32, #tpu.memory_space<hbm>> -> memref<5000xi32, #tpu.memory_space<hbm>>
      %dma_start3A_41 = arith.constant 0 : i32
      %dma_start3A_42 = tpu.memref_slice %arg10[%dma_start3A_41] : memref<5000xi32, #tpu.memory_space<vmem>> -> memref<5000xi32, #tpu.memory_space<vmem>>
      %dma_start3A_43 = tpu.memref_slice %arg5[%multiple_of3A] : memref<160000xi32, #tpu.memory_space<hbm>> -> memref<5000xi32, #tpu.memory_space<hbm>>
      tpu.enqueue_dma source(%dma_start3A_43 : memref<5000xi32, #tpu.memory_space<hbm>>) target(%dma_start3A_42 : memref<5000xi32, #tpu.memory_space<vmem>>) target_semaphore(%run_scoped3A : memref<!tpu.dma_semaphore, #tpu.memory_space<semaphore_mem>>)
      %dma_wait3A = arith.constant 0 : i32
      %dma_wait3A_44 = tpu.memref_slice %arg10[%dma_wait3A] : memref<5000xi32, #tpu.memory_space<vmem>> -> memref<5000xi32, #tpu.memory_space<vmem>>
      %dma_wait3A_45 = tpu.memref_slice %arg5[%multiple_of3A] : memref<160000xi32, #tpu.memory_space<hbm>> -> memref<5000xi32, #tpu.memory_space<hbm>>
      %dma_wait3A_46 = arith.constant 0 : i32
      %dma_wait3A_47 = tpu.memref_slice %arg10[%dma_wait3A_46] : memref<5000xi32, #tpu.memory_space<vmem>> -> memref<5000xi32, #tpu.memory_space<vmem>>
      %dma_wait3A_48 = tpu.memref_slice %arg5[%multiple_of3A] : memref<160000xi32, #tpu.memory_space<hbm>> -> memref<5000xi32, #tpu.memory_space<hbm>>
      tpu.wait_dma2 semaphore(%run_scoped3A : memref<!tpu.dma_semaphore, #tpu.memory_space<semaphore_mem>>) src(%dma_wait3A_48 : memref<5000xi32, #tpu.memory_space<hbm>>) dst(%dma_wait3A_47 : memref<5000xi32, #tpu.memory_space<vmem>>)
      tpu.yield
    }) : () -> ()
    %iota3A = tpu.iota {dimensions = array<i32: 0>} : vector<16xi32>
    %scan3A = arith.constant 0 : i32
    %scan3A_3 = arith.constant 0 : i32
    %scan3A_4 = arith.constant 312 : i32
    %scan3A_5 = arith.addi %scan3A_3, %scan3A_4 : i32
    %scan3A_6 = arith.constant 1 : i32
    scf.for %scan3A_39 = %scan3A_3 to %scan3A_5 step %scan3A_6  : i32 {
      %mul3A_40 = arith.constant 16 : i32
      %mul3A_41 = arith.muli %scan3A_39, %mul3A_40 : i32
      %get3A_42 = arith.index_cast %mul3A_41 : i32 to index
      %get3A_43 = tpu.vector_load %arg9[%get3A_42] {strides = array<i32>} : memref<5000xi32, #tpu.memory_space<vmem>>, vector<16xi32>,
      %mul3A_44 = arith.constant 2 : i32
      %mul3A_45 = vector.broadcast %mul3A_44 : i32 to vector<16xi32>
      %mul3A_46 = arith.muli %get3A_43, %mul3A_45 : vector<16xi32>
      %get3A_47 = arith.index_cast %mul3A_41 : i32 to index
      %get3A_48 = tpu.vector_load %arg10[%get3A_47] {strides = array<i32>} : memref<5000xi32, #tpu.memory_space<vmem>>, vector<16xi32>,
      %mul3A_49 = arith.constant 2 : i32
      %mul3A_50 = vector.broadcast %mul3A_49 : i32 to vector<16xi32>
      %mul3A_51 = arith.muli %get3A_48, %mul3A_50 : vector<16xi32>
      %gather3A_52 = tpu.vector_load_idx %arg7[%mul3A_46] : memref<20000xf32, #tpu.memory_space<vmem>>[vector<16xi32>], vector<16xf32>,
      %gather3A_53 = tpu.vector_load_idx %arg8[%mul3A_51] : memref<20000xf32, #tpu.memory_space<vmem>>[vector<16xi32>], vector<16xf32>,
      %add3A_54 = arith.addf %gather3A_52, %gather3A_53 : vector<16xf32>
      %add3A_55 = arith.constant 1 : i32
      %add3A_56 = vector.broadcast %add3A_55 : i32 to vector<16xi32>
      %add3A_57 = arith.addi %mul3A_46, %add3A_56 : vector<16xi32>
      %gather3A_58 = tpu.vector_load_idx %arg7[%add3A_57] : memref<20000xf32, #tpu.memory_space<vmem>>[vector<16xi32>], vector<16xf32>,
      %add3A_59 = arith.constant 1 : i32
      %add3A_60 = vector.broadcast %add3A_59 : i32 to vector<16xi32>
      %add3A_61 = arith.addi %mul3A_51, %add3A_60 : vector<16xi32>
      %gather3A_62 = tpu.vector_load_idx %arg8[%add3A_61] : memref<20000xf32, #tpu.memory_space<vmem>>[vector<16xi32>], vector<16xf32>,
      %add3A_63 = arith.addf %gather3A_58, %gather3A_62 : vector<16xf32>
      %mul3A_64 = arith.constant 2 : i32
      %mul3A_65 = arith.muli %mul3A_41, %mul3A_64 : i32
      %mul3A_66 = arith.constant 2 : i32
      %mul3A_67 = vector.broadcast %mul3A_66 : i32 to vector<16xi32>
      %mul3A_68 = arith.muli %iota3A, %mul3A_67 : vector<16xi32>
      %add3A_69 = vector.broadcast %mul3A_65 : i32 to vector<16xi32>
      %add3A_70 = arith.addi %add3A_69, %mul3A_68 : vector<16xi32>
      tpu.vector_store_idx %arg11[%add3A_70], %add3A_54 : memref<10000xf32, #tpu.memory_space<vmem>>[vector<16xi32>], vector<16xf32>,
      %add3A_71 = arith.constant 1 : i32
      %add3A_72 = vector.broadcast %add3A_71 : i32 to vector<16xi32>
      %add3A_73 = arith.addi %add3A_70, %add3A_72 : vector<16xi32>
      tpu.vector_store_idx %arg11[%add3A_73], %add3A_63 : memref<10000xf32, #tpu.memory_space<vmem>>[vector<16xi32>], vector<16xf32>,
    }
    %scan3A_7 = arith.constant 312 : i32
    %get3A = arith.constant 4984 : index
    %get3A_8 = tpu.vector_load %arg9[%get3A] {strides = array<i32>} : memref<5000xi32, #tpu.memory_space<vmem>>, vector<16xi32>,
    %mul3A_9 = arith.constant 2 : i32
    %mul3A_10 = vector.broadcast %mul3A_9 : i32 to vector<16xi32>
    %mul3A_11 = arith.muli %get3A_8, %mul3A_10 : vector<16xi32>
    %get3A_12 = arith.constant 4984 : index
    %get3A_13 = tpu.vector_load %arg10[%get3A_12] {strides = array<i32>} : memref<5000xi32, #tpu.memory_space<vmem>>, vector<16xi32>,
    %mul3A_14 = arith.constant 2 : i32
    %mul3A_15 = vector.broadcast %mul3A_14 : i32 to vector<16xi32>
    %mul3A_16 = arith.muli %get3A_13, %mul3A_15 : vector<16xi32>
    %gather3A = tpu.vector_load_idx %arg7[%mul3A_11] : memref<20000xf32, #tpu.memory_space<vmem>>[vector<16xi32>], vector<16xf32>,
    %gather3A_17 = tpu.vector_load_idx %arg8[%mul3A_16] : memref<20000xf32, #tpu.memory_space<vmem>>[vector<16xi32>], vector<16xf32>,
    %add3A_18 = arith.addf %gather3A, %gather3A_17 : vector<16xf32>
    %add3A_19 = arith.constant 1 : i32
    %add3A_20 = vector.broadcast %add3A_19 : i32 to vector<16xi32>
    %add3A_21 = arith.addi %mul3A_11, %add3A_20 : vector<16xi32>
    %gather3A_22 = tpu.vector_load_idx %arg7[%add3A_21] : memref<20000xf32, #tpu.memory_space<vmem>>[vector<16xi32>], vector<16xf32>,
    %add3A_23 = arith.constant 1 : i32
    %add3A_24 = vector.broadcast %add3A_23 : i32 to vector<16xi32>
    %add3A_25 = arith.addi %mul3A_16, %add3A_24 : vector<16xi32>
    %gather3A_26 = tpu.vector_load_idx %arg8[%add3A_25] : memref<20000xf32, #tpu.memory_space<vmem>>[vector<16xi32>], vector<16xf32>,
    %add3A_27 = arith.addf %gather3A_22, %gather3A_26 : vector<16xf32>
    %mul3A_28 = arith.constant 2 : i32
    %mul3A_29 = vector.broadcast %mul3A_28 : i32 to vector<16xi32>
    %mul3A_30 = arith.muli %iota3A, %mul3A_29 : vector<16xi32>
    %add3A_31 = arith.constant 9968 : i32
    %add3A_32 = vector.broadcast %add3A_31 : i32 to vector<16xi32>
    %add3A_33 = arith.addi %add3A_32, %mul3A_30 : vector<16xi32>
    tpu.vector_store_idx %arg11[%add3A_33], %add3A_18 : memref<10000xf32, #tpu.memory_space<vmem>>[vector<16xi32>], vector<16xf32>,
    %add3A_34 = arith.constant 1 : i32
    %add3A_35 = vector.broadcast %add3A_34 : i32 to vector<16xi32>
    %add3A_36 = arith.addi %add3A_33, %add3A_35 : vector<16xi32>
    tpu.vector_store_idx %arg11[%add3A_36], %add3A_27 : memref<10000xf32, #tpu.memory_space<vmem>>[vector<16xi32>], vector<16xf32>,
    %mul3A_37 = arith.constant 2 : i32
    %mul3A_38 = arith.muli %multiple_of3A, %mul3A_37 : i32
    "tpu.region"() ({
      %run_scoped3A = tpu.sem_alloc : memref<!tpu.dma_semaphore, #tpu.memory_space<semaphore_mem>>
      %dma_start3A = tpu.memref_slice %arg6[%mul3A_38] : memref<320000xf32, #tpu.memory_space<hbm>> -> memref<10000xf32, #tpu.memory_space<hbm>>
      %dma_start3A_39 = tpu.memref_slice %arg6[%mul3A_38] : memref<320000xf32, #tpu.memory_space<hbm>> -> memref<10000xf32, #tpu.memory_space<hbm>>
      tpu.enqueue_dma source(%arg11 : memref<10000xf32, #tpu.memory_space<vmem>>) target(%dma_start3A_39 : memref<10000xf32, #tpu.memory_space<hbm>>) target_semaphore(%run_scoped3A : memref<!tpu.dma_semaphore, #tpu.memory_space<semaphore_mem>>)
      %dma_wait3A = tpu.memref_slice %arg6[%mul3A_38] : memref<320000xf32, #tpu.memory_space<hbm>> -> memref<10000xf32, #tpu.memory_space<hbm>>
      %dma_wait3A_40 = tpu.memref_slice %arg6[%mul3A_38] : memref<320000xf32, #tpu.memory_space<hbm>> -> memref<10000xf32, #tpu.memory_space<hbm>>
      tpu.wait_dma2 semaphore(%run_scoped3A : memref<!tpu.dma_semaphore, #tpu.memory_space<semaphore_mem>>) src(%arg11 : memref<10000xf32, #tpu.memory_space<vmem>>) dst(%dma_wait3A_40 : memref<10000xf32, #tpu.memory_space<hbm>>)
      tpu.yield
    }) : () -> ()
    return
  }
}

#map = affine_map<(d0, d1) -> (0, 0)>
#map1 = affine_map<(d0, d1) -> (0)>
module attributes {stable_mosaic.version = 14 : i64} {
  func.func @_sc_agg_body(%arg0: i32, %arg1: i32, %arg2: memref<20000x128xf32, #tpu.memory_space<hbm>>, %arg3: memref<20000x128xf32, #tpu.memory_space<hbm>>, %arg4: memref<160000xi32, #tpu.memory_space<hbm>>, %arg5: memref<160000xi32, #tpu.memory_space<hbm>>, %arg6: memref<160000xi32, #tpu.memory_space<hbm>>, %arg7: memref<160000xi32, #tpu.memory_space<hbm>>, %arg8: memref<1000x128xf32, #tpu.memory_space<hbm>>, %arg9: memref<20000x128xf32, #tpu.memory_space<hbm>>, %arg10: memref<20000x128xf32, #tpu.memory_space<hbm>>, %arg11: memref<128xi32, #tpu.memory_space<vmem>>, %arg12: memref<128xi32, #tpu.memory_space<vmem>>, %arg13: memref<128x128xf32, #tpu.memory_space<vmem>>, %arg14: memref<10000x128xf32, #tpu.memory_space<vmem_shared>>, %arg15: memref<!tpu.dma_semaphore, #tpu.memory_space<semaphore_mem>>) attributes {dimension_semantics = [#tpu.dimension_semantics<core_parallel>, #tpu.dimension_semantics<subcore_parallel>], iteration_bounds = array<i64: 2, 16>, scalar_prefetch = 0 : i64, scratch_operands = 5 : i64, tpu.core_type = #tpu.core_type<sc_vector_subcore>, window_params = [{transform_indices = #map}, {transform_indices = #map}, {transform_indices = #map1}, {transform_indices = #map1}, {transform_indices = #map1}, {transform_indices = #map1}, {transform_indices = #map}, {transform_indices = #map}, {transform_indices = #map}]} {
    %mul3A = arith.constant 10000 : i32
    %mul3A_0 = arith.muli %arg0, %mul3A : i32
    %mul3A_1 = arith.constant 10000 : i32
    %mul3A_2 = arith.muli %arg1, %mul3A_1 : i32
    %lt3A = arith.constant 10 : i32
    %lt3A_3 = arith.cmpi slt, %arg1, %lt3A : i32
    %convert_element_type3A = arith.extui %lt3A_3 : i1 to i32
    %cond3A = arith.constant 0 : i32
    %cond3A_4 = arith.cmpi ne, %convert_element_type3A, %cond3A : i32
    scf.if %cond3A_4 {
      %mul3A_100 = arith.constant 1000 : i32
      %mul3A_101 = arith.muli %arg1, %mul3A_100 : i32
      "tpu.region"() ({
        %run_scoped3A = tpu.sem_alloc : memref<!tpu.dma_semaphore, #tpu.memory_space<semaphore_mem>>
        %dma_start3A_102 = arith.constant 0 : i32
        %dma_start3A_103 = tpu.memref_slice %arg14[%mul3A_101, %dma_start3A_102] : memref<10000x128xf32, #tpu.memory_space<vmem_shared>> -> memref<1000x128xf32, #tpu.memory_space<vmem_shared>>
        tpu.enqueue_dma source(%arg8 : memref<1000x128xf32, #tpu.memory_space<hbm>>) target(%dma_start3A_103 : memref<1000x128xf32, #tpu.memory_space<vmem_shared>>) target_semaphore(%run_scoped3A : memref<!tpu.dma_semaphore, #tpu.memory_space<semaphore_mem>>)
        %dma_wait3A_104 = arith.constant 0 : i32
        %dma_wait3A_105 = tpu.memref_slice %arg14[%mul3A_101, %dma_wait3A_104] : memref<10000x128xf32, #tpu.memory_space<vmem_shared>> -> memref<1000x128xf32, #tpu.memory_space<vmem_shared>>
        tpu.wait_dma2 semaphore(%run_scoped3A : memref<!tpu.dma_semaphore, #tpu.memory_space<semaphore_mem>>) src(%arg8 : memref<1000x128xf32, #tpu.memory_space<hbm>>) dst(%dma_wait3A_105 : memref<1000x128xf32, #tpu.memory_space<vmem_shared>>)
        tpu.yield
      }) : () -> ()
    } else {
    }
    %barrier3A = arith.constant 0 : index
    tpu.barrier barrier_id(%barrier3A)
    %scan3A = arith.constant 0 : i32
    %scan3A_5 = arith.constant 0 : i32
    %scan3A_6 = arith.constant 78 : i32
    %scan3A_7 = arith.addi %scan3A_5, %scan3A_6 : i32
    %scan3A_8 = arith.constant 1 : i32
    scf.for %scan3A_100 = %scan3A_5 to %scan3A_7 step %scan3A_8  : i32 {
      %mul3A_101 = arith.constant 128 : i32
      %mul3A_102 = arith.muli %scan3A_100, %mul3A_101 : i32
      %add3A_103 = arith.addi %mul3A_2, %mul3A_102 : i32
      %multiple_of3A_104 = tpu.assume_multiple %add3A_103, 8 : i32
      "tpu.region"() ({
        %run_scoped3A = tpu.sem_alloc : memref<!tpu.dma_semaphore, #tpu.memory_space<semaphore_mem>>
        %dma_start3A_127 = arith.constant 0 : i32
        %dma_start3A_128 = tpu.memref_slice %arg11[%dma_start3A_127] : memref<128xi32, #tpu.memory_space<vmem>> -> memref<128xi32, #tpu.memory_space<vmem>>
        %dma_start3A_129 = tpu.memref_slice %arg4[%multiple_of3A_104] : memref<160000xi32, #tpu.memory_space<hbm>> -> memref<128xi32, #tpu.memory_space<hbm>>
        %dma_start3A_130 = arith.constant 0 : i32
        %dma_start3A_131 = tpu.memref_slice %arg11[%dma_start3A_130] : memref<128xi32, #tpu.memory_space<vmem>> -> memref<128xi32, #tpu.memory_space<vmem>>
        %dma_start3A_132 = tpu.memref_slice %arg4[%multiple_of3A_104] : memref<160000xi32, #tpu.memory_space<hbm>> -> memref<128xi32, #tpu.memory_space<hbm>>
        tpu.enqueue_dma source(%dma_start3A_132 : memref<128xi32, #tpu.memory_space<hbm>>) target(%dma_start3A_131 : memref<128xi32, #tpu.memory_space<vmem>>) target_semaphore(%run_scoped3A : memref<!tpu.dma_semaphore, #tpu.memory_space<semaphore_mem>>)
        %dma_wait3A_133 = arith.constant 0 : i32
        %dma_wait3A_134 = tpu.memref_slice %arg11[%dma_wait3A_133] : memref<128xi32, #tpu.memory_space<vmem>> -> memref<128xi32, #tpu.memory_space<vmem>>
        %dma_wait3A_135 = tpu.memref_slice %arg4[%multiple_of3A_104] : memref<160000xi32, #tpu.memory_space<hbm>> -> memref<128xi32, #tpu.memory_space<hbm>>
        %dma_wait3A_136 = arith.constant 0 : i32
        %dma_wait3A_137 = tpu.memref_slice %arg11[%dma_wait3A_136] : memref<128xi32, #tpu.memory_space<vmem>> -> memref<128xi32, #tpu.memory_space<vmem>>
        %dma_wait3A_138 = tpu.memref_slice %arg4[%multiple_of3A_104] : memref<160000xi32, #tpu.memory_space<hbm>> -> memref<128xi32, #tpu.memory_space<hbm>>
        tpu.wait_dma2 semaphore(%run_scoped3A : memref<!tpu.dma_semaphore, #tpu.memory_space<semaphore_mem>>) src(%dma_wait3A_138 : memref<128xi32, #tpu.memory_space<hbm>>) dst(%dma_wait3A_137 : memref<128xi32, #tpu.memory_space<vmem>>)
        tpu.yield
      }) : () -> ()
      %scan3A_105 = arith.constant 0 : i32
      %scan3A_106 = arith.constant 0 : i32
      %scan3A_107 = arith.constant 8 : i32
      %scan3A_108 = arith.addi %scan3A_106, %scan3A_107 : i32
      %scan3A_109 = arith.constant 1 : i32
      scf.for %scan3A_127 = %scan3A_106 to %scan3A_108 step %scan3A_109  : i32 {
        %mul3A_128 = arith.constant 16 : i32
        %mul3A_129 = arith.muli %scan3A_127, %mul3A_128 : i32
        %get3A_130 = arith.index_cast %mul3A_129 : i32 to index
        %get3A_131 = tpu.vector_load %arg11[%get3A_130] {strides = array<i32>} : memref<128xi32, #tpu.memory_space<vmem>>, vector<16xi32>,
        %get3A_132 = vector.shape_cast %get3A_131 : vector<16xi32> to vector<16xi32>
        %add3A_133 = vector.broadcast %mul3A_0 : i32 to vector<16xi32>
        %add3A_134 = arith.addi %get3A_132, %add3A_133 : vector<16xi32>
        %mul3A_135 = arith.constant 16 : i32
        %mul3A_136 = arith.muli %scan3A_127, %mul3A_135 : i32
        %swap3A_137 = arith.index_cast %mul3A_136 : i32 to index
        %swap3A_138 = tpu.vector_load %arg11[%swap3A_137] {strides = array<i32>} : memref<128xi32, #tpu.memory_space<vmem>>, vector<16xi32>,
        %swap3A_139 = vector.shape_cast %swap3A_138 : vector<16xi32> to vector<16xi32>
        %swap3A_140 = vector.shape_cast %add3A_134 : vector<16xi32> to vector<16xi32>
        tpu.vector_store %arg11[%swap3A_137], %swap3A_140 {strides = array<i32>} : memref<128xi32, #tpu.memory_space<vmem>>, vector<16xi32>,
      }
      %scan3A_110 = arith.constant 8 : i32
      %dma_start3A_111 = arith.constant 0 : i32
      %dma_start3A_112 = arith.constant 0 : i32
      %dma_start3A_113 = tpu.memref_slice %arg13[%dma_start3A_111, %dma_start3A_112] : memref<128x128xf32, #tpu.memory_space<vmem>> -> memref<128x128xf32, #tpu.memory_space<vmem>>
      %dma_start3A_114 = arith.constant 0 : i32
      %dma_start3A_115 = tpu.memref_slice %arg11[%dma_start3A_114] : memref<128xi32, #tpu.memory_space<vmem>> -> memref<128xi32, #tpu.memory_space<vmem>>
      %dma_start3A_116 = arith.constant 0 : i32
      %dma_start3A_117 = arith.constant 0 : i32
      %dma_start3A_118 = tpu.memref_slice %arg2[%dma_start3A_116, %dma_start3A_117] : memref<20000x128xf32, #tpu.memory_space<hbm>> -> memref<20000x128xf32, #tpu.memory_space<hbm>>
      tpu.enqueue_indirect_dma source(%dma_start3A_118 : memref<20000x128xf32, #tpu.memory_space<hbm>>) target(%dma_start3A_113 : memref<128x128xf32, #tpu.memory_space<vmem>>) offsets(%dma_start3A_115 : memref<128xi32, #tpu.memory_space<vmem>>) semaphore(%arg15 : memref<!tpu.dma_semaphore, #tpu.memory_space<semaphore_mem>>)
      %dma_wait3A_119 = arith.constant 0 : i32
      %dma_wait3A_120 = arith.constant 0 : i32
      %dma_wait3A_121 = tpu.memref_slice %arg13[%dma_wait3A_119, %dma_wait3A_120] : memref<128x128xf32, #tpu.memory_space<vmem>> -> memref<128x128xf32, #tpu.memory_space<vmem>>
      %dma_wait3A_122 = arith.constant 0 : i32
      %dma_wait3A_123 = tpu.memref_slice %arg11[%dma_wait3A_122] : memref<128xi32, #tpu.memory_space<vmem>> -> memref<128xi32, #tpu.memory_space<vmem>>
      %dma_wait3A_124 = arith.constant 0 : i32
      %dma_wait3A_125 = arith.constant 0 : i32
      %dma_wait3A_126 = tpu.memref_slice %arg2[%dma_wait3A_124, %dma_wait3A_125] : memref<20000x128xf32, #tpu.memory_space<hbm>> -> memref<20000x128xf32, #tpu.memory_space<hbm>>
      tpu.wait_indirect_dma semaphore(%arg15 : memref<!tpu.dma_semaphore, #tpu.memory_space<semaphore_mem>>) src(%dma_wait3A_126 : memref<20000x128xf32, #tpu.memory_space<hbm>>) dst(%dma_wait3A_121 : memref<128x128xf32, #tpu.memory_space<vmem>>)
      "tpu.region"() ({
        %run_scoped3A = tpu.sem_alloc : memref<!tpu.dma_semaphore, #tpu.memory_space<semaphore_mem>>
        %dma_start3A_127 = arith.constant 0 : i32
        %dma_start3A_128 = tpu.memref_slice %arg12[%dma_start3A_127] : memref<128xi32, #tpu.memory_space<vmem>> -> memref<128xi32, #tpu.memory_space<vmem>>
        %dma_start3A_129 = tpu.memref_slice %arg5[%multiple_of3A_104] : memref<160000xi32, #tpu.memory_space<hbm>> -> memref<128xi32, #tpu.memory_space<hbm>>
        %dma_start3A_130 = arith.constant 0 : i32
        %dma_start3A_131 = tpu.memref_slice %arg12[%dma_start3A_130] : memref<128xi32, #tpu.memory_space<vmem>> -> memref<128xi32, #tpu.memory_space<vmem>>
        %dma_start3A_132 = tpu.memref_slice %arg5[%multiple_of3A_104] : memref<160000xi32, #tpu.memory_space<hbm>> -> memref<128xi32, #tpu.memory_space<hbm>>
        tpu.enqueue_dma source(%dma_start3A_132 : memref<128xi32, #tpu.memory_space<hbm>>) target(%dma_start3A_131 : memref<128xi32, #tpu.memory_space<vmem>>) target_semaphore(%run_scoped3A : memref<!tpu.dma_semaphore, #tpu.memory_space<semaphore_mem>>)
        %dma_wait3A_133 = arith.constant 0 : i32
        %dma_wait3A_134 = tpu.memref_slice %arg12[%dma_wait3A_133] : memref<128xi32, #tpu.memory_space<vmem>> -> memref<128xi32, #tpu.memory_space<vmem>>
        %dma_wait3A_135 = tpu.memref_slice %arg5[%multiple_of3A_104] : memref<160000xi32, #tpu.memory_space<hbm>> -> memref<128xi32, #tpu.memory_space<hbm>>
        %dma_wait3A_136 = arith.constant 0 : i32
        %dma_wait3A_137 = tpu.memref_slice %arg12[%dma_wait3A_136] : memref<128xi32, #tpu.memory_space<vmem>> -> memref<128xi32, #tpu.memory_space<vmem>>
        %dma_wait3A_138 = tpu.memref_slice %arg5[%multiple_of3A_104] : memref<160000xi32, #tpu.memory_space<hbm>> -> memref<128xi32, #tpu.memory_space<hbm>>
        tpu.wait_dma2 semaphore(%run_scoped3A : memref<!tpu.dma_semaphore, #tpu.memory_space<semaphore_mem>>) src(%dma_wait3A_138 : memref<128xi32, #tpu.memory_space<hbm>>) dst(%dma_wait3A_137 : memref<128xi32, #tpu.memory_space<vmem>>)
        tpu.yield
      }) : () -> ()
      "tpu.region"() ({
        %run_scoped3A = tpu.sem_alloc : memref<!tpu.dma_semaphore, #tpu.memory_space<semaphore_mem>>
        %dma_start3A_127 = arith.constant 0 : i32
        %dma_start3A_128 = arith.constant 0 : i32
        %dma_start3A_129 = tpu.memref_slice %arg13[%dma_start3A_127, %dma_start3A_128] : memref<128x128xf32, #tpu.memory_space<vmem>> -> memref<128x128xf32, #tpu.memory_space<vmem>>
        %dma_start3A_130 = arith.constant 0 : i32
        %dma_start3A_131 = tpu.memref_slice %arg12[%dma_start3A_130] : memref<128xi32, #tpu.memory_space<vmem>> -> memref<128xi32, #tpu.memory_space<vmem>>
        %dma_start3A_132 = arith.constant 0 : i32
        %dma_start3A_133 = arith.constant 0 : i32
        %dma_start3A_134 = tpu.memref_slice %arg14[%dma_start3A_132, %dma_start3A_133] : memref<10000x128xf32, #tpu.memory_space<vmem_shared>> -> memref<10000x128xf32, #tpu.memory_space<vmem_shared>>
        tpu.enqueue_indirect_dma source(%dma_start3A_129 : memref<128x128xf32, #tpu.memory_space<vmem>>) target(%dma_start3A_134 : memref<10000x128xf32, #tpu.memory_space<vmem_shared>>) offsets(%dma_start3A_131 : memref<128xi32, #tpu.memory_space<vmem>>) semaphore(%run_scoped3A : memref<!tpu.dma_semaphore, #tpu.memory_space<semaphore_mem>>) {add = true}
        %dma_wait3A_135 = arith.constant 0 : i32
        %dma_wait3A_136 = arith.constant 0 : i32
        %dma_wait3A_137 = tpu.memref_slice %arg13[%dma_wait3A_135, %dma_wait3A_136] : memref<128x128xf32, #tpu.memory_space<vmem>> -> memref<128x128xf32, #tpu.memory_space<vmem>>
        %dma_wait3A_138 = arith.constant 0 : i32
        %dma_wait3A_139 = tpu.memref_slice %arg12[%dma_wait3A_138] : memref<128xi32, #tpu.memory_space<vmem>> -> memref<128xi32, #tpu.memory_space<vmem>>
        %dma_wait3A_140 = arith.constant 0 : i32
        %dma_wait3A_141 = arith.constant 0 : i32
        %dma_wait3A_142 = tpu.memref_slice %arg14[%dma_wait3A_140, %dma_wait3A_141] : memref<10000x128xf32, #tpu.memory_space<vmem_shared>> -> memref<10000x128xf32, #tpu.memory_space<vmem_shared>>
        tpu.wait_indirect_dma semaphore(%run_scoped3A : memref<!tpu.dma_semaphore, #tpu.memory_space<semaphore_mem>>) src(%dma_wait3A_137 : memref<128x128xf32, #tpu.memory_space<vmem>>) dst(%dma_wait3A_142 : memref<10000x128xf32, #tpu.memory_space<vmem_shared>>)
        tpu.yield
      }) : () -> ()
    }
    %scan3A_9 = arith.constant 78 : i32
    %add3A = arith.constant 9984 : i32
    %add3A_10 = arith.addi %mul3A_2, %add3A : i32
    %multiple_of3A = tpu.assume_multiple %add3A_10, 8 : i32
    "tpu.region"() ({
      %run_scoped3A = tpu.sem_alloc : memref<!tpu.dma_semaphore, #tpu.memory_space<semaphore_mem>>
      %dma_start3A_100 = arith.constant 0 : i32
      %dma_start3A_101 = tpu.memref_slice %arg11[%dma_start3A_100] : memref<128xi32, #tpu.memory_space<vmem>> -> memref<16xi32, #tpu.memory_space<vmem>>
      %dma_start3A_102 = tpu.memref_slice %arg4[%multiple_of3A] : memref<160000xi32, #tpu.memory_space<hbm>> -> memref<16xi32, #tpu.memory_space<hbm>>
      %dma_start3A_103 = arith.constant 0 : i32
      %dma_start3A_104 = tpu.memref_slice %arg11[%dma_start3A_103] : memref<128xi32, #tpu.memory_space<vmem>> -> memref<16xi32, #tpu.memory_space<vmem>>
      %dma_start3A_105 = tpu.memref_slice %arg4[%multiple_of3A] : memref<160000xi32, #tpu.memory_space<hbm>> -> memref<16xi32, #tpu.memory_space<hbm>>
      tpu.enqueue_dma source(%dma_start3A_105 : memref<16xi32, #tpu.memory_space<hbm>>) target(%dma_start3A_104 : memref<16xi32, #tpu.memory_space<vmem>>) target_semaphore(%run_scoped3A : memref<!tpu.dma_semaphore, #tpu.memory_space<semaphore_mem>>)
      %dma_wait3A_106 = arith.constant 0 : i32
      %dma_wait3A_107 = tpu.memref_slice %arg11[%dma_wait3A_106] : memref<128xi32, #tpu.memory_space<vmem>> -> memref<16xi32, #tpu.memory_space<vmem>>
      %dma_wait3A_108 = tpu.memref_slice %arg4[%multiple_of3A] : memref<160000xi32, #tpu.memory_space<hbm>> -> memref<16xi32, #tpu.memory_space<hbm>>
      %dma_wait3A_109 = arith.constant 0 : i32
      %dma_wait3A_110 = tpu.memref_slice %arg11[%dma_wait3A_109] : memref<128xi32, #tpu.memory_space<vmem>> -> memref<16xi32, #tpu.memory_space<vmem>>
      %dma_wait3A_111 = tpu.memref_slice %arg4[%multiple_of3A] : memref<160000xi32, #tpu.memory_space<hbm>> -> memref<16xi32, #tpu.memory_space<hbm>>
      tpu.wait_dma2 semaphore(%run_scoped3A : memref<!tpu.dma_semaphore, #tpu.memory_space<semaphore_mem>>) src(%dma_wait3A_111 : memref<16xi32, #tpu.memory_space<hbm>>) dst(%dma_wait3A_110 : memref<16xi32, #tpu.memory_space<vmem>>)
      tpu.yield
    }) : () -> ()
    %scan3A_11 = arith.constant 0 : i32
    %scan3A_12 = arith.constant 0 : i32
    %mul3A_13 = arith.constant 16 : i32
    %mul3A_14 = arith.muli %scan3A_12, %mul3A_13 : i32
    %get3A = arith.index_cast %mul3A_14 : i32 to index
    %get3A_15 = tpu.vector_load %arg11[%get3A] {strides = array<i32>} : memref<128xi32, #tpu.memory_space<vmem>>, vector<16xi32>,
    %get3A_16 = vector.shape_cast %get3A_15 : vector<16xi32> to vector<16xi32>
    %add3A_17 = vector.broadcast %mul3A_0 : i32 to vector<16xi32>
    %add3A_18 = arith.addi %get3A_16, %add3A_17 : vector<16xi32>
    %mul3A_19 = arith.constant 16 : i32
    %mul3A_20 = arith.muli %scan3A_12, %mul3A_19 : i32
    %swap3A = arith.index_cast %mul3A_20 : i32 to index
    %swap3A_21 = tpu.vector_load %arg11[%swap3A] {strides = array<i32>} : memref<128xi32, #tpu.memory_space<vmem>>, vector<16xi32>,
    %swap3A_22 = vector.shape_cast %swap3A_21 : vector<16xi32> to vector<16xi32>
    %swap3A_23 = vector.shape_cast %add3A_18 : vector<16xi32> to vector<16xi32>
    tpu.vector_store %arg11[%swap3A], %swap3A_23 {strides = array<i32>} : memref<128xi32, #tpu.memory_space<vmem>>, vector<16xi32>,
    %scan3A_24 = arith.constant 1 : i32
    %dma_start3A = arith.constant 0 : i32
    %dma_start3A_25 = arith.constant 0 : i32
    %dma_start3A_26 = tpu.memref_slice %arg13[%dma_start3A, %dma_start3A_25] : memref<128x128xf32, #tpu.memory_space<vmem>> -> memref<16x128xf32, #tpu.memory_space<vmem>>
    %dma_start3A_27 = arith.constant 0 : i32
    %dma_start3A_28 = tpu.memref_slice %arg11[%dma_start3A_27] : memref<128xi32, #tpu.memory_space<vmem>> -> memref<16xi32, #tpu.memory_space<vmem>>
    %dma_start3A_29 = arith.constant 0 : i32
    %dma_start3A_30 = arith.constant 0 : i32
    %dma_start3A_31 = tpu.memref_slice %arg2[%dma_start3A_29, %dma_start3A_30] : memref<20000x128xf32, #tpu.memory_space<hbm>> -> memref<20000x128xf32, #tpu.memory_space<hbm>>
    tpu.enqueue_indirect_dma source(%dma_start3A_31 : memref<20000x128xf32, #tpu.memory_space<hbm>>) target(%dma_start3A_26 : memref<16x128xf32, #tpu.memory_space<vmem>>) offsets(%dma_start3A_28 : memref<16xi32, #tpu.memory_space<vmem>>) semaphore(%arg15 : memref<!tpu.dma_semaphore, #tpu.memory_space<semaphore_mem>>)
    %dma_wait3A = arith.constant 0 : i32
    %dma_wait3A_32 = arith.constant 0 : i32
    %dma_wait3A_33 = tpu.memref_slice %arg13[%dma_wait3A, %dma_wait3A_32] : memref<128x128xf32, #tpu.memory_space<vmem>> -> memref<16x128xf32, #tpu.memory_space<vmem>>
    %dma_wait3A_34 = arith.constant 0 : i32
    %dma_wait3A_35 = tpu.memref_slice %arg11[%dma_wait3A_34] : memref<128xi32, #tpu.memory_space<vmem>> -> memref<16xi32, #tpu.memory_space<vmem>>
    %dma_wait3A_36 = arith.constant 0 : i32
    %dma_wait3A_37 = arith.constant 0 : i32
    %dma_wait3A_38 = tpu.memref_slice %arg2[%dma_wait3A_36, %dma_wait3A_37] : memref<20000x128xf32, #tpu.memory_space<hbm>> -> memref<20000x128xf32, #tpu.memory_space<hbm>>
    tpu.wait_indirect_dma semaphore(%arg15 : memref<!tpu.dma_semaphore, #tpu.memory_space<semaphore_mem>>) src(%dma_wait3A_38 : memref<20000x128xf32, #tpu.memory_space<hbm>>) dst(%dma_wait3A_33 : memref<16x128xf32, #tpu.memory_space<vmem>>)
    "tpu.region"() ({
      %run_scoped3A = tpu.sem_alloc : memref<!tpu.dma_semaphore, #tpu.memory_space<semaphore_mem>>
      %dma_start3A_100 = arith.constant 0 : i32
      %dma_start3A_101 = tpu.memref_slice %arg12[%dma_start3A_100] : memref<128xi32, #tpu.memory_space<vmem>> -> memref<16xi32, #tpu.memory_space<vmem>>
      %dma_start3A_102 = tpu.memref_slice %arg5[%multiple_of3A] : memref<160000xi32, #tpu.memory_space<hbm>> -> memref<16xi32, #tpu.memory_space<hbm>>
      %dma_start3A_103 = arith.constant 0 : i32
      %dma_start3A_104 = tpu.memref_slice %arg12[%dma_start3A_103] : memref<128xi32, #tpu.memory_space<vmem>> -> memref<16xi32, #tpu.memory_space<vmem>>
      %dma_start3A_105 = tpu.memref_slice %arg5[%multiple_of3A] : memref<160000xi32, #tpu.memory_space<hbm>> -> memref<16xi32, #tpu.memory_space<hbm>>
      tpu.enqueue_dma source(%dma_start3A_105 : memref<16xi32, #tpu.memory_space<hbm>>) target(%dma_start3A_104 : memref<16xi32, #tpu.memory_space<vmem>>) target_semaphore(%run_scoped3A : memref<!tpu.dma_semaphore, #tpu.memory_space<semaphore_mem>>)
      %dma_wait3A_106 = arith.constant 0 : i32
      %dma_wait3A_107 = tpu.memref_slice %arg12[%dma_wait3A_106] : memref<128xi32, #tpu.memory_space<vmem>> -> memref<16xi32, #tpu.memory_space<vmem>>
      %dma_wait3A_108 = tpu.memref_slice %arg5[%multiple_of3A] : memref<160000xi32, #tpu.memory_space<hbm>> -> memref<16xi32, #tpu.memory_space<hbm>>
      %dma_wait3A_109 = arith.constant 0 : i32
      %dma_wait3A_110 = tpu.memref_slice %arg12[%dma_wait3A_109] : memref<128xi32, #tpu.memory_space<vmem>> -> memref<16xi32, #tpu.memory_space<vmem>>
      %dma_wait3A_111 = tpu.memref_slice %arg5[%multiple_of3A] : memref<160000xi32, #tpu.memory_space<hbm>> -> memref<16xi32, #tpu.memory_space<hbm>>
      tpu.wait_dma2 semaphore(%run_scoped3A : memref<!tpu.dma_semaphore, #tpu.memory_space<semaphore_mem>>) src(%dma_wait3A_111 : memref<16xi32, #tpu.memory_space<hbm>>) dst(%dma_wait3A_110 : memref<16xi32, #tpu.memory_space<vmem>>)
      tpu.yield
    }) : () -> ()
    "tpu.region"() ({
      %run_scoped3A = tpu.sem_alloc : memref<!tpu.dma_semaphore, #tpu.memory_space<semaphore_mem>>
      %dma_start3A_100 = arith.constant 0 : i32
      %dma_start3A_101 = arith.constant 0 : i32
      %dma_start3A_102 = tpu.memref_slice %arg13[%dma_start3A_100, %dma_start3A_101] : memref<128x128xf32, #tpu.memory_space<vmem>> -> memref<16x128xf32, #tpu.memory_space<vmem>>
      %dma_start3A_103 = arith.constant 0 : i32
      %dma_start3A_104 = tpu.memref_slice %arg12[%dma_start3A_103] : memref<128xi32, #tpu.memory_space<vmem>> -> memref<16xi32, #tpu.memory_space<vmem>>
      %dma_start3A_105 = arith.constant 0 : i32
      %dma_start3A_106 = arith.constant 0 : i32
      %dma_start3A_107 = tpu.memref_slice %arg14[%dma_start3A_105, %dma_start3A_106] : memref<10000x128xf32, #tpu.memory_space<vmem_shared>> -> memref<10000x128xf32, #tpu.memory_space<vmem_shared>>
      tpu.enqueue_indirect_dma source(%dma_start3A_102 : memref<16x128xf32, #tpu.memory_space<vmem>>) target(%dma_start3A_107 : memref<10000x128xf32, #tpu.memory_space<vmem_shared>>) offsets(%dma_start3A_104 : memref<16xi32, #tpu.memory_space<vmem>>) semaphore(%run_scoped3A : memref<!tpu.dma_semaphore, #tpu.memory_space<semaphore_mem>>) {add = true}
      %dma_wait3A_108 = arith.constant 0 : i32
      %dma_wait3A_109 = arith.constant 0 : i32
      %dma_wait3A_110 = tpu.memref_slice %arg13[%dma_wait3A_108, %dma_wait3A_109] : memref<128x128xf32, #tpu.memory_space<vmem>> -> memref<16x128xf32, #tpu.memory_space<vmem>>
      %dma_wait3A_111 = arith.constant 0 : i32
      %dma_wait3A_112 = tpu.memref_slice %arg12[%dma_wait3A_111] : memref<128xi32, #tpu.memory_space<vmem>> -> memref<16xi32, #tpu.memory_space<vmem>>
      %dma_wait3A_113 = arith.constant 0 : i32
      %dma_wait3A_114 = arith.constant 0 : i32
      %dma_wait3A_115 = tpu.memref_slice %arg14[%dma_wait3A_113, %dma_wait3A_114] : memref<10000x128xf32, #tpu.memory_space<vmem_shared>> -> memref<10000x128xf32, #tpu.memory_space<vmem_shared>>
      tpu.wait_indirect_dma semaphore(%run_scoped3A : memref<!tpu.dma_semaphore, #tpu.memory_space<semaphore_mem>>) src(%dma_wait3A_110 : memref<16x128xf32, #tpu.memory_space<vmem>>) dst(%dma_wait3A_115 : memref<10000x128xf32, #tpu.memory_space<vmem_shared>>)
      tpu.yield
    }) : () -> ()
    %barrier3A_39 = arith.constant 0 : index
    tpu.barrier barrier_id(%barrier3A_39)
    %lt3A_40 = arith.constant 10 : i32
    %lt3A_41 = arith.cmpi slt, %arg1, %lt3A_40 : i32
    %convert_element_type3A_42 = arith.extui %lt3A_41 : i1 to i32
    %cond3A_43 = arith.constant 0 : i32
    %cond3A_44 = arith.cmpi ne, %convert_element_type3A_42, %cond3A_43 : i32
    scf.if %cond3A_44 {
      %mul3A_100 = arith.constant 1000 : i32
      %mul3A_101 = arith.muli %arg1, %mul3A_100 : i32
      %mul3A_102 = arith.constant 1000 : i32
      %mul3A_103 = arith.muli %arg1, %mul3A_102 : i32
      %add3A_104 = arith.addi %mul3A_0, %mul3A_103 : i32
      "tpu.region"() ({
        %run_scoped3A = tpu.sem_alloc : memref<!tpu.dma_semaphore, #tpu.memory_space<semaphore_mem>>
        %dma_start3A_105 = arith.constant 0 : i32
        %dma_start3A_106 = tpu.memref_slice %arg9[%add3A_104, %dma_start3A_105] : memref<20000x128xf32, #tpu.memory_space<hbm>> -> memref<1000x128xf32, #tpu.memory_space<hbm>>
        %dma_start3A_107 = arith.constant 0 : i32
        %dma_start3A_108 = tpu.memref_slice %arg14[%mul3A_101, %dma_start3A_107] : memref<10000x128xf32, #tpu.memory_space<vmem_shared>> -> memref<1000x128xf32, #tpu.memory_space<vmem_shared>>
        tpu.enqueue_dma source(%dma_start3A_108 : memref<1000x128xf32, #tpu.memory_space<vmem_shared>>) target(%dma_start3A_106 : memref<1000x128xf32, #tpu.memory_space<hbm>>) target_semaphore(%run_scoped3A : memref<!tpu.dma_semaphore, #tpu.memory_space<semaphore_mem>>)
        %dma_wait3A_109 = arith.constant 0 : i32
        %dma_wait3A_110 = tpu.memref_slice %arg9[%add3A_104, %dma_wait3A_109] : memref<20000x128xf32, #tpu.memory_space<hbm>> -> memref<1000x128xf32, #tpu.memory_space<hbm>>
        %dma_wait3A_111 = arith.constant 0 : i32
        %dma_wait3A_112 = tpu.memref_slice %arg14[%mul3A_101, %dma_wait3A_111] : memref<10000x128xf32, #tpu.memory_space<vmem_shared>> -> memref<1000x128xf32, #tpu.memory_space<vmem_shared>>
        tpu.wait_dma2 semaphore(%run_scoped3A : memref<!tpu.dma_semaphore, #tpu.memory_space<semaphore_mem>>) src(%dma_wait3A_112 : memref<1000x128xf32, #tpu.memory_space<vmem_shared>>) dst(%dma_wait3A_110 : memref<1000x128xf32, #tpu.memory_space<hbm>>)
        tpu.yield
      }) : () -> ()
    } else {
    }
    %barrier3A_45 = arith.constant 0 : index
    tpu.barrier barrier_id(%barrier3A_45)
    %lt3A_46 = arith.constant 10 : i32
    %lt3A_47 = arith.cmpi slt, %arg1, %lt3A_46 : i32
    %convert_element_type3A_48 = arith.extui %lt3A_47 : i1 to i32
    %cond3A_49 = arith.constant 0 : i32
    %cond3A_50 = arith.cmpi ne, %convert_element_type3A_48, %cond3A_49 : i32
    scf.if %cond3A_50 {
      %mul3A_100 = arith.constant 1000 : i32
      %mul3A_101 = arith.muli %arg1, %mul3A_100 : i32
      "tpu.region"() ({
        %run_scoped3A = tpu.sem_alloc : memref<!tpu.dma_semaphore, #tpu.memory_space<semaphore_mem>>
        %dma_start3A_102 = arith.constant 0 : i32
        %dma_start3A_103 = tpu.memref_slice %arg14[%mul3A_101, %dma_start3A_102] : memref<10000x128xf32, #tpu.memory_space<vmem_shared>> -> memref<1000x128xf32, #tpu.memory_space<vmem_shared>>
        tpu.enqueue_dma source(%arg8 : memref<1000x128xf32, #tpu.memory_space<hbm>>) target(%dma_start3A_103 : memref<1000x128xf32, #tpu.memory_space<vmem_shared>>) target_semaphore(%run_scoped3A : memref<!tpu.dma_semaphore, #tpu.memory_space<semaphore_mem>>)
        %dma_wait3A_104 = arith.constant 0 : i32
        %dma_wait3A_105 = tpu.memref_slice %arg14[%mul3A_101, %dma_wait3A_104] : memref<10000x128xf32, #tpu.memory_space<vmem_shared>> -> memref<1000x128xf32, #tpu.memory_space<vmem_shared>>
        tpu.wait_dma2 semaphore(%run_scoped3A : memref<!tpu.dma_semaphore, #tpu.memory_space<semaphore_mem>>) src(%arg8 : memref<1000x128xf32, #tpu.memory_space<hbm>>) dst(%dma_wait3A_105 : memref<1000x128xf32, #tpu.memory_space<vmem_shared>>)
        tpu.yield
      }) : () -> ()
    } else {
    }
    %barrier3A_51 = arith.constant 0 : index
    tpu.barrier barrier_id(%barrier3A_51)
    %scan3A_52 = arith.constant 0 : i32
    %scan3A_53 = arith.constant 0 : i32
    %scan3A_54 = arith.constant 78 : i32
    %scan3A_55 = arith.addi %scan3A_53, %scan3A_54 : i32
    %scan3A_56 = arith.constant 1 : i32
    scf.for %scan3A_100 = %scan3A_53 to %scan3A_55 step %scan3A_56  : i32 {
      %mul3A_101 = arith.constant 128 : i32
      %mul3A_102 = arith.muli %scan3A_100, %mul3A_101 : i32
      %add3A_103 = arith.addi %mul3A_2, %mul3A_102 : i32
      %multiple_of3A_104 = tpu.assume_multiple %add3A_103, 8 : i32
      "tpu.region"() ({
        %run_scoped3A = tpu.sem_alloc : memref<!tpu.dma_semaphore, #tpu.memory_space<semaphore_mem>>
        %dma_start3A_127 = arith.constant 0 : i32
        %dma_start3A_128 = tpu.memref_slice %arg11[%dma_start3A_127] : memref<128xi32, #tpu.memory_space<vmem>> -> memref<128xi32, #tpu.memory_space<vmem>>
        %dma_start3A_129 = tpu.memref_slice %arg6[%multiple_of3A_104] : memref<160000xi32, #tpu.memory_space<hbm>> -> memref<128xi32, #tpu.memory_space<hbm>>
        %dma_start3A_130 = arith.constant 0 : i32
        %dma_start3A_131 = tpu.memref_slice %arg11[%dma_start3A_130] : memref<128xi32, #tpu.memory_space<vmem>> -> memref<128xi32, #tpu.memory_space<vmem>>
        %dma_start3A_132 = tpu.memref_slice %arg6[%multiple_of3A_104] : memref<160000xi32, #tpu.memory_space<hbm>> -> memref<128xi32, #tpu.memory_space<hbm>>
        tpu.enqueue_dma source(%dma_start3A_132 : memref<128xi32, #tpu.memory_space<hbm>>) target(%dma_start3A_131 : memref<128xi32, #tpu.memory_space<vmem>>) target_semaphore(%run_scoped3A : memref<!tpu.dma_semaphore, #tpu.memory_space<semaphore_mem>>)
        %dma_wait3A_133 = arith.constant 0 : i32
        %dma_wait3A_134 = tpu.memref_slice %arg11[%dma_wait3A_133] : memref<128xi32, #tpu.memory_space<vmem>> -> memref<128xi32, #tpu.memory_space<vmem>>
        %dma_wait3A_135 = tpu.memref_slice %arg6[%multiple_of3A_104] : memref<160000xi32, #tpu.memory_space<hbm>> -> memref<128xi32, #tpu.memory_space<hbm>>
        %dma_wait3A_136 = arith.constant 0 : i32
        %dma_wait3A_137 = tpu.memref_slice %arg11[%dma_wait3A_136] : memref<128xi32, #tpu.memory_space<vmem>> -> memref<128xi32, #tpu.memory_space<vmem>>
        %dma_wait3A_138 = tpu.memref_slice %arg6[%multiple_of3A_104] : memref<160000xi32, #tpu.memory_space<hbm>> -> memref<128xi32, #tpu.memory_space<hbm>>
        tpu.wait_dma2 semaphore(%run_scoped3A : memref<!tpu.dma_semaphore, #tpu.memory_space<semaphore_mem>>) src(%dma_wait3A_138 : memref<128xi32, #tpu.memory_space<hbm>>) dst(%dma_wait3A_137 : memref<128xi32, #tpu.memory_space<vmem>>)
        tpu.yield
      }) : () -> ()
      %scan3A_105 = arith.constant 0 : i32
      %scan3A_106 = arith.constant 0 : i32
      %scan3A_107 = arith.constant 8 : i32
      %scan3A_108 = arith.addi %scan3A_106, %scan3A_107 : i32
      %scan3A_109 = arith.constant 1 : i32
      scf.for %scan3A_127 = %scan3A_106 to %scan3A_108 step %scan3A_109  : i32 {
        %mul3A_128 = arith.constant 16 : i32
        %mul3A_129 = arith.muli %scan3A_127, %mul3A_128 : i32
        %get3A_130 = arith.index_cast %mul3A_129 : i32 to index
        %get3A_131 = tpu.vector_load %arg11[%get3A_130] {strides = array<i32>} : memref<128xi32, #tpu.memory_space<vmem>>, vector<16xi32>,
        %get3A_132 = vector.shape_cast %get3A_131 : vector<16xi32> to vector<16xi32>
        %add3A_133 = vector.broadcast %mul3A_0 : i32 to vector<16xi32>
        %add3A_134 = arith.addi %get3A_132, %add3A_133 : vector<16xi32>
        %mul3A_135 = arith.constant 16 : i32
        %mul3A_136 = arith.muli %scan3A_127, %mul3A_135 : i32
        %swap3A_137 = arith.index_cast %mul3A_136 : i32 to index
        %swap3A_138 = tpu.vector_load %arg11[%swap3A_137] {strides = array<i32>} : memref<128xi32, #tpu.memory_space<vmem>>, vector<16xi32>,
        %swap3A_139 = vector.shape_cast %swap3A_138 : vector<16xi32> to vector<16xi32>
        %swap3A_140 = vector.shape_cast %add3A_134 : vector<16xi32> to vector<16xi32>
        tpu.vector_store %arg11[%swap3A_137], %swap3A_140 {strides = array<i32>} : memref<128xi32, #tpu.memory_space<vmem>>, vector<16xi32>,
      }
      %scan3A_110 = arith.constant 8 : i32
      %dma_start3A_111 = arith.constant 0 : i32
      %dma_start3A_112 = arith.constant 0 : i32
      %dma_start3A_113 = tpu.memref_slice %arg13[%dma_start3A_111, %dma_start3A_112] : memref<128x128xf32, #tpu.memory_space<vmem>> -> memref<128x128xf32, #tpu.memory_space<vmem>>
      %dma_start3A_114 = arith.constant 0 : i32
      %dma_start3A_115 = tpu.memref_slice %arg11[%dma_start3A_114] : memref<128xi32, #tpu.memory_space<vmem>> -> memref<128xi32, #tpu.memory_space<vmem>>
      %dma_start3A_116 = arith.constant 0 : i32
      %dma_start3A_117 = arith.constant 0 : i32
      %dma_start3A_118 = tpu.memref_slice %arg3[%dma_start3A_116, %dma_start3A_117] : memref<20000x128xf32, #tpu.memory_space<hbm>> -> memref<20000x128xf32, #tpu.memory_space<hbm>>
      tpu.enqueue_indirect_dma source(%dma_start3A_118 : memref<20000x128xf32, #tpu.memory_space<hbm>>) target(%dma_start3A_113 : memref<128x128xf32, #tpu.memory_space<vmem>>) offsets(%dma_start3A_115 : memref<128xi32, #tpu.memory_space<vmem>>) semaphore(%arg15 : memref<!tpu.dma_semaphore, #tpu.memory_space<semaphore_mem>>)
      %dma_wait3A_119 = arith.constant 0 : i32
      %dma_wait3A_120 = arith.constant 0 : i32
      %dma_wait3A_121 = tpu.memref_slice %arg13[%dma_wait3A_119, %dma_wait3A_120] : memref<128x128xf32, #tpu.memory_space<vmem>> -> memref<128x128xf32, #tpu.memory_space<vmem>>
      %dma_wait3A_122 = arith.constant 0 : i32
      %dma_wait3A_123 = tpu.memref_slice %arg11[%dma_wait3A_122] : memref<128xi32, #tpu.memory_space<vmem>> -> memref<128xi32, #tpu.memory_space<vmem>>
      %dma_wait3A_124 = arith.constant 0 : i32
      %dma_wait3A_125 = arith.constant 0 : i32
      %dma_wait3A_126 = tpu.memref_slice %arg3[%dma_wait3A_124, %dma_wait3A_125] : memref<20000x128xf32, #tpu.memory_space<hbm>> -> memref<20000x128xf32, #tpu.memory_space<hbm>>
      tpu.wait_indirect_dma semaphore(%arg15 : memref<!tpu.dma_semaphore, #tpu.memory_space<semaphore_mem>>) src(%dma_wait3A_126 : memref<20000x128xf32, #tpu.memory_space<hbm>>) dst(%dma_wait3A_121 : memref<128x128xf32, #tpu.memory_space<vmem>>)
      "tpu.region"() ({
        %run_scoped3A = tpu.sem_alloc : memref<!tpu.dma_semaphore, #tpu.memory_space<semaphore_mem>>
        %dma_start3A_127 = arith.constant 0 : i32
        %dma_start3A_128 = tpu.memref_slice %arg12[%dma_start3A_127] : memref<128xi32, #tpu.memory_space<vmem>> -> memref<128xi32, #tpu.memory_space<vmem>>
        %dma_start3A_129 = tpu.memref_slice %arg7[%multiple_of3A_104] : memref<160000xi32, #tpu.memory_space<hbm>> -> memref<128xi32, #tpu.memory_space<hbm>>
        %dma_start3A_130 = arith.constant 0 : i32
        %dma_start3A_131 = tpu.memref_slice %arg12[%dma_start3A_130] : memref<128xi32, #tpu.memory_space<vmem>> -> memref<128xi32, #tpu.memory_space<vmem>>
        %dma_start3A_132 = tpu.memref_slice %arg7[%multiple_of3A_104] : memref<160000xi32, #tpu.memory_space<hbm>> -> memref<128xi32, #tpu.memory_space<hbm>>
        tpu.enqueue_dma source(%dma_start3A_132 : memref<128xi32, #tpu.memory_space<hbm>>) target(%dma_start3A_131 : memref<128xi32, #tpu.memory_space<vmem>>) target_semaphore(%run_scoped3A : memref<!tpu.dma_semaphore, #tpu.memory_space<semaphore_mem>>)
        %dma_wait3A_133 = arith.constant 0 : i32
        %dma_wait3A_134 = tpu.memref_slice %arg12[%dma_wait3A_133] : memref<128xi32, #tpu.memory_space<vmem>> -> memref<128xi32, #tpu.memory_space<vmem>>
        %dma_wait3A_135 = tpu.memref_slice %arg7[%multiple_of3A_104] : memref<160000xi32, #tpu.memory_space<hbm>> -> memref<128xi32, #tpu.memory_space<hbm>>
        %dma_wait3A_136 = arith.constant 0 : i32
        %dma_wait3A_137 = tpu.memref_slice %arg12[%dma_wait3A_136] : memref<128xi32, #tpu.memory_space<vmem>> -> memref<128xi32, #tpu.memory_space<vmem>>
        %dma_wait3A_138 = tpu.memref_slice %arg7[%multiple_of3A_104] : memref<160000xi32, #tpu.memory_space<hbm>> -> memref<128xi32, #tpu.memory_space<hbm>>
        tpu.wait_dma2 semaphore(%run_scoped3A : memref<!tpu.dma_semaphore, #tpu.memory_space<semaphore_mem>>) src(%dma_wait3A_138 : memref<128xi32, #tpu.memory_space<hbm>>) dst(%dma_wait3A_137 : memref<128xi32, #tpu.memory_space<vmem>>)
        tpu.yield
      }) : () -> ()
      "tpu.region"() ({
        %run_scoped3A = tpu.sem_alloc : memref<!tpu.dma_semaphore, #tpu.memory_space<semaphore_mem>>
        %dma_start3A_127 = arith.constant 0 : i32
        %dma_start3A_128 = arith.constant 0 : i32
        %dma_start3A_129 = tpu.memref_slice %arg13[%dma_start3A_127, %dma_start3A_128] : memref<128x128xf32, #tpu.memory_space<vmem>> -> memref<128x128xf32, #tpu.memory_space<vmem>>
        %dma_start3A_130 = arith.constant 0 : i32
        %dma_start3A_131 = tpu.memref_slice %arg12[%dma_start3A_130] : memref<128xi32, #tpu.memory_space<vmem>> -> memref<128xi32, #tpu.memory_space<vmem>>
        %dma_start3A_132 = arith.constant 0 : i32
        %dma_start3A_133 = arith.constant 0 : i32
        %dma_start3A_134 = tpu.memref_slice %arg14[%dma_start3A_132, %dma_start3A_133] : memref<10000x128xf32, #tpu.memory_space<vmem_shared>> -> memref<10000x128xf32, #tpu.memory_space<vmem_shared>>
        tpu.enqueue_indirect_dma source(%dma_start3A_129 : memref<128x128xf32, #tpu.memory_space<vmem>>) target(%dma_start3A_134 : memref<10000x128xf32, #tpu.memory_space<vmem_shared>>) offsets(%dma_start3A_131 : memref<128xi32, #tpu.memory_space<vmem>>) semaphore(%run_scoped3A : memref<!tpu.dma_semaphore, #tpu.memory_space<semaphore_mem>>) {add = true}
        %dma_wait3A_135 = arith.constant 0 : i32
        %dma_wait3A_136 = arith.constant 0 : i32
        %dma_wait3A_137 = tpu.memref_slice %arg13[%dma_wait3A_135, %dma_wait3A_136] : memref<128x128xf32, #tpu.memory_space<vmem>> -> memref<128x128xf32, #tpu.memory_space<vmem>>
        %dma_wait3A_138 = arith.constant 0 : i32
        %dma_wait3A_139 = tpu.memref_slice %arg12[%dma_wait3A_138] : memref<128xi32, #tpu.memory_space<vmem>> -> memref<128xi32, #tpu.memory_space<vmem>>
        %dma_wait3A_140 = arith.constant 0 : i32
        %dma_wait3A_141 = arith.constant 0 : i32
        %dma_wait3A_142 = tpu.memref_slice %arg14[%dma_wait3A_140, %dma_wait3A_141] : memref<10000x128xf32, #tpu.memory_space<vmem_shared>> -> memref<10000x128xf32, #tpu.memory_space<vmem_shared>>
        tpu.wait_indirect_dma semaphore(%run_scoped3A : memref<!tpu.dma_semaphore, #tpu.memory_space<semaphore_mem>>) src(%dma_wait3A_137 : memref<128x128xf32, #tpu.memory_space<vmem>>) dst(%dma_wait3A_142 : memref<10000x128xf32, #tpu.memory_space<vmem_shared>>)
        tpu.yield
      }) : () -> ()
    }
    %scan3A_57 = arith.constant 78 : i32
    %add3A_58 = arith.constant 9984 : i32
    %add3A_59 = arith.addi %mul3A_2, %add3A_58 : i32
    %multiple_of3A_60 = tpu.assume_multiple %add3A_59, 8 : i32
    "tpu.region"() ({
      %run_scoped3A = tpu.sem_alloc : memref<!tpu.dma_semaphore, #tpu.memory_space<semaphore_mem>>
      %dma_start3A_100 = arith.constant 0 : i32
      %dma_start3A_101 = tpu.memref_slice %arg11[%dma_start3A_100] : memref<128xi32, #tpu.memory_space<vmem>> -> memref<16xi32, #tpu.memory_space<vmem>>
      %dma_start3A_102 = tpu.memref_slice %arg6[%multiple_of3A_60] : memref<160000xi32, #tpu.memory_space<hbm>> -> memref<16xi32, #tpu.memory_space<hbm>>
      %dma_start3A_103 = arith.constant 0 : i32
      %dma_start3A_104 = tpu.memref_slice %arg11[%dma_start3A_103] : memref<128xi32, #tpu.memory_space<vmem>> -> memref<16xi32, #tpu.memory_space<vmem>>
      %dma_start3A_105 = tpu.memref_slice %arg6[%multiple_of3A_60] : memref<160000xi32, #tpu.memory_space<hbm>> -> memref<16xi32, #tpu.memory_space<hbm>>
      tpu.enqueue_dma source(%dma_start3A_105 : memref<16xi32, #tpu.memory_space<hbm>>) target(%dma_start3A_104 : memref<16xi32, #tpu.memory_space<vmem>>) target_semaphore(%run_scoped3A : memref<!tpu.dma_semaphore, #tpu.memory_space<semaphore_mem>>)
      %dma_wait3A_106 = arith.constant 0 : i32
      %dma_wait3A_107 = tpu.memref_slice %arg11[%dma_wait3A_106] : memref<128xi32, #tpu.memory_space<vmem>> -> memref<16xi32, #tpu.memory_space<vmem>>
      %dma_wait3A_108 = tpu.memref_slice %arg6[%multiple_of3A_60] : memref<160000xi32, #tpu.memory_space<hbm>> -> memref<16xi32, #tpu.memory_space<hbm>>
      %dma_wait3A_109 = arith.constant 0 : i32
      %dma_wait3A_110 = tpu.memref_slice %arg11[%dma_wait3A_109] : memref<128xi32, #tpu.memory_space<vmem>> -> memref<16xi32, #tpu.memory_space<vmem>>
      %dma_wait3A_111 = tpu.memref_slice %arg6[%multiple_of3A_60] : memref<160000xi32, #tpu.memory_space<hbm>> -> memref<16xi32, #tpu.memory_space<hbm>>
      tpu.wait_dma2 semaphore(%run_scoped3A : memref<!tpu.dma_semaphore, #tpu.memory_space<semaphore_mem>>) src(%dma_wait3A_111 : memref<16xi32, #tpu.memory_space<hbm>>) dst(%dma_wait3A_110 : memref<16xi32, #tpu.memory_space<vmem>>)
      tpu.yield
    }) : () -> ()
    %scan3A_61 = arith.constant 0 : i32
    %scan3A_62 = arith.constant 0 : i32
    %mul3A_63 = arith.constant 16 : i32
    %mul3A_64 = arith.muli %scan3A_62, %mul3A_63 : i32
    %get3A_65 = arith.index_cast %mul3A_64 : i32 to index
    %get3A_66 = tpu.vector_load %arg11[%get3A_65] {strides = array<i32>} : memref<128xi32, #tpu.memory_space<vmem>>, vector<16xi32>,
    %get3A_67 = vector.shape_cast %get3A_66 : vector<16xi32> to vector<16xi32>
    %add3A_68 = vector.broadcast %mul3A_0 : i32 to vector<16xi32>
    %add3A_69 = arith.addi %get3A_67, %add3A_68 : vector<16xi32>
    %mul3A_70 = arith.constant 16 : i32
    %mul3A_71 = arith.muli %scan3A_62, %mul3A_70 : i32
    %swap3A_72 = arith.index_cast %mul3A_71 : i32 to index
    %swap3A_73 = tpu.vector_load %arg11[%swap3A_72] {strides = array<i32>} : memref<128xi32, #tpu.memory_space<vmem>>, vector<16xi32>,
    %swap3A_74 = vector.shape_cast %swap3A_73 : vector<16xi32> to vector<16xi32>
    %swap3A_75 = vector.shape_cast %add3A_69 : vector<16xi32> to vector<16xi32>
    tpu.vector_store %arg11[%swap3A_72], %swap3A_75 {strides = array<i32>} : memref<128xi32, #tpu.memory_space<vmem>>, vector<16xi32>,
    %scan3A_76 = arith.constant 1 : i32
    %dma_start3A_77 = arith.constant 0 : i32
    %dma_start3A_78 = arith.constant 0 : i32
    %dma_start3A_79 = tpu.memref_slice %arg13[%dma_start3A_77, %dma_start3A_78] : memref<128x128xf32, #tpu.memory_space<vmem>> -> memref<16x128xf32, #tpu.memory_space<vmem>>
    %dma_start3A_80 = arith.constant 0 : i32
    %dma_start3A_81 = tpu.memref_slice %arg11[%dma_start3A_80] : memref<128xi32, #tpu.memory_space<vmem>> -> memref<16xi32, #tpu.memory_space<vmem>>
    %dma_start3A_82 = arith.constant 0 : i32
    %dma_start3A_83 = arith.constant 0 : i32
    %dma_start3A_84 = tpu.memref_slice %arg3[%dma_start3A_82, %dma_start3A_83] : memref<20000x128xf32, #tpu.memory_space<hbm>> -> memref<20000x128xf32, #tpu.memory_space<hbm>>
    tpu.enqueue_indirect_dma source(%dma_start3A_84 : memref<20000x128xf32, #tpu.memory_space<hbm>>) target(%dma_start3A_79 : memref<16x128xf32, #tpu.memory_space<vmem>>) offsets(%dma_start3A_81 : memref<16xi32, #tpu.memory_space<vmem>>) semaphore(%arg15 : memref<!tpu.dma_semaphore, #tpu.memory_space<semaphore_mem>>)
    %dma_wait3A_85 = arith.constant 0 : i32
    %dma_wait3A_86 = arith.constant 0 : i32
    %dma_wait3A_87 = tpu.memref_slice %arg13[%dma_wait3A_85, %dma_wait3A_86] : memref<128x128xf32, #tpu.memory_space<vmem>> -> memref<16x128xf32, #tpu.memory_space<vmem>>
    %dma_wait3A_88 = arith.constant 0 : i32
    %dma_wait3A_89 = tpu.memref_slice %arg11[%dma_wait3A_88] : memref<128xi32, #tpu.memory_space<vmem>> -> memref<16xi32, #tpu.memory_space<vmem>>
    %dma_wait3A_90 = arith.constant 0 : i32
    %dma_wait3A_91 = arith.constant 0 : i32
    %dma_wait3A_92 = tpu.memref_slice %arg3[%dma_wait3A_90, %dma_wait3A_91] : memref<20000x128xf32, #tpu.memory_space<hbm>> -> memref<20000x128xf32, #tpu.memory_space<hbm>>
    tpu.wait_indirect_dma semaphore(%arg15 : memref<!tpu.dma_semaphore, #tpu.memory_space<semaphore_mem>>) src(%dma_wait3A_92 : memref<20000x128xf32, #tpu.memory_space<hbm>>) dst(%dma_wait3A_87 : memref<16x128xf32, #tpu.memory_space<vmem>>)
    "tpu.region"() ({
      %run_scoped3A = tpu.sem_alloc : memref<!tpu.dma_semaphore, #tpu.memory_space<semaphore_mem>>
      %dma_start3A_100 = arith.constant 0 : i32
      %dma_start3A_101 = tpu.memref_slice %arg12[%dma_start3A_100] : memref<128xi32, #tpu.memory_space<vmem>> -> memref<16xi32, #tpu.memory_space<vmem>>
      %dma_start3A_102 = tpu.memref_slice %arg7[%multiple_of3A_60] : memref<160000xi32, #tpu.memory_space<hbm>> -> memref<16xi32, #tpu.memory_space<hbm>>
      %dma_start3A_103 = arith.constant 0 : i32
      %dma_start3A_104 = tpu.memref_slice %arg12[%dma_start3A_103] : memref<128xi32, #tpu.memory_space<vmem>> -> memref<16xi32, #tpu.memory_space<vmem>>
      %dma_start3A_105 = tpu.memref_slice %arg7[%multiple_of3A_60] : memref<160000xi32, #tpu.memory_space<hbm>> -> memref<16xi32, #tpu.memory_space<hbm>>
      tpu.enqueue_dma source(%dma_start3A_105 : memref<16xi32, #tpu.memory_space<hbm>>) target(%dma_start3A_104 : memref<16xi32, #tpu.memory_space<vmem>>) target_semaphore(%run_scoped3A : memref<!tpu.dma_semaphore, #tpu.memory_space<semaphore_mem>>)
      %dma_wait3A_106 = arith.constant 0 : i32
      %dma_wait3A_107 = tpu.memref_slice %arg12[%dma_wait3A_106] : memref<128xi32, #tpu.memory_space<vmem>> -> memref<16xi32, #tpu.memory_space<vmem>>
      %dma_wait3A_108 = tpu.memref_slice %arg7[%multiple_of3A_60] : memref<160000xi32, #tpu.memory_space<hbm>> -> memref<16xi32, #tpu.memory_space<hbm>>
      %dma_wait3A_109 = arith.constant 0 : i32
      %dma_wait3A_110 = tpu.memref_slice %arg12[%dma_wait3A_109] : memref<128xi32, #tpu.memory_space<vmem>> -> memref<16xi32, #tpu.memory_space<vmem>>
      %dma_wait3A_111 = tpu.memref_slice %arg7[%multiple_of3A_60] : memref<160000xi32, #tpu.memory_space<hbm>> -> memref<16xi32, #tpu.memory_space<hbm>>
      tpu.wait_dma2 semaphore(%run_scoped3A : memref<!tpu.dma_semaphore, #tpu.memory_space<semaphore_mem>>) src(%dma_wait3A_111 : memref<16xi32, #tpu.memory_space<hbm>>) dst(%dma_wait3A_110 : memref<16xi32, #tpu.memory_space<vmem>>)
      tpu.yield
    }) : () -> ()
    "tpu.region"() ({
      %run_scoped3A = tpu.sem_alloc : memref<!tpu.dma_semaphore, #tpu.memory_space<semaphore_mem>>
      %dma_start3A_100 = arith.constant 0 : i32
      %dma_start3A_101 = arith.constant 0 : i32
      %dma_start3A_102 = tpu.memref_slice %arg13[%dma_start3A_100, %dma_start3A_101] : memref<128x128xf32, #tpu.memory_space<vmem>> -> memref<16x128xf32, #tpu.memory_space<vmem>>
      %dma_start3A_103 = arith.constant 0 : i32
      %dma_start3A_104 = tpu.memref_slice %arg12[%dma_start3A_103] : memref<128xi32, #tpu.memory_space<vmem>> -> memref<16xi32, #tpu.memory_space<vmem>>
      %dma_start3A_105 = arith.constant 0 : i32
      %dma_start3A_106 = arith.constant 0 : i32
      %dma_start3A_107 = tpu.memref_slice %arg14[%dma_start3A_105, %dma_start3A_106] : memref<10000x128xf32, #tpu.memory_space<vmem_shared>> -> memref<10000x128xf32, #tpu.memory_space<vmem_shared>>
      tpu.enqueue_indirect_dma source(%dma_start3A_102 : memref<16x128xf32, #tpu.memory_space<vmem>>) target(%dma_start3A_107 : memref<10000x128xf32, #tpu.memory_space<vmem_shared>>) offsets(%dma_start3A_104 : memref<16xi32, #tpu.memory_space<vmem>>) semaphore(%run_scoped3A : memref<!tpu.dma_semaphore, #tpu.memory_space<semaphore_mem>>) {add = true}
      %dma_wait3A_108 = arith.constant 0 : i32
      %dma_wait3A_109 = arith.constant 0 : i32
      %dma_wait3A_110 = tpu.memref_slice %arg13[%dma_wait3A_108, %dma_wait3A_109] : memref<128x128xf32, #tpu.memory_space<vmem>> -> memref<16x128xf32, #tpu.memory_space<vmem>>
      %dma_wait3A_111 = arith.constant 0 : i32
      %dma_wait3A_112 = tpu.memref_slice %arg12[%dma_wait3A_111] : memref<128xi32, #tpu.memory_space<vmem>> -> memref<16xi32, #tpu.memory_space<vmem>>
      %dma_wait3A_113 = arith.constant 0 : i32
      %dma_wait3A_114 = arith.constant 0 : i32
      %dma_wait3A_115 = tpu.memref_slice %arg14[%dma_wait3A_113, %dma_wait3A_114] : memref<10000x128xf32, #tpu.memory_space<vmem_shared>> -> memref<10000x128xf32, #tpu.memory_space<vmem_shared>>
      tpu.wait_indirect_dma semaphore(%run_scoped3A : memref<!tpu.dma_semaphore, #tpu.memory_space<semaphore_mem>>) src(%dma_wait3A_110 : memref<16x128xf32, #tpu.memory_space<vmem>>) dst(%dma_wait3A_115 : memref<10000x128xf32, #tpu.memory_space<vmem_shared>>)
      tpu.yield
    }) : () -> ()
    %barrier3A_93 = arith.constant 0 : index
    tpu.barrier barrier_id(%barrier3A_93)
    %lt3A_94 = arith.constant 10 : i32
    %lt3A_95 = arith.cmpi slt, %arg1, %lt3A_94 : i32
    %convert_element_type3A_96 = arith.extui %lt3A_95 : i1 to i32
    %cond3A_97 = arith.constant 0 : i32
    %cond3A_98 = arith.cmpi ne, %convert_element_type3A_96, %cond3A_97 : i32
    scf.if %cond3A_98 {
      %mul3A_100 = arith.constant 1000 : i32
      %mul3A_101 = arith.muli %arg1, %mul3A_100 : i32
      %mul3A_102 = arith.constant 1000 : i32
      %mul3A_103 = arith.muli %arg1, %mul3A_102 : i32
      %add3A_104 = arith.addi %mul3A_0, %mul3A_103 : i32
      "tpu.region"() ({
        %run_scoped3A = tpu.sem_alloc : memref<!tpu.dma_semaphore, #tpu.memory_space<semaphore_mem>>
        %dma_start3A_105 = arith.constant 0 : i32
        %dma_start3A_106 = tpu.memref_slice %arg10[%add3A_104, %dma_start3A_105] : memref<20000x128xf32, #tpu.memory_space<hbm>> -> memref<1000x128xf32, #tpu.memory_space<hbm>>
        %dma_start3A_107 = arith.constant 0 : i32
        %dma_start3A_108 = tpu.memref_slice %arg14[%mul3A_101, %dma_start3A_107] : memref<10000x128xf32, #tpu.memory_space<vmem_shared>> -> memref<1000x128xf32, #tpu.memory_space<vmem_shared>>
        tpu.enqueue_dma source(%dma_start3A_108 : memref<1000x128xf32, #tpu.memory_space<vmem_shared>>) target(%dma_start3A_106 : memref<1000x128xf32, #tpu.memory_space<hbm>>) target_semaphore(%run_scoped3A : memref<!tpu.dma_semaphore, #tpu.memory_space<semaphore_mem>>)
        %dma_wait3A_109 = arith.constant 0 : i32
        %dma_wait3A_110 = tpu.memref_slice %arg10[%add3A_104, %dma_wait3A_109] : memref<20000x128xf32, #tpu.memory_space<hbm>> -> memref<1000x128xf32, #tpu.memory_space<hbm>>
        %dma_wait3A_111 = arith.constant 0 : i32
        %dma_wait3A_112 = tpu.memref_slice %arg14[%mul3A_101, %dma_wait3A_111] : memref<10000x128xf32, #tpu.memory_space<vmem_shared>> -> memref<1000x128xf32, #tpu.memory_space<vmem_shared>>
        tpu.wait_dma2 semaphore(%run_scoped3A : memref<!tpu.dma_semaphore, #tpu.memory_space<semaphore_mem>>) src(%dma_wait3A_112 : memref<1000x128xf32, #tpu.memory_space<vmem_shared>>) dst(%dma_wait3A_110 : memref<1000x128xf32, #tpu.memory_space<hbm>>)
        tpu.yield
      }) : () -> ()
    } else {
    }
    %barrier3A_99 = arith.constant 0 : index
    tpu.barrier barrier_id(%barrier3A_99)
    return
  }
}

module attributes {stable_mosaic.version = 14 : i64} {
  func.func @_tc_l1_body(%arg0: memref<10000x128xf32, #tpu.memory_space<vmem>>, %arg1: memref<10000x128xf32, #tpu.memory_space<vmem>>, %arg2: memref<2x128x128xf32, #tpu.memory_space<vmem>>, %arg3: memref<2x128x128xf32, #tpu.memory_space<vmem>>, %arg4: memref<20000x128xf32, #tpu.memory_space<vmem>>, %arg5: memref<20000x128xf32, #tpu.memory_space<vmem>>) attributes {dimension_semantics = [], scalar_prefetch = 0 : i64, scratch_operands = 0 : i64, tpu.core_type = #tpu.core_type<tc>} {
    %get3A = arith.constant 0 : index
    %get3A_0 = arith.constant 0 : index
    %get3A_1 = vector.load %arg0[%get3A, %get3A_0] : memref<10000x128xf32, #tpu.memory_space<vmem>>, vector<10000x128xf32>
    %get3A_2 = arith.constant 0 : index
    %get3A_3 = arith.constant 0 : index
    %get3A_4 = vector.load %arg1[%get3A_2, %get3A_3] : memref<10000x128xf32, #tpu.memory_space<vmem>>, vector<10000x128xf32>
    %get3A_5 = arith.constant 0 : index
    %get3A_6 = arith.constant 0 : index
    %get3A_7 = arith.constant 0 : index
    %get3A_8 = vector.load %arg2[%get3A_5, %get3A_6, %get3A_7] : memref<2x128x128xf32, #tpu.memory_space<vmem>>, vector<1x128x128xf32>
    %get3A_9 = vector.shape_cast %get3A_8 : vector<1x128x128xf32> to vector<128x128xf32>
    %dot_general3A = arith.constant dense<0.000000e+00> : vector<10000x128xf32>
    %dot_general3A_10 = tpu.matmul %get3A_1, %get3A_9, %dot_general3A {dimension_numbers = #tpu.dot_dimension_numbers<[1], [0], [0], [1], [0, 0, 1, 1], [], []>, transpose_lhs_hint = false} : vector<10000x128xf32>, vector<128x128xf32>, vector<10000x128xf32> -> vector<10000x128xf32>
    %swap3A = arith.constant 0 : index
    %swap3A_11 = arith.constant 0 : index
    %swap3A_12 = vector.load %arg4[%swap3A, %swap3A_11] : memref<20000x128xf32, #tpu.memory_space<vmem>>, vector<10000x128xf32>
    tpu.vector_store %arg4[%swap3A, %swap3A_11], %dot_general3A_10 {strides = array<i32>} : memref<20000x128xf32, #tpu.memory_space<vmem>>, vector<10000x128xf32>,
    %get3A_13 = arith.constant 0 : index
    %get3A_14 = arith.constant 0 : index
    %get3A_15 = arith.constant 0 : index
    %get3A_16 = vector.load %arg3[%get3A_13, %get3A_14, %get3A_15] : memref<2x128x128xf32, #tpu.memory_space<vmem>>, vector<1x128x128xf32>
    %get3A_17 = vector.shape_cast %get3A_16 : vector<1x128x128xf32> to vector<128x128xf32>
    %dot_general3A_18 = arith.constant dense<0.000000e+00> : vector<10000x128xf32>
    %dot_general3A_19 = tpu.matmul %get3A_4, %get3A_17, %dot_general3A_18 {dimension_numbers = #tpu.dot_dimension_numbers<[1], [0], [0], [1], [0, 0, 1, 1], [], []>, transpose_lhs_hint = false} : vector<10000x128xf32>, vector<128x128xf32>, vector<10000x128xf32> -> vector<10000x128xf32>
    %swap3A_20 = arith.constant 10000 : index
    %swap3A_21 = arith.constant 0 : index
    %swap3A_22 = vector.load %arg4[%swap3A_20, %swap3A_21] : memref<20000x128xf32, #tpu.memory_space<vmem>>, vector<10000x128xf32>
    tpu.vector_store %arg4[%swap3A_20, %swap3A_21], %dot_general3A_19 {strides = array<i32>} : memref<20000x128xf32, #tpu.memory_space<vmem>>, vector<10000x128xf32>,
    %get3A_23 = arith.constant 1 : index
    %get3A_24 = arith.constant 0 : index
    %get3A_25 = arith.constant 0 : index
    %get3A_26 = vector.load %arg2[%get3A_23, %get3A_24, %get3A_25] : memref<2x128x128xf32, #tpu.memory_space<vmem>>, vector<1x128x128xf32>
    %get3A_27 = vector.shape_cast %get3A_26 : vector<1x128x128xf32> to vector<128x128xf32>
    %dot_general3A_28 = arith.constant dense<0.000000e+00> : vector<10000x128xf32>
    %dot_general3A_29 = tpu.matmul %get3A_1, %get3A_27, %dot_general3A_28 {dimension_numbers = #tpu.dot_dimension_numbers<[1], [0], [0], [1], [0, 0, 1, 1], [], []>, transpose_lhs_hint = false} : vector<10000x128xf32>, vector<128x128xf32>, vector<10000x128xf32> -> vector<10000x128xf32>
    %swap3A_30 = arith.constant 0 : index
    %swap3A_31 = arith.constant 0 : index
    %swap3A_32 = vector.load %arg5[%swap3A_30, %swap3A_31] : memref<20000x128xf32, #tpu.memory_space<vmem>>, vector<10000x128xf32>
    tpu.vector_store %arg5[%swap3A_30, %swap3A_31], %dot_general3A_29 {strides = array<i32>} : memref<20000x128xf32, #tpu.memory_space<vmem>>, vector<10000x128xf32>,
    %get3A_33 = arith.constant 1 : index
    %get3A_34 = arith.constant 0 : index
    %get3A_35 = arith.constant 0 : index
    %get3A_36 = vector.load %arg3[%get3A_33, %get3A_34, %get3A_35] : memref<2x128x128xf32, #tpu.memory_space<vmem>>, vector<1x128x128xf32>
    %get3A_37 = vector.shape_cast %get3A_36 : vector<1x128x128xf32> to vector<128x128xf32>
    %dot_general3A_38 = arith.constant dense<0.000000e+00> : vector<10000x128xf32>
    %dot_general3A_39 = tpu.matmul %get3A_4, %get3A_37, %dot_general3A_38 {dimension_numbers = #tpu.dot_dimension_numbers<[1], [0], [0], [1], [0, 0, 1, 1], [], []>, transpose_lhs_hint = false} : vector<10000x128xf32>, vector<128x128xf32>, vector<10000x128xf32> -> vector<10000x128xf32>
    %swap3A_40 = arith.constant 10000 : index
    %swap3A_41 = arith.constant 0 : index
    %swap3A_42 = vector.load %arg5[%swap3A_40, %swap3A_41] : memref<20000x128xf32, #tpu.memory_space<vmem>>, vector<10000x128xf32>
    tpu.vector_store %arg5[%swap3A_40, %swap3A_41], %dot_general3A_39 {strides = array<i32>} : memref<20000x128xf32, #tpu.memory_space<vmem>>, vector<10000x128xf32>,
    return
  }
}

module attributes {stable_mosaic.version = 14 : i64} {
  func.func @_tc_l2_body(%arg0: memref<20000x128xf32, #tpu.memory_space<vmem>>, %arg1: memref<20000x128xf32, #tpu.memory_space<vmem>>, %arg2: memref<10000x1xf32, #tpu.memory_space<vmem>>, %arg3: memref<10000x1xf32, #tpu.memory_space<vmem>>, %arg4: memref<2x128xf32, #tpu.memory_space<vmem>>, %arg5: memref<2x128xf32, #tpu.memory_space<vmem>>, %arg6: memref<2x128x128xf32, #tpu.memory_space<vmem>>, %arg7: memref<2x128x128xf32, #tpu.memory_space<vmem>>, %arg8: memref<20000x128xf32, #tpu.memory_space<vmem>>, %arg9: memref<20000x128xf32, #tpu.memory_space<vmem>>) attributes {dimension_semantics = [], scalar_prefetch = 0 : i64, scratch_operands = 0 : i64, tpu.core_type = #tpu.core_type<tc>} {
    %get3A = arith.constant 0 : index
    %get3A_0 = arith.constant 0 : index
    %get3A_1 = vector.load %arg2[%get3A, %get3A_0] : memref<10000x1xf32, #tpu.memory_space<vmem>>, vector<10000x1xf32>
    %max3A = arith.constant 1.000000e+00 : f32
    %max3A_2 = vector.broadcast %max3A : f32 to vector<10000x1xf32>
    %max3A_3 = arith.maximumf %get3A_1, %max3A_2 : vector<10000x1xf32>
    %div3A = arith.constant 1.000000e+00 : f32
    %div3A_4 = vector.broadcast %div3A : f32 to vector<10000x1xf32>
    %div3A_5 = arith.divf %div3A_4, %max3A_3 : vector<10000x1xf32>
    %get3A_6 = arith.constant 0 : index
    %get3A_7 = arith.constant 0 : index
    %get3A_8 = vector.load %arg3[%get3A_6, %get3A_7] : memref<10000x1xf32, #tpu.memory_space<vmem>>, vector<10000x1xf32>
    %max3A_9 = arith.constant 1.000000e+00 : f32
    %max3A_10 = vector.broadcast %max3A_9 : f32 to vector<10000x1xf32>
    %max3A_11 = arith.maximumf %get3A_8, %max3A_10 : vector<10000x1xf32>
    %div3A_12 = arith.constant 1.000000e+00 : f32
    %div3A_13 = vector.broadcast %div3A_12 : f32 to vector<10000x1xf32>
    %div3A_14 = arith.divf %div3A_13, %max3A_11 : vector<10000x1xf32>
    %get3A_15 = arith.constant 0 : index
    %get3A_16 = arith.constant 0 : index
    %get3A_17 = vector.load %arg0[%get3A_15, %get3A_16] : memref<20000x128xf32, #tpu.memory_space<vmem>>, vector<10000x128xf32>
    %mul3A = vector.broadcast %div3A_5 : vector<10000x1xf32> to vector<10000x128xf32>
    %mul3A_18 = arith.mulf %get3A_17, %mul3A : vector<10000x128xf32>
    %get3A_19 = arith.constant 0 : index
    %get3A_20 = arith.constant 0 : index
    %get3A_21 = vector.load %arg4[%get3A_19, %get3A_20] : memref<2x128xf32, #tpu.memory_space<vmem>>, vector<1x128xf32>
    %get3A_22 = vector.shape_cast %get3A_21 : vector<1x128xf32> to vector<128xf32>
    %broadcast_in_dim3A = vector.shape_cast %get3A_22 : vector<128xf32> to vector<1x128xf32>
    %add3A = vector.broadcast %broadcast_in_dim3A : vector<1x128xf32> to vector<10000x128xf32>
    %add3A_23 = arith.addf %mul3A_18, %add3A : vector<10000x128xf32>
    %get3A_24 = arith.constant 0 : index
    %get3A_25 = arith.constant 0 : index
    %get3A_26 = vector.load %arg1[%get3A_24, %get3A_25] : memref<20000x128xf32, #tpu.memory_space<vmem>>, vector<10000x128xf32>
    %mul3A_27 = vector.broadcast %div3A_14 : vector<10000x1xf32> to vector<10000x128xf32>
    %mul3A_28 = arith.mulf %get3A_26, %mul3A_27 : vector<10000x128xf32>
    %add3A_29 = arith.addf %add3A_23, %mul3A_28 : vector<10000x128xf32>
    %get3A_30 = arith.constant 1 : index
    %get3A_31 = arith.constant 0 : index
    %get3A_32 = vector.load %arg4[%get3A_30, %get3A_31] : memref<2x128xf32, #tpu.memory_space<vmem>>, vector<1x128xf32>
    %get3A_33 = vector.shape_cast %get3A_32 : vector<1x128xf32> to vector<128xf32>
    %broadcast_in_dim3A_34 = vector.shape_cast %get3A_33 : vector<128xf32> to vector<1x128xf32>
    %add3A_35 = vector.broadcast %broadcast_in_dim3A_34 : vector<1x128xf32> to vector<10000x128xf32>
    %add3A_36 = arith.addf %add3A_29, %add3A_35 : vector<10000x128xf32>
    %max3A_37 = arith.constant 0.000000e+00 : f32
    %max3A_38 = vector.broadcast %max3A_37 : f32 to vector<10000x128xf32>
    %max3A_39 = arith.maximumf %add3A_36, %max3A_38 : vector<10000x128xf32>
    %get3A_40 = arith.constant 10000 : index
    %get3A_41 = arith.constant 0 : index
    %get3A_42 = vector.load %arg0[%get3A_40, %get3A_41] : memref<20000x128xf32, #tpu.memory_space<vmem>>, vector<10000x128xf32>
    %mul3A_43 = vector.broadcast %div3A_5 : vector<10000x1xf32> to vector<10000x128xf32>
    %mul3A_44 = arith.mulf %get3A_42, %mul3A_43 : vector<10000x128xf32>
    %get3A_45 = arith.constant 0 : index
    %get3A_46 = arith.constant 0 : index
    %get3A_47 = vector.load %arg5[%get3A_45, %get3A_46] : memref<2x128xf32, #tpu.memory_space<vmem>>, vector<1x128xf32>
    %get3A_48 = vector.shape_cast %get3A_47 : vector<1x128xf32> to vector<128xf32>
    %broadcast_in_dim3A_49 = vector.shape_cast %get3A_48 : vector<128xf32> to vector<1x128xf32>
    %add3A_50 = vector.broadcast %broadcast_in_dim3A_49 : vector<1x128xf32> to vector<10000x128xf32>
    %add3A_51 = arith.addf %mul3A_44, %add3A_50 : vector<10000x128xf32>
    %get3A_52 = arith.constant 10000 : index
    %get3A_53 = arith.constant 0 : index
    %get3A_54 = vector.load %arg1[%get3A_52, %get3A_53] : memref<20000x128xf32, #tpu.memory_space<vmem>>, vector<10000x128xf32>
    %mul3A_55 = vector.broadcast %div3A_14 : vector<10000x1xf32> to vector<10000x128xf32>
    %mul3A_56 = arith.mulf %get3A_54, %mul3A_55 : vector<10000x128xf32>
    %add3A_57 = arith.addf %add3A_51, %mul3A_56 : vector<10000x128xf32>
    %get3A_58 = arith.constant 1 : index
    %get3A_59 = arith.constant 0 : index
    %get3A_60 = vector.load %arg5[%get3A_58, %get3A_59] : memref<2x128xf32, #tpu.memory_space<vmem>>, vector<1x128xf32>
    %get3A_61 = vector.shape_cast %get3A_60 : vector<1x128xf32> to vector<128xf32>
    %broadcast_in_dim3A_62 = vector.shape_cast %get3A_61 : vector<128xf32> to vector<1x128xf32>
    %add3A_63 = vector.broadcast %broadcast_in_dim3A_62 : vector<1x128xf32> to vector<10000x128xf32>
    %add3A_64 = arith.addf %add3A_57, %add3A_63 : vector<10000x128xf32>
    %max3A_65 = arith.constant 0.000000e+00 : f32
    %max3A_66 = vector.broadcast %max3A_65 : f32 to vector<10000x128xf32>
    %max3A_67 = arith.maximumf %add3A_64, %max3A_66 : vector<10000x128xf32>
    %get3A_68 = arith.constant 0 : index
    %get3A_69 = arith.constant 0 : index
    %get3A_70 = arith.constant 0 : index
    %get3A_71 = vector.load %arg6[%get3A_68, %get3A_69, %get3A_70] : memref<2x128x128xf32, #tpu.memory_space<vmem>>, vector<1x128x128xf32>
    %get3A_72 = vector.shape_cast %get3A_71 : vector<1x128x128xf32> to vector<128x128xf32>
    %dot_general3A = arith.constant dense<0.000000e+00> : vector<10000x128xf32>
    %dot_general3A_73 = tpu.matmul %max3A_39, %get3A_72, %dot_general3A {dimension_numbers = #tpu.dot_dimension_numbers<[1], [0], [0], [1], [0, 0, 1, 1], [], []>, transpose_lhs_hint = false} : vector<10000x128xf32>, vector<128x128xf32>, vector<10000x128xf32> -> vector<10000x128xf32>
    %swap3A = arith.constant 0 : index
    %swap3A_74 = arith.constant 0 : index
    %swap3A_75 = vector.load %arg8[%swap3A, %swap3A_74] : memref<20000x128xf32, #tpu.memory_space<vmem>>, vector<10000x128xf32>
    tpu.vector_store %arg8[%swap3A, %swap3A_74], %dot_general3A_73 {strides = array<i32>} : memref<20000x128xf32, #tpu.memory_space<vmem>>, vector<10000x128xf32>,
    %get3A_76 = arith.constant 0 : index
    %get3A_77 = arith.constant 0 : index
    %get3A_78 = arith.constant 0 : index
    %get3A_79 = vector.load %arg7[%get3A_76, %get3A_77, %get3A_78] : memref<2x128x128xf32, #tpu.memory_space<vmem>>, vector<1x128x128xf32>
    %get3A_80 = vector.shape_cast %get3A_79 : vector<1x128x128xf32> to vector<128x128xf32>
    %dot_general3A_81 = arith.constant dense<0.000000e+00> : vector<10000x128xf32>
    %dot_general3A_82 = tpu.matmul %max3A_67, %get3A_80, %dot_general3A_81 {dimension_numbers = #tpu.dot_dimension_numbers<[1], [0], [0], [1], [0, 0, 1, 1], [], []>, transpose_lhs_hint = false} : vector<10000x128xf32>, vector<128x128xf32>, vector<10000x128xf32> -> vector<10000x128xf32>
    %swap3A_83 = arith.constant 10000 : index
    %swap3A_84 = arith.constant 0 : index
    %swap3A_85 = vector.load %arg8[%swap3A_83, %swap3A_84] : memref<20000x128xf32, #tpu.memory_space<vmem>>, vector<10000x128xf32>
    tpu.vector_store %arg8[%swap3A_83, %swap3A_84], %dot_general3A_82 {strides = array<i32>} : memref<20000x128xf32, #tpu.memory_space<vmem>>, vector<10000x128xf32>,
    %get3A_86 = arith.constant 1 : index
    %get3A_87 = arith.constant 0 : index
    %get3A_88 = arith.constant 0 : index
    %get3A_89 = vector.load %arg6[%get3A_86, %get3A_87, %get3A_88] : memref<2x128x128xf32, #tpu.memory_space<vmem>>, vector<1x128x128xf32>
    %get3A_90 = vector.shape_cast %get3A_89 : vector<1x128x128xf32> to vector<128x128xf32>
    %dot_general3A_91 = arith.constant dense<0.000000e+00> : vector<10000x128xf32>
    %dot_general3A_92 = tpu.matmul %max3A_39, %get3A_90, %dot_general3A_91 {dimension_numbers = #tpu.dot_dimension_numbers<[1], [0], [0], [1], [0, 0, 1, 1], [], []>, transpose_lhs_hint = false} : vector<10000x128xf32>, vector<128x128xf32>, vector<10000x128xf32> -> vector<10000x128xf32>
    %swap3A_93 = arith.constant 0 : index
    %swap3A_94 = arith.constant 0 : index
    %swap3A_95 = vector.load %arg9[%swap3A_93, %swap3A_94] : memref<20000x128xf32, #tpu.memory_space<vmem>>, vector<10000x128xf32>
    tpu.vector_store %arg9[%swap3A_93, %swap3A_94], %dot_general3A_92 {strides = array<i32>} : memref<20000x128xf32, #tpu.memory_space<vmem>>, vector<10000x128xf32>,
    %get3A_96 = arith.constant 1 : index
    %get3A_97 = arith.constant 0 : index
    %get3A_98 = arith.constant 0 : index
    %get3A_99 = vector.load %arg7[%get3A_96, %get3A_97, %get3A_98] : memref<2x128x128xf32, #tpu.memory_space<vmem>>, vector<1x128x128xf32>
    %get3A_100 = vector.shape_cast %get3A_99 : vector<1x128x128xf32> to vector<128x128xf32>
    %dot_general3A_101 = arith.constant dense<0.000000e+00> : vector<10000x128xf32>
    %dot_general3A_102 = tpu.matmul %max3A_67, %get3A_100, %dot_general3A_101 {dimension_numbers = #tpu.dot_dimension_numbers<[1], [0], [0], [1], [0, 0, 1, 1], [], []>, transpose_lhs_hint = false} : vector<10000x128xf32>, vector<128x128xf32>, vector<10000x128xf32> -> vector<10000x128xf32>
    %swap3A_103 = arith.constant 10000 : index
    %swap3A_104 = arith.constant 0 : index
    %swap3A_105 = vector.load %arg9[%swap3A_103, %swap3A_104] : memref<20000x128xf32, #tpu.memory_space<vmem>>, vector<10000x128xf32>
    tpu.vector_store %arg9[%swap3A_103, %swap3A_104], %dot_general3A_102 {strides = array<i32>} : memref<20000x128xf32, #tpu.memory_space<vmem>>, vector<10000x128xf32>,
    return
  }
}

module attributes {stable_mosaic.version = 14 : i64} {
  func.func @_tc_pred_body(%arg0: memref<20000x128xf32, #tpu.memory_space<vmem>>, %arg1: memref<20000x128xf32, #tpu.memory_space<vmem>>, %arg2: memref<10000x1xf32, #tpu.memory_space<vmem>>, %arg3: memref<10000x1xf32, #tpu.memory_space<vmem>>, %arg4: memref<2x128xf32, #tpu.memory_space<vmem>>, %arg5: memref<2x128xf32, #tpu.memory_space<vmem>>, %arg6: memref<512x256xf32, #tpu.memory_space<vmem>>, %arg7: memref<256xf32, #tpu.memory_space<vmem>>, %arg8: memref<256x2xf32, #tpu.memory_space<vmem>>, %arg9: memref<2xf32, #tpu.memory_space<vmem>>, %arg10: memref<10000x2xf32, #tpu.memory_space<vmem>>, %arg11: memref<10000x2xf32, #tpu.memory_space<vmem>>) attributes {dimension_semantics = [], scalar_prefetch = 0 : i64, scratch_operands = 0 : i64, tpu.core_type = #tpu.core_type<tc>} {
    %get3A = arith.constant 0 : index
    %get3A_0 = arith.constant 0 : index
    %get3A_1 = vector.load %arg2[%get3A, %get3A_0] : memref<10000x1xf32, #tpu.memory_space<vmem>>, vector<10000x1xf32>
    %max3A = arith.constant 1.000000e+00 : f32
    %max3A_2 = vector.broadcast %max3A : f32 to vector<10000x1xf32>
    %max3A_3 = arith.maximumf %get3A_1, %max3A_2 : vector<10000x1xf32>
    %div3A = arith.constant 1.000000e+00 : f32
    %div3A_4 = vector.broadcast %div3A : f32 to vector<10000x1xf32>
    %div3A_5 = arith.divf %div3A_4, %max3A_3 : vector<10000x1xf32>
    %get3A_6 = arith.constant 0 : index
    %get3A_7 = arith.constant 0 : index
    %get3A_8 = vector.load %arg3[%get3A_6, %get3A_7] : memref<10000x1xf32, #tpu.memory_space<vmem>>, vector<10000x1xf32>
    %max3A_9 = arith.constant 1.000000e+00 : f32
    %max3A_10 = vector.broadcast %max3A_9 : f32 to vector<10000x1xf32>
    %max3A_11 = arith.maximumf %get3A_8, %max3A_10 : vector<10000x1xf32>
    %div3A_12 = arith.constant 1.000000e+00 : f32
    %div3A_13 = vector.broadcast %div3A_12 : f32 to vector<10000x1xf32>
    %div3A_14 = arith.divf %div3A_13, %max3A_11 : vector<10000x1xf32>
    %get3A_15 = arith.constant 0 : index
    %get3A_16 = arith.constant 0 : index
    %get3A_17 = vector.load %arg0[%get3A_15, %get3A_16] : memref<20000x128xf32, #tpu.memory_space<vmem>>, vector<10000x128xf32>
    %mul3A = vector.broadcast %div3A_5 : vector<10000x1xf32> to vector<10000x128xf32>
    %mul3A_18 = arith.mulf %get3A_17, %mul3A : vector<10000x128xf32>
    %get3A_19 = arith.constant 0 : index
    %get3A_20 = arith.constant 0 : index
    %get3A_21 = vector.load %arg4[%get3A_19, %get3A_20] : memref<2x128xf32, #tpu.memory_space<vmem>>, vector<1x128xf32>
    %get3A_22 = vector.shape_cast %get3A_21 : vector<1x128xf32> to vector<128xf32>
    %broadcast_in_dim3A = vector.shape_cast %get3A_22 : vector<128xf32> to vector<1x128xf32>
    %add3A = vector.broadcast %broadcast_in_dim3A : vector<1x128xf32> to vector<10000x128xf32>
    %add3A_23 = arith.addf %mul3A_18, %add3A : vector<10000x128xf32>
    %get3A_24 = arith.constant 0 : index
    %get3A_25 = arith.constant 0 : index
    %get3A_26 = vector.load %arg1[%get3A_24, %get3A_25] : memref<20000x128xf32, #tpu.memory_space<vmem>>, vector<10000x128xf32>
    %mul3A_27 = vector.broadcast %div3A_14 : vector<10000x1xf32> to vector<10000x128xf32>
    %mul3A_28 = arith.mulf %get3A_26, %mul3A_27 : vector<10000x128xf32>
    %add3A_29 = arith.addf %add3A_23, %mul3A_28 : vector<10000x128xf32>
    %get3A_30 = arith.constant 1 : index
    %get3A_31 = arith.constant 0 : index
    %get3A_32 = vector.load %arg4[%get3A_30, %get3A_31] : memref<2x128xf32, #tpu.memory_space<vmem>>, vector<1x128xf32>
    %get3A_33 = vector.shape_cast %get3A_32 : vector<1x128xf32> to vector<128xf32>
    %broadcast_in_dim3A_34 = vector.shape_cast %get3A_33 : vector<128xf32> to vector<1x128xf32>
    %add3A_35 = vector.broadcast %broadcast_in_dim3A_34 : vector<1x128xf32> to vector<10000x128xf32>
    %add3A_36 = arith.addf %add3A_29, %add3A_35 : vector<10000x128xf32>
    %get3A_37 = arith.constant 10000 : index
    %get3A_38 = arith.constant 0 : index
    %get3A_39 = vector.load %arg0[%get3A_37, %get3A_38] : memref<20000x128xf32, #tpu.memory_space<vmem>>, vector<10000x128xf32>
    %mul3A_40 = vector.broadcast %div3A_5 : vector<10000x1xf32> to vector<10000x128xf32>
    %mul3A_41 = arith.mulf %get3A_39, %mul3A_40 : vector<10000x128xf32>
    %get3A_42 = arith.constant 0 : index
    %get3A_43 = arith.constant 0 : index
    %get3A_44 = vector.load %arg5[%get3A_42, %get3A_43] : memref<2x128xf32, #tpu.memory_space<vmem>>, vector<1x128xf32>
    %get3A_45 = vector.shape_cast %get3A_44 : vector<1x128xf32> to vector<128xf32>
    %broadcast_in_dim3A_46 = vector.shape_cast %get3A_45 : vector<128xf32> to vector<1x128xf32>
    %add3A_47 = vector.broadcast %broadcast_in_dim3A_46 : vector<1x128xf32> to vector<10000x128xf32>
    %add3A_48 = arith.addf %mul3A_41, %add3A_47 : vector<10000x128xf32>
    %get3A_49 = arith.constant 10000 : index
    %get3A_50 = arith.constant 0 : index
    %get3A_51 = vector.load %arg1[%get3A_49, %get3A_50] : memref<20000x128xf32, #tpu.memory_space<vmem>>, vector<10000x128xf32>
    %mul3A_52 = vector.broadcast %div3A_14 : vector<10000x1xf32> to vector<10000x128xf32>
    %mul3A_53 = arith.mulf %get3A_51, %mul3A_52 : vector<10000x128xf32>
    %add3A_54 = arith.addf %add3A_48, %mul3A_53 : vector<10000x128xf32>
    %get3A_55 = arith.constant 1 : index
    %get3A_56 = arith.constant 0 : index
    %get3A_57 = vector.load %arg5[%get3A_55, %get3A_56] : memref<2x128xf32, #tpu.memory_space<vmem>>, vector<1x128xf32>
    %get3A_58 = vector.shape_cast %get3A_57 : vector<1x128xf32> to vector<128xf32>
    %broadcast_in_dim3A_59 = vector.shape_cast %get3A_58 : vector<128xf32> to vector<1x128xf32>
    %add3A_60 = vector.broadcast %broadcast_in_dim3A_59 : vector<1x128xf32> to vector<10000x128xf32>
    %add3A_61 = arith.addf %add3A_54, %add3A_60 : vector<10000x128xf32>
    %get3A_62 = arith.constant 0 : index
    %get3A_63 = arith.constant 0 : index
    %get3A_64 = vector.load %arg6[%get3A_62, %get3A_63] : memref<512x256xf32, #tpu.memory_space<vmem>>, vector<512x256xf32>
    %get3A_65 = arith.constant 0 : index
    %get3A_66 = arith.constant 0 : index
    %get3A_67 = vector.load %arg8[%get3A_65, %get3A_66] : memref<256x2xf32, #tpu.memory_space<vmem>>, vector<256x2xf32>
    %dot_general3A = arith.constant dense<0.000000e+00> : vector<512x2xf32>
    %dot_general3A_68 = tpu.matmul %get3A_64, %get3A_67, %dot_general3A {dimension_numbers = #tpu.dot_dimension_numbers<[1], [0], [0], [1], [0, 0, 1, 1], [], []>, transpose_lhs_hint = false} : vector<512x256xf32>, vector<256x2xf32>, vector<512x2xf32> -> vector<512x2xf32>
    %get3A_69 = arith.constant 0 : index
    %get3A_70 = vector.load %arg7[%get3A_69] : memref<256xf32, #tpu.memory_space<vmem>>, vector<256xf32>
    %reshape3A = vector.shape_cast %get3A_70 : vector<256xf32> to vector<1x256xf32>
    %get3A_71 = arith.constant 0 : index
    %get3A_72 = arith.constant 0 : index
    %get3A_73 = vector.load %arg8[%get3A_71, %get3A_72] : memref<256x2xf32, #tpu.memory_space<vmem>>, vector<256x2xf32>
    %dot_general3A_74 = arith.constant dense<0.000000e+00> : vector<1x2xf32>
    %dot_general3A_75 = tpu.matmul %reshape3A, %get3A_73, %dot_general3A_74 {dimension_numbers = #tpu.dot_dimension_numbers<[1], [0], [0], [1], [0, 0, 1, 1], [], []>, transpose_lhs_hint = false} : vector<1x256xf32>, vector<256x2xf32>, vector<1x2xf32> -> vector<1x2xf32>
    %get3A_76 = arith.constant 0 : index
    %get3A_77 = vector.load %arg9[%get3A_76] : memref<2xf32, #tpu.memory_space<vmem>>, vector<2xf32>
    %reshape3A_78 = vector.shape_cast %get3A_77 : vector<2xf32> to vector<1x2xf32>
    %add3A_79 = arith.addf %dot_general3A_75, %reshape3A_78 : vector<1x2xf32>
    %slice3A = vector.extract_strided_slice %dot_general3A_68 {offsets = [0, 0], sizes = [128, 2], strides = [1, 1]} : vector<512x2xf32> to vector<128x2xf32>
    %dot_general3A_80 = arith.constant dense<0.000000e+00> : vector<10000x2xf32>
    %dot_general3A_81 = tpu.matmul %add3A_36, %slice3A, %dot_general3A_80 {dimension_numbers = #tpu.dot_dimension_numbers<[1], [0], [0], [1], [0, 0, 1, 1], [], []>, transpose_lhs_hint = false} : vector<10000x128xf32>, vector<128x2xf32>, vector<10000x2xf32> -> vector<10000x2xf32>
    %slice3A_82 = vector.extract_strided_slice %dot_general3A_68 {offsets = [128, 0], sizes = [128, 2], strides = [1, 1]} : vector<512x2xf32> to vector<128x2xf32>
    %dot_general3A_83 = arith.constant dense<0.000000e+00> : vector<10000x2xf32>
    %dot_general3A_84 = tpu.matmul %add3A_61, %slice3A_82, %dot_general3A_83 {dimension_numbers = #tpu.dot_dimension_numbers<[1], [0], [0], [1], [0, 0, 1, 1], [], []>, transpose_lhs_hint = false} : vector<10000x128xf32>, vector<128x2xf32>, vector<10000x2xf32> -> vector<10000x2xf32>
    %add3A_85 = arith.addf %dot_general3A_81, %dot_general3A_84 : vector<10000x2xf32>
    %add3A_86 = vector.broadcast %add3A_79 : vector<1x2xf32> to vector<10000x2xf32>
    %add3A_87 = arith.addf %add3A_85, %add3A_86 : vector<10000x2xf32>
    %slice3A_88 = vector.extract_strided_slice %dot_general3A_68 {offsets = [256, 0], sizes = [128, 2], strides = [1, 1]} : vector<512x2xf32> to vector<128x2xf32>
    %dot_general3A_89 = arith.constant dense<0.000000e+00> : vector<10000x2xf32>
    %dot_general3A_90 = tpu.matmul %add3A_36, %slice3A_88, %dot_general3A_89 {dimension_numbers = #tpu.dot_dimension_numbers<[1], [0], [0], [1], [0, 0, 1, 1], [], []>, transpose_lhs_hint = false} : vector<10000x128xf32>, vector<128x2xf32>, vector<10000x2xf32> -> vector<10000x2xf32>
    %slice3A_91 = vector.extract_strided_slice %dot_general3A_68 {offsets = [384, 0], sizes = [128, 2], strides = [1, 1]} : vector<512x2xf32> to vector<128x2xf32>
    %dot_general3A_92 = arith.constant dense<0.000000e+00> : vector<10000x2xf32>
    %dot_general3A_93 = tpu.matmul %add3A_61, %slice3A_91, %dot_general3A_92 {dimension_numbers = #tpu.dot_dimension_numbers<[1], [0], [0], [1], [0, 0, 1, 1], [], []>, transpose_lhs_hint = false} : vector<10000x128xf32>, vector<128x2xf32>, vector<10000x2xf32> -> vector<10000x2xf32>
    %add3A_94 = arith.addf %dot_general3A_90, %dot_general3A_93 : vector<10000x2xf32>
    %swap3A = arith.constant 0 : index
    %swap3A_95 = arith.constant 0 : index
    %swap3A_96 = vector.load %arg10[%swap3A, %swap3A_95] : memref<10000x2xf32, #tpu.memory_space<vmem>>, vector<10000x2xf32>
    tpu.vector_store %arg10[%swap3A, %swap3A_95], %add3A_87 {strides = array<i32>} : memref<10000x2xf32, #tpu.memory_space<vmem>>, vector<10000x2xf32>,
    %swap3A_97 = arith.constant 0 : index
    %swap3A_98 = arith.constant 0 : index
    %swap3A_99 = vector.load %arg11[%swap3A_97, %swap3A_98] : memref<10000x2xf32, #tpu.memory_space<vmem>>, vector<10000x2xf32>
    tpu.vector_store %arg11[%swap3A_97, %swap3A_98], %add3A_94 {strides = array<i32>} : memref<10000x2xf32, #tpu.memory_space<vmem>>, vector<10000x2xf32>,
    return
  }
}

</mosaic_0001>

<sc_bundles>
// kernel: kernel.11.cloned.1.call-start
scs
__scs_entry_jumppad:
0x0: {  	(pc) =	sbr.rel $0x88, $3  }
0x1: {  	(tag) =	ssettag $0x0;
	lr =	simm.s32 $0x1  }
0x2: {  	[smem:$0x3F90] =	sst lr;
	_ =	strace $0xD0000000  }
0x3: {  	_ = 	snop  }
0x4: {  	_ = 	snop  }
0x5: {  	_ = 	snop  }
0x6: {  	_ = 	snop  }
0x7: {  	_ = 	snop  }
__scs_overlays_trampoline_lowered:
0x8: {  	[smem:$0x3F9F] =	sst s0  }
0x9: {  	[smem:$0x3FA0] =	sst s1  }
0xa: {  	[smem:$0x3FA1] =	sst s2  }
0xb: {  	[smem:$0x3FA2] =	sst s3  }
0xc: {  	[smem:$0x3FA3] =	sst s4  }
0xd: {  	[smem:$0x3FA4] =	sst s5  }
0xe: {  	[smem:$0x3FA5] =	sst s6  }
0xf: {  	[smem:$0x3FA6] =	sst s7  }
0x10: {  	[smem:$0x3FA7] =	sst s8  }
0x11: {  	[smem:$0x3FA8] =	sst s9;
	s0 =	simm.s32 @!p0 $0x0  }
0x12: {  	s1 =	sld [smem:$0x3F8E];
	s0 =	simm.s32 @p0 $0x1  }
0x13: {  	[smem:$0x3FA9] =	sst s0;
	s0 =	simm.s32 @!p1 $0x0  }
0x14: {  	s2 =	sld [smem:$0x3F8D];
	s0 =	simm.s32 @p1 $0x1  }
0x15: {  	[smem:$0x3FAA] =	sst s0;
	s0 =	simm.s32 @!p2 $0x0  }
0x16: {  	s3 =	sld [smem:$0x3FDB];
	s0 =	simm.s32 @p2 $0x1  }
0x17: {  	s4 =	simm.s32 $0x1BF5;
	[smem:$0x3FAC] =	sst s0  }
0x18: {  	s0 =	sld [smem:$0x3F8F];
	_ =	swait.ge [sflag:s4], $0x0  }
0x19: {  	s7 =	sld [smem:$0x3F90]  }
0x1a: {  	s8 =	sadd.s32 $0xFFFFE003, lr  }
0x1b: {  	s9 =	sadd.s32 $0xFFFFFEF7, lr;
	s5 =	simm.s32 $0xFFFFFFFF;
	p2 =	slt.u32 s8, $0xFFFFF086  }
0x1c: {  	p1 =	slt.u32 s9, $0xF7A;
	s5 =	simm.s32 @!p2 $0x0  }
0x1d: {  	s5 =	simm.s32 @p1 $0x1;
	p0 =	seq.s32 s7, s2  }
0x1e: {  	s7 =	smul.u32 @!p0 $0xF7A, s2;
	p2 =	seq.s32 @!p0 s5, $0x0  }
0x1f: {  	s9 =	smul.u32 $0xF7A, s1;
	s8 =	simm.s32 @!p0 $0x1BF5;
	p2 =	por !p2, p0  }
0x20: {  	[sflag:s8] =	ssyncset.s32 @!p0 $0xFFFFF086;
	s6 =	sadd.s32 @!p0 s3, s7;
	s7 =	simm.s32 @!p0 $0x108  }
0x21: {  	s3 =	sadd.s32 s3, s9;
	s6 =	sadd.s32 @!p0 $0x88, s6;
	s7 =	simm.s32 @p2 $0x1082  }
0x22: {  	[simem:s7], [sflag:s8] =	dma.local @!p0 [hbm:s6], $0xF7A  }
0x23: {  	s9 =	sor.u32 $0xD0000000, s2;
	s6 =	simm.s32 $0x108;
	_ =	swait.ge @!p0 [sflag:s8], $0x0  }
0x24: {  	s3 =	sadd.s32 $0x88, s3;
	s6 =	simm.s32 @!p1 $0x1082;
	[sflag:s4] =	ssyncset.s32 $0xFFFFF086  }
0x25: {  	[simem:s6], [sflag:s4] =	dma.local [hbm:s3], $0xF7A  }
0x26: {  	[smem:$0x3F90] =	sst s1;
	(tag) =	ssettag s2;
	_ =	strace s9  }
0x27: {  	s1 =	sld [smem:$0x3FA0]  }
0x28: {  	s2 =	sld [smem:$0x3FA1]  }
0x29: {  	s4 =	sld [smem:$0x3FA3]  }
0x2a: {  	p0 =	seq.s32 s5, $0x0;
	s5 =	sld [smem:$0x3FA4]  }
0x2b: {  	s6 =	sld [smem:$0x3FA5]  }
0x2c: {  	s7 =	sld [smem:$0x3FA6]  }
0x2d: {  	s3 =	simm.s32 $0x108;
	s8 =	sld [smem:$0x3FA7]  }
0x2e: {  	s3 =	simm.s32 @!p0 $0x1082;
	s9 =	sld [smem:$0x3FA8]  }
0x2f: {  	lr =	sadd.s32 s0, s3;
	s0 =	sld [smem:$0x3F9F]  }
0x30: {  	s3 =	sld [smem:$0x3FA2]  }
0x31: {  	[smem:$0x3FAB] =	sst s10  }
0x32: {  	s10 =	sld [smem:$0x3FA9];
	_ =	sdelay $0x3  }
0x33: {  	p0 =	seq.s32 s10, $0x1;
	s10 =	sld [smem:$0x3FAB];
	_ =	sdelay $0x3  }
0x34: {  	[smem:$0x3FAB] =	sst s10  }
0x35: {  	s10 =	sld [smem:$0x3FAA];
	_ =	sdelay $0x3  }
0x36: {  	p1 =	seq.s32 s10, $0x1;
	s10 =	sld [smem:$0x3FAB];
	_ =	sdelay $0x3  }
0x37: {  	[smem:$0x3FAB] =	sst s10  }
0x38: {  	s10 =	sld [smem:$0x3FAC]  }
0x39: {  	_ = 	snop;
	(pc) =	sbr.ind lr, $3  }
0x3a: {  	_ = 	snop  }
0x3b: {  	_ = 	snop  }
0x3c: {  	p2 =	seq.s32 s10, $0x1;
	s10 =	sld [smem:$0x3FAB]  }
0x3d: {  	_ =	shalt  }
0x3e: {  	_ =	shalt  }
0x3f: {  	_ =	shalt  }
0x40: {  	_ =	shalt  }
0x41: {  	_ =	shalt  }
0x42: {  	_ =	shalt  }
0x43: {  	_ =	shalt  }
0x44: {  	_ =	shalt  }
0x45: {  	_ =	shalt  }
0x46: {  	_ =	shalt  }
0x47: {  	_ =	shalt  }
0x48: {  	_ =	shalt  }
0x49: {  	_ =	shalt  }
0x4a: {  	_ =	shalt  }
0x4b: {  	_ =	shalt  }
0x4c: {  	_ =	shalt  }
0x4d: {  	_ =	shalt  }
0x4e: {  	_ =	shalt  }
0x4f: {  	_ =	shalt  }
0x50: {  	_ =	shalt  }
0x51: {  	_ =	shalt  }
0x52: {  	_ =	shalt  }
0x53: {  	_ =	shalt  }
0x54: {  	_ =	shalt  }
0x55: {  	_ =	shalt  }
0x56: {  	_ =	shalt  }
0x57: {  	_ =	shalt  }
0x58: {  	_ =	shalt  }
0x59: {  	_ =	shalt  }
0x5a: {  	_ =	shalt  }
0x5b: {  	_ =	shalt  }
0x5c: {  	_ =	shalt  }
0x5d: {  	_ =	shalt  }
0x5e: {  	_ =	shalt  }
0x5f: {  	_ =	shalt  }
0x60: {  	_ =	shalt  }
0x61: {  	_ =	shalt  }
0x62: {  	_ =	shalt  }
0x63: {  	_ =	shalt  }
0x64: {  	_ =	shalt  }
0x65: {  	_ =	shalt  }
0x66: {  	_ =	shalt  }
0x67: {  	_ =	shalt  }
0x68: {  	_ =	shalt  }
0x69: {  	_ =	shalt  }
0x6a: {  	_ =	shalt  }
0x6b: {  	_ =	shalt  }
0x6c: {  	_ =	shalt  }
0x6d: {  	_ =	shalt  }
0x6e: {  	_ =	shalt  }
0x6f: {  	_ =	shalt  }
0x70: {  	_ =	shalt  }
0x71: {  	_ =	shalt  }
0x72: {  	_ =	shalt  }
0x73: {  	_ =	shalt  }
0x74: {  	_ =	shalt  }
0x75: {  	_ =	shalt  }
0x76: {  	_ =	shalt  }
0x77: {  	_ =	shalt  }
0x78: {  	_ =	shalt  }
0x79: {  	_ =	shalt  }
0x7a: {  	_ =	shalt  }
0x7b: {  	_ =	shalt  }
0x7c: {  	_ =	shalt  }
0x7d: {  	_ =	shalt  }
0x7e: {  	_ =	shalt  }
0x7f: {  	_ =	shalt  }
0x80: {  	_ =	shalt  }
0x81: {  	_ =	shalt  }
0x82: {  	_ =	shalt  }
0x83: {  	_ =	shalt  }
0x84: {  	_ =	shalt  }
0x85: {  	_ =	shalt  }
0x86: {  	_ =	shalt  }
0x87: {  	_ =	shalt  }
.Lfunc_end0:
.L_simem_size_0:
called_computation.1_lowered:
.L_overlay_start_0:
0x88: {  	s2 =	sld [smem:$0x3FD9]  }
0x89: {  	s3 =	sld [smem:$0x3FFE];
	_ =	sdelay $0x1  }
0x8a: {  	s1 =	srdreg.scid  }
0x8b: {  	s0 =	sand.u32 $0x1, s1  }
0x8c: {  	s17 =	sshll.u32 s0, $0xA;
	s2 =	sadd.s32 s3, s2  }
0x8d: {  	s2 =	sadd.s32 s2, s17  }
0x8e: {  	[smem:$0x3FB7] =	sst s2  }
0x8f: {  	_ = 	snop  }
0x90: {  	s2 =	sld [smem:$0x3FD0];
	(tm) =	ssettm $0x1  }
0x91: {  	s18 =	sld [smem:$0x3FFB];
	_ =	sdelay $0x3  }
0x92: {  	_ =	strace s18  }
0x93: {  	s3 =	sld [smem:$0x3FFC];
	_ =	sdelay $0x3  }
0x94: {  	_ =	strace s3  }
0x95: {  	s3 =	sld [smem:$0x3FFD];
	_ =	sdelay $0x3  }
0x96: {  	_ =	strace s3  }
0x97: {  	_ =	strace $0x8FFFFFFF  }
0x98: {  	s19 =	sld [smem:$0x3FDB];
	_ =	sdelay $0x1  }
0x99: {  	s4 =	simm.s32 $_scs_section_size  }
0x9a: {  	s5 =	simm.s32 $_size__tile_overlayer_lowered;
	s6 =	simm.s32 $_tile_overlayer_lowered  }
0x9b: {  	s22 =	simm.s32 $0x1BFF;
	s21 =	sshll.u32 s6, $0x1;
	s3 =	sadd.s32 s4, s19  }
0x9c: {  	s7 =	simm.s32 $0x0;
	s20 =	sshll.u32 s5, $0x1;
	s5 =	sadd.s32 s21, s3  }
0x9d: {  	[timem:s7], [sflag:s22] =	dma.local [hbm:s5], s20  }
0x9e: {  	_ =	swait.ge [sflag:s22], s20  }
0x9f: {  	s4 =	ssub.s32 $0x0, s20;
	[sflag:s22] =	ssyncset.done $0x0  }
0xa0: {  	[sflag:s22] =	ssyncadd.s32 s4;
	_ =	sdelay $0x1  }
0xa1: {  	s23 =	simm.s32 $0x1B8B  }
0xa2: {  	_ =	swait.ge [sflag:s23], $0x1  }
0xa3: {  	[sflag:s23] =	ssyncset.done $0x0  }
0xa4: {  	s25 =	simm.s32 $0x1B8E;
	s24 =	sld [smem:$0x3FFE];
	[sflag:s23] =	ssyncadd.s32 $0xFFFFFFFF  }
0xa5: {  	s26 =	simm.s32 $execute0_lowered;
	[smem:$0x3FD2] =	sst s25  }
0xa6: {  	s5 =	sshll.u32 s26, $0x1;
	_ =	strace $0x80000049;
	[dreg:$0x1] =	wrdreg $0xFFFFFFFF  }
0xa7: {  	s28 =	simm.s32 $_size_execute0_lowered;
	s3 =	sadd.s32 s3, s5;
	[dreg:$0x0] =	wrdreg $0x0  }
0xa8: {  	s5 =	sshll.u32 s28, $0x1;
	[dreg:$0x2] =	wrdreg s3  }
0xa9: {  	[dreg:$0x3] =	wrdreg s5  }
0xaa: {  	[dreg:$0x4] =	wrdreg $0xC0  }
0xab: {  	_ =	task [dreg:s7], $0x5FFFF  }
0xac: {  	[dreg:$0x1] =	wrdreg $0xFFFFFFFF  }
0xad: {  	[dreg:$0x0] =	wrdreg $0x60  }
0xae: {  	[dreg:$0x2] =	wrdreg s24  }
0xaf: {  	[dreg:$0x3] =	wrdreg s2  }
0xb0: {  	[dreg:$0x4] =	wrdreg $0x41000  }
0xb1: {  	[dreg:$0x5] =	wrdreg $0x9  }
0xb2: {  	_ =	task.clear_ibuf [dreg:s7], $0x6FFFF;
	_ =	strace $0x90000049  }
0xb3: {  	s29 =	simm.s32 $0x9;
	_ =	strace $0x8000004B  }
0xb4: {  	_ =	swait.ge [sflag:s29], $0x1  }
0xb5: {  	[sflag:s29] =	ssyncadd.s32 $0xFFFFFFFF  }
0xb6: {  	_ =	strace $0x9000004B  }
0xb7: {  	_ =	sfence  }
0xb8: {  	s30 =	sld [smem:$0x0];
	_ =	sdelay $0x2  }
0xb9: {  	s31 =	sshll.u32 s1, $0xD;
	s1 =	sshrl.u32 s1, $0x2  }
0xba: {  	s3 =	sand.u32 $0x4000, s31;
	s1 =	sadd.s32 s1, s30  }
0xbb: {  	s0 =	sor.u32 s3, s0;
	s1 =	sshll.u32 s1, $0x11  }
0xbc: {  	s0 =	sor.u32 s1, s0  }
0xbd: {  	s0 =	sadd.s32 $0x8F2B, s0  }
0xbe: {  	[sflag:s0] =	ssyncadd.remote.s32 $0x1  }
0xbf: {  	_ =	sfence.sel $0xFFFF  }
0xc0: {  	[dreg:$0x0] =	wrdreg $0xFFFFFFFF;
	(pc) =	sbr.abs _section_cstart, $3  }
0xc1: {  	[dreg:$0x1] =	wrdreg $0xFFFFFFFF  }
0xc2: {  	_ =	task.clear_ibuf [dreg:s7], $0x2FFFF;
	_ =	strace $0x9FFFFFFF  }
0xc3: {  	(tm) =	ssettm $0x7FFFFFFF  }
tec
execute0_lowered:
.L_overlay_start_1:
0x0: {  	(tag) =	ssettag $0x1  }
0x1: {  	s7 =	rddreg [dreg:$0x0]  }
0x2: {  	s17 =	rddreg [dreg:$0x1]  }
0x3: {  	s1 =	rddreg [dreg:$0x2]  }
0x4: {  	s0 =	rddreg [dreg:$0x3];
	s3 =	simm.s32 $0x0;
	s2 =	srdreg.scid  }
0x5: {  	s21 =	simm.s32 $0x80;
	s22 =	simm.s32 $0x100;
	s24 =	simm.s32 $0x10  }
0x6: {  	s25 =	simm.s32 $0x0;
	[smem:$0x7FF] =	sst s3;
	s8 =	sand.u32 $0x1, s2  }
0x7: {  	s2 =	stileid.u32;
	s4 =	sadd.s32 $0x5D800, s7;
	s23 =	smul.u32 $0x2710, s8  }
0x8: {  	s5 =	sadd.s32 $0x14CE00, s7;
	s16 =	sadd.s32 $0x5400, s7;
	s6 =	smul.u32 $0x3E8, s2  }
0x9: {  	s15 =	sadd.s32 $0xA400, s7;
	s18 =	sadd.s32 $0x400, s7;
	s9 =	smul.u32 $0x2710, s2  }
0xa: {  	_ =	strace $0x8000004A;
	s11 =	smul.u32 $0x7D000, s2;
	s30 =	ssub.s32 $0x2, s8  }
0xb: {  	s19 =	smul.u32 $0x4E2, s2;
	p0 =	sgt.u32 s2, $0x9;
	s8 =	sshrl.u32 s30, $0x1  }
0xc: {  	s20 =	sshll.u32 @!p0 s2, $0x6;
	s6 =	sadd.s32 s6, s23;
	s31 =	sshrl.u32 s11, $0x2  }
0xd: {  	s9 =	sshrl.u32 s9, $0x3;
	s14 =	ssub.s32 s30, s8;
	v0 =	vmov s23;
	s23 =	simm.s32 $0x1  }
0xe: {  	s10 =	sshll.u32 s6, $0x4;
	s6 =	sadd.s32 $0xABE00, s7;
	s12 =	sadd.s32 $0x4E0, s9  }
0xf: {  	s14 =	smax.u32 s14, $0x1;
	s13 =	sadd.s32 s10, s7;
	s7 =	sadd.s32 s31, s1  }
0x10: {  	s8 =	sadd.s32 s16, s12;
	s9 =	sadd.s32 s15, s12;
	s11 =	sadd.s32 s18, s12  }
0x11: {  	s12 =	sadd.s32 s17, s12;
	s15 =	sadd.s32 s19, s15;
	s16 =	sadd.s32 s19, s16  }
0x12: {  	s17 =	sadd.s32 s19, s17;
	s18 =	sadd.s32 s19, s18;
	s19 =	sor.u32 @!p0 $0x1C02, s20  }
0x13: {  	s20 =	simm.s32 $0x2;
	s10 =	sadd.s32 $0xAFE00, s13;
	s13 =	sadd.s32 $0xFE000, s13  }
.LBB2_1:
0x14: {  	s26 =	sshrl.u32 @!p0 s7, $0x3;
	s28 =	simm.s32 @!p0 $0x2  }
0x15: {  	[spmem:s26], [sflag:s19] =	dma.local @!p0 [hbm:s6], $0x3E80  }
0x16: {  	_ =	swait.ge @!p0 [sflag:s28], $0x3E80  }
0x17: {  	[sflag:s28] =	ssyncset.done @!p0 $0x0  }
0x18: {  	[sflag:s28] =	ssyncadd.s32 @!p0 $0xFFFFC180  }
0x19: {  	s28 =	sadd.s32 $0x0, s16;
	[bflag:$0x0] =	sbarrier.arrive $0xFFFF  }
0x1a: {  	[tilespmem:s3], [sflag:$0x2] =	stream.linear.gather [hbm4b:s28+s3], $0x80, $0x38;
	[tilespmem:$0x17980] =	vst v63  }
0x1b: {  	_ =	swait.ge [sflag:s20], $0x80  }
0x1c: {  	[sflag:s20] =	ssyncset.done $0x0  }
0x1d: {  	[sflag:s20] =	ssyncadd.s32 $0xFFFFFF80  }
0x1e: {  	v1 =	vld [tilespmem:$0x70]  }
0x1f: {  	v2 =	vld [tilespmem:$0x30]  }
0x20: {  	v3 =	vld [tilespmem:$0x50]  }
0x21: {  	v5 =	vld [tilespmem:$0x20]  }
0x22: {  	v4 =	vld [tilespmem:$0x60]  }
0x23: {  	v6 =	vld [tilespmem:$0x10];
	v1 =	vadd.s32 v0, v1  }
0x24: {  	v7 =	vld [tilespmem:$0x40];
	v2 =	vadd.s32 v0, v2;
	[tilespmem:$0x70] =	vst v1  }
0x25: {  	v1 =	vld [tilespmem:$0x0];
	[tilespmem:$0x30] =	vst v2;
	v2 =	vadd.s32 v0, v3  }
0x26: {  	v3 =	vadd.s32 v0, v5;
	[tilespmem:$0x50] =	vst v2  }
0x27: {  	v2 =	vadd.s32 v0, v4;
	[tilespmem:$0x20] =	vst v3  }
0x28: {  	[tilespmem:$0x60] =	vst v2;
	v2 =	vadd.s32 v0, v6  }
0x29: {  	[tilespmem:$0x10] =	vst v2;
	v2 =	vadd.s32 v0, v7  }
0x2a: {  	[tilespmem:$0x40] =	vst v2;
	v1 =	vadd.s32 v0, v1  }
0x2b: {  	[tilespmem:$0x0] =	vst v1  }
0x2c: {  	[tilespmem:s22], [sflag:$0x1] =	stream.indirect.gather [hbm4b:s4+s21], $0x80, s3, s21, $0xb8;
	[tilespmem:$0x17980] =	vst v63  }
0x2d: {  	_ =	swait.ge [sflag:s23], $0x4000  }
0x2e: {  	[sflag:s23] =	ssyncset.done $0x0  }
0x2f: {  	s29 =	sadd.s32 $0x0, s15;
	s28 =	simm.s32 $0x10;
	[sflag:s23] =	ssyncadd.s32 $0xFFFFC000  }
.LBB2_2:
0x30: {  	[tilespmem:s21], [sflag:$0x2] =	stream.linear.gather [hbm4b:s29+s3], $0x80, $0x38;
	[tilespmem:$0x17980] =	vst v63  }
0x31: {  	s29 =	smov.u32 s28  }
0x32: {  	p1 =	sne.s32 s28, $0x4D0;
	s28 =	sadd.s32 $0x10, s28;
	_ =	swait.ge [sflag:s20], $0x80  }
0x33: {  	[sflag:s20] =	ssyncset.done $0x0  }
0x34: {  	[sflag:s20] =	ssyncadd.s32 $0xFFFFFF80  }
0x35: {  	[spmem:s1] =	stream.indirect.scatter.add.f32 [tilespmem:s22], [sflag:$0x2], $0x80, s21, s21, $0xb8;
	[tilespmem:$0x17980] =	vst v63  }
0x36: {  	_ =	swait.ge [sflag:s20], $0x4000  }
0x37: {  	[sflag:s20] =	ssyncset.done $0x0  }
0x38: {  	s30 =	sadd.s32 s29, s16;
	[sflag:s20] =	ssyncadd.s32 $0xFFFFC000  }
0x39: {  	[tilespmem:s3], [sflag:$0x2] =	stream.linear.gather [hbm4b:s30+s3], $0x80, $0x38;
	[tilespmem:$0x17980] =	vst v63  }
0x3a: {  	_ =	swait.ge [sflag:s20], $0x80  }
0x3b: {  	[sflag:s20] =	ssyncset.done $0x0  }
0x3c: {  	[sflag:s20] =	ssyncadd.s32 $0xFFFFFF80  }
0x3d: {  	v1 =	vld [tilespmem:$0x70]  }
0x3e: {  	v2 =	vld [tilespmem:$0x30]  }
0x3f: {  	v3 =	vld [tilespmem:$0x50]  }
0x40: {  	v4 =	vld [tilespmem:$0x60]  }
0x41: {  	v5 =	vld [tilespmem:$0x20]  }
0x42: {  	v6 =	vld [tilespmem:$0x10];
	v1 =	vadd.s32 v0, v1  }
0x43: {  	v2 =	vadd.s32 v0, v2;
	v7 =	vld [tilespmem:$0x40];
	[tilespmem:$0x70] =	vst v1  }
0x44: {  	v1 =	vld [tilespmem:$0x0];
	[tilespmem:$0x30] =	vst v2;
	v2 =	vadd.s32 v0, v3  }
0x45: {  	[tilespmem:$0x50] =	vst v2;
	v2 =	vadd.s32 v0, v4  }
0x46: {  	v3 =	vadd.s32 v0, v5;
	[tilespmem:$0x60] =	vst v2  }
0x47: {  	v2 =	vadd.s32 v0, v6;
	[tilespmem:$0x20] =	vst v3  }
0x48: {  	[tilespmem:$0x10] =	vst v2;
	v2 =	vadd.s32 v0, v7  }
0x49: {  	v1 =	vadd.s32 v0, v1;
	[tilespmem:$0x40] =	vst v2  }
.Ltmp0:
0x4a: {  	[tilespmem:$0x0] =	vst v1;
	(pc) =	sbr.rel @p1 .LBB2_2-.Ltmp0, $4  }
0x4b: {  	[tilespmem:s22], [sflag:$0x1] =	stream.indirect.gather [hbm4b:s4+s21], $0x80, s3, s21, $0xb8;
	[tilespmem:$0x17980] =	vst v63  }
0x4c: {  	_ =	swait.ge [sflag:s23], $0x4000  }
0x4d: {  	[sflag:s23] =	ssyncset.done $0x0  }
0x4e: {  	s29 =	sadd.s32 s29, s15;
	[sflag:s23] =	ssyncadd.s32 $0xFFFFC000  }
0x4f: {  	[tilespmem:s21], [sflag:$0x2] =	stream.linear.gather [hbm4b:s29+s3], $0x80, $0x38;
	[tilespmem:$0x17980] =	vst v63  }
0x50: {  	_ =	swait.ge [sflag:s20], $0x80  }
0x51: {  	[sflag:s20] =	ssyncset.done $0x0  }
0x52: {  	[sflag:s20] =	ssyncadd.s32 $0xFFFFFF80  }
0x53: {  	[spmem:s1] =	stream.indirect.scatter.add.f32 [tilespmem:s22], [sflag:$0x2], $0x80, s21, s21, $0xb8;
	[tilespmem:$0x17980] =	vst v63  }
0x54: {  	_ =	swait.ge [sflag:s20], $0x4000  }
0x55: {  	[sflag:s20] =	ssyncset.done $0x0  }
0x56: {  	[sflag:s20] =	ssyncadd.s32 $0xFFFFC000  }
0x57: {  	[tilespmem:s3], [sflag:$0x2] =	stream.linear.gather [hbm4b:s8+s3], $0x10, $0x38;
	[tilespmem:$0x17980] =	vst v63  }
0x58: {  	_ =	swait.ge [sflag:s20], $0x10  }
0x59: {  	[sflag:s20] =	ssyncset.done $0x0  }
0x5a: {  	[sflag:s20] =	ssyncadd.s32 $0xFFFFFFF0  }
0x5b: {  	v1 =	vld [tilespmem:$0x0];
	_ =	sdelay $0x4  }
0x5c: {  	v1 =	vadd.s32 v0, v1  }
0x5d: {  	[tilespmem:$0x0] =	vst v1  }
0x5e: {  	[tilespmem:s22], [sflag:$0x1] =	stream.indirect.gather [hbm4b:s4+s24], $0x80, s3, s24, $0xb8;
	[tilespmem:$0x17980] =	vst v63  }
0x5f: {  	_ =	swait.ge [sflag:s23], $0x800  }
0x60: {  	[sflag:s23] =	ssyncset.done $0x0  }
0x61: {  	[sflag:s23] =	ssyncadd.s32 $0xFFFFF800  }
0x62: {  	[tilespmem:s21], [sflag:$0x2] =	stream.linear.gather [hbm4b:s9+s3], $0x10, $0x38;
	[tilespmem:$0x17980] =	vst v63  }
0x63: {  	_ =	swait.ge [sflag:s20], $0x10  }
0x64: {  	[sflag:s20] =	ssyncset.done $0x0  }
0x65: {  	[sflag:s20] =	ssyncadd.s32 $0xFFFFFFF0  }
0x66: {  	[spmem:s1] =	stream.indirect.scatter.add.f32 [tilespmem:s22], [sflag:$0x2], $0x80, s21, s24, $0xb8;
	[tilespmem:$0x17980] =	vst v63  }
0x67: {  	_ =	swait.ge [sflag:s20], $0x800  }
0x68: {  	[sflag:s20] =	ssyncset.done $0x0  }
0x69: {  	[sflag:s20] =	ssyncadd.s32 $0xFFFFF800  }
0x6a: {  	[bflag:$0x0] =	sbarrier.arrive $0xFFFF  }
0x6b: {  	s28 =	simm.s32 @!p0 $0x2;
	[bflag:$0x0] =	sbarrier.arrive @p0 $0xFFFF  }
0x6c: {  	[hbm:s10], [sflag:s19] =	dma.local @!p0 [spmem:s26], $0x3E80  }
0x6d: {  	_ =	swait.ge @!p0 [sflag:s28], $0x3E80  }
0x6e: {  	[sflag:s28] =	ssyncset.done @!p0 $0x0  }
0x6f: {  	[sflag:s28] =	ssyncadd.s32 @!p0 $0xFFFFC180  }
0x70: {  	[bflag:$0x0] =	sbarrier.arrive @!p0 $0xFFFF  }
0x71: {  	[spmem:s26], [sflag:s19] =	dma.local @!p0 [hbm:s6], $0x3E80  }
0x72: {  	_ =	swait.ge @!p0 [sflag:s28], $0x3E80  }
0x73: {  	[sflag:s28] =	ssyncset.done @!p0 $0x0  }
0x74: {  	[sflag:s28] =	ssyncadd.s32 @!p0 $0xFFFFC180  }
0x75: {  	s28 =	sadd.s32 $0x0, s18;
	[bflag:$0x0] =	sbarrier.arrive $0xFFFF  }
0x76: {  	[tilespmem:s3], [sflag:$0x2] =	stream.linear.gather [hbm4b:s28+s3], $0x80, $0x38;
	[tilespmem:$0x17980] =	vst v63  }
0x77: {  	_ =	swait.ge [sflag:s20], $0x80  }
0x78: {  	[sflag:s20] =	ssyncset.done $0x0  }
0x79: {  	[sflag:s20] =	ssyncadd.s32 $0xFFFFFF80  }
0x7a: {  	v1 =	vld [tilespmem:$0x70]  }
0x7b: {  	v2 =	vld [tilespmem:$0x30]  }
0x7c: {  	v3 =	vld [tilespmem:$0x50]  }
0x7d: {  	v5 =	vld [tilespmem:$0x20]  }
0x7e: {  	v4 =	vld [tilespmem:$0x60]  }
0x7f: {  	v6 =	vld [tilespmem:$0x10];
	v1 =	vadd.s32 v0, v1  }
0x80: {  	v7 =	vld [tilespmem:$0x40];
	v2 =	vadd.s32 v0, v2;
	[tilespmem:$0x70] =	vst v1  }
0x81: {  	v1 =	vld [tilespmem:$0x0];
	[tilespmem:$0x30] =	vst v2;
	v2 =	vadd.s32 v0, v3  }
0x82: {  	v3 =	vadd.s32 v0, v5;
	[tilespmem:$0x50] =	vst v2  }
0x83: {  	v2 =	vadd.s32 v0, v4;
	[tilespmem:$0x20] =	vst v3  }
0x84: {  	[tilespmem:$0x60] =	vst v2;
	v2 =	vadd.s32 v0, v6  }
0x85: {  	[tilespmem:$0x10] =	vst v2;
	v2 =	vadd.s32 v0, v7  }
0x86: {  	[tilespmem:$0x40] =	vst v2;
	v1 =	vadd.s32 v0, v1  }
0x87: {  	[tilespmem:$0x0] =	vst v1  }
0x88: {  	[tilespmem:s22], [sflag:$0x1] =	stream.indirect.gather [hbm4b:s5+s21], $0x80, s3, s21, $0xb8;
	[tilespmem:$0x17980] =	vst v63  }
0x89: {  	_ =	swait.ge [sflag:s23], $0x4000  }
0x8a: {  	[sflag:s23] =	ssyncset.done $0x0  }
0x8b: {  	s29 =	sadd.s32 $0x0, s17;
	s28 =	simm.s32 $0x10;
	[sflag:s23] =	ssyncadd.s32 $0xFFFFC000  }
.LBB2_4:
0x8c: {  	[tilespmem:s21], [sflag:$0x2] =	stream.linear.gather [hbm4b:s29+s3], $0x80, $0x38;
	[tilespmem:$0x17980] =	vst v63  }
0x8d: {  	s29 =	smov.u32 s28  }
0x8e: {  	p1 =	sne.s32 s28, $0x4D0;
	s28 =	sadd.s32 $0x10, s28;
	_ =	swait.ge [sflag:s20], $0x80  }
0x8f: {  	[sflag:s20] =	ssyncset.done $0x0  }
0x90: {  	[sflag:s20] =	ssyncadd.s32 $0xFFFFFF80  }
0x91: {  	[spmem:s1] =	stream.indirect.scatter.add.f32 [tilespmem:s22], [sflag:$0x2], $0x80, s21, s21, $0xb8;
	[tilespmem:$0x17980] =	vst v63  }
0x92: {  	_ =	swait.ge [sflag:s20], $0x4000  }
0x93: {  	[sflag:s20] =	ssyncset.done $0x0  }
0x94: {  	s30 =	sadd.s32 s29, s18;
	[sflag:s20] =	ssyncadd.s32 $0xFFFFC000  }
0x95: {  	[tilespmem:s3], [sflag:$0x2] =	stream.linear.gather [hbm4b:s30+s3], $0x80, $0x38;
	[tilespmem:$0x17980] =	vst v63  }
0x96: {  	_ =	swait.ge [sflag:s20], $0x80  }
0x97: {  	[sflag:s20] =	ssyncset.done $0x0  }
0x98: {  	[sflag:s20] =	ssyncadd.s32 $0xFFFFFF80  }
0x99: {  	v1 =	vld [tilespmem:$0x70]  }
0x9a: {  	v2 =	vld [tilespmem:$0x30]  }
0x9b: {  	v3 =	vld [tilespmem:$0x50]  }
0x9c: {  	v4 =	vld [tilespmem:$0x60]  }
0x9d: {  	v5 =	vld [tilespmem:$0x20]  }
0x9e: {  	v6 =	vld [tilespmem:$0x10];
	v1 =	vadd.s32 v0, v1  }
0x9f: {  	v2 =	vadd.s32 v0, v2;
	v7 =	vld [tilespmem:$0x40];
	[tilespmem:$0x70] =	vst v1  }
0xa0: {  	v1 =	vld [tilespmem:$0x0];
	[tilespmem:$0x30] =	vst v2;
	v2 =	vadd.s32 v0, v3  }
0xa1: {  	[tilespmem:$0x50] =	vst v2;
	v2 =	vadd.s32 v0, v4  }
0xa2: {  	v3 =	vadd.s32 v0, v5;
	[tilespmem:$0x60] =	vst v2  }
0xa3: {  	v2 =	vadd.s32 v0, v6;
	[tilespmem:$0x20] =	vst v3  }
0xa4: {  	[tilespmem:$0x10] =	vst v2;
	v2 =	vadd.s32 v0, v7  }
0xa5: {  	v1 =	vadd.s32 v0, v1;
	[tilespmem:$0x40] =	vst v2  }
.Ltmp1:
0xa6: {  	[tilespmem:$0x0] =	vst v1;
	(pc) =	sbr.rel @p1 .LBB2_4-.Ltmp1, $4  }
0xa7: {  	[tilespmem:s22], [sflag:$0x1] =	stream.indirect.gather [hbm4b:s5+s21], $0x80, s3, s21, $0xb8;
	[tilespmem:$0x17980] =	vst v63  }
0xa8: {  	_ =	swait.ge [sflag:s23], $0x4000  }
0xa9: {  	[sflag:s23] =	ssyncset.done $0x0  }
0xaa: {  	s29 =	sadd.s32 s29, s17;
	[sflag:s23] =	ssyncadd.s32 $0xFFFFC000  }
0xab: {  	[tilespmem:s21], [sflag:$0x2] =	stream.linear.gather [hbm4b:s29+s3], $0x80, $0x38;
	[tilespmem:$0x17980] =	vst v63  }
0xac: {  	_ =	swait.ge [sflag:s20], $0x80  }
0xad: {  	[sflag:s20] =	ssyncset.done $0x0  }
0xae: {  	[sflag:s20] =	ssyncadd.s32 $0xFFFFFF80  }
0xaf: {  	[spmem:s1] =	stream.indirect.scatter.add.f32 [tilespmem:s22], [sflag:$0x2], $0x80, s21, s21, $0xb8;
	[tilespmem:$0x17980] =	vst v63  }
0xb0: {  	_ =	swait.ge [sflag:s20], $0x4000  }
0xb1: {  	[sflag:s20] =	ssyncset.done $0x0  }
0xb2: {  	[sflag:s20] =	ssyncadd.s32 $0xFFFFC000  }
0xb3: {  	[tilespmem:s3], [sflag:$0x2] =	stream.linear.gather [hbm4b:s11+s3], $0x10, $0x38;
	[tilespmem:$0x17980] =	vst v63  }
0xb4: {  	_ =	swait.ge [sflag:s20], $0x10  }
0xb5: {  	[sflag:s20] =	ssyncset.done $0x0  }
0xb6: {  	[sflag:s20] =	ssyncadd.s32 $0xFFFFFFF0  }
0xb7: {  	v1 =	vld [tilespmem:$0x0];
	_ =	sdelay $0x4  }
0xb8: {  	v1 =	vadd.s32 v0, v1  }
0xb9: {  	[tilespmem:$0x0] =	vst v1  }
0xba: {  	[tilespmem:s22], [sflag:$0x1] =	stream.indirect.gather [hbm4b:s5+s24], $0x80, s3, s24, $0xb8;
	[tilespmem:$0x17980] =	vst v63  }
0xbb: {  	_ =	swait.ge [sflag:s23], $0x800  }
0xbc: {  	[sflag:s23] =	ssyncset.done $0x0  }
0xbd: {  	[sflag:s23] =	ssyncadd.s32 $0xFFFFF800  }
0xbe: {  	[tilespmem:s21], [sflag:$0x2] =	stream.linear.gather [hbm4b:s12+s3], $0x10, $0x38;
	[tilespmem:$0x17980] =	vst v63  }
0xbf: {  	_ =	swait.ge [sflag:s20], $0x10  }
0xc0: {  	[sflag:s20] =	ssyncset.done $0x0  }
0xc1: {  	[sflag:s20] =	ssyncadd.s32 $0xFFFFFFF0  }
0xc2: {  	[spmem:s1] =	stream.indirect.scatter.add.f32 [tilespmem:s22], [sflag:$0x2], $0x80, s21, s24, $0xb8;
	[tilespmem:$0x17980] =	vst v63  }
0xc3: {  	_ =	swait.ge [sflag:s20], $0x800  }
0xc4: {  	[sflag:s20] =	ssyncset.done $0x0  }
0xc5: {  	[sflag:s20] =	ssyncadd.s32 $0xFFFFF800  }
0xc6: {  	s25 =	sadd.s32 $0x1, s25;
	[bflag:$0x0] =	sbarrier.arrive $0xFFFF  }
0xc7: {  	[hbm:s13], [sflag:s19] =	dma.local @!p0 [spmem:s26], $0x3E80  }
0xc8: {  	p1 =	sne.s32 s25, s14;
	s26 =	simm.s32 @!p0 $0x2  }
.Ltmp2:
0xc9: {  	_ =	swait.ge @!p0 [sflag:s26], $0x3E80;
	(pc) =	sbr.rel @p1 .LBB2_1-.Ltmp2, $3  }
0xca: {  	[sflag:s26] =	ssyncset.done @!p0 $0x0  }
0xcb: {  	[sflag:s26] =	ssyncadd.s32 @!p0 $0xFFFFC180  }
0xcc: {  	[bflag:$0x0] =	sbarrier.arrive $0xFFFF;
	_ =	sdelay $0x1  }
0xcd: {  	_ =	sfence.sel $0x180000  }
0xce: {  	[bflag:$0x0] =	sbarrier.arrive $0xFFFF  }
0xcf: {  	p0 =	sne.s32 s2, $0x0;
	_ =	strace $0x9000004A  }
0xd0: {  	s0 =	sadd.s32 @!p0 $0x100000, s0;
	[bflag:$0x2] =	sbarrier.arrive $0xFFFF  }
0xd1: {  	[sflag:s0] =	ssyncadd.tile.s32 @!p0 $0x1;
	_ =	shalt  }
.Lfunc_end2:
_tile_overlayer_lowered:
.L_overlay_start_2:
0xd2: {  	(tag) =	ssettag $0x2  }
0xd3: {  	s0 =	rddreg [dreg:$0x0];
	s2 =	stileid.u32  }
0xd4: {  	s1 =	rddreg [dreg:$0x1];
	p0 =	sne.s32 s2, $0x0  }
0xd5: {  	s3 =	rddreg [dreg:$0x2];
	[bflag:$0x3] =	sbarrier.arrive $0xFFFF;
	s2 =	simm.s32 @!p0 $0x1C02  }
0xd6: {  	[timem:s3], [sflag:s2] =	dma.local @!p0 [hbm:s0], s1  }
0xd7: {  	s0 =	simm.s32 @!p0 $0x2  }
0xd8: {  	_ =	swait.ge @!p0 [sflag:s0], s1  }
0xd9: {  	s1 =	ssub.s32 @!p0 $0x0, s1;
	[sflag:s0] =	ssyncset.done @!p0 $0x0  }
0xda: {  	[sflag:s0] =	ssyncadd.s32 @!p0 s1  }
0xdb: {  	[bflag:$0x3] =	sbarrier.arrive $0xFFFF  }
0xdc: {  	_ =	shalt  }

// kernel: kernel.14.cloned.1.call-start
scs
__scs_entry_jumppad:
0x0: {  	(pc) =	sbr.rel $0x88, $3  }
0x1: {  	(tag) =	ssettag $0x0;
	lr =	simm.s32 $0x1  }
0x2: {  	[smem:$0x3F90] =	sst lr;
	_ =	strace $0xD0000000  }
0x3: {  	_ = 	snop  }
0x4: {  	_ = 	snop  }
0x5: {  	_ = 	snop  }
0x6: {  	_ = 	snop  }
0x7: {  	_ = 	snop  }
__scs_overlays_trampoline_lowered:
0x8: {  	[smem:$0x3F9F] =	sst s0  }
0x9: {  	[smem:$0x3FA0] =	sst s1  }
0xa: {  	[smem:$0x3FA1] =	sst s2  }
0xb: {  	[smem:$0x3FA2] =	sst s3  }
0xc: {  	[smem:$0x3FA3] =	sst s4  }
0xd: {  	[smem:$0x3FA4] =	sst s5  }
0xe: {  	[smem:$0x3FA5] =	sst s6  }
0xf: {  	[smem:$0x3FA6] =	sst s7  }
0x10: {  	[smem:$0x3FA7] =	sst s8  }
0x11: {  	[smem:$0x3FA8] =	sst s9;
	s0 =	simm.s32 @!p0 $0x0  }
0x12: {  	s1 =	sld [smem:$0x3F8E];
	s0 =	simm.s32 @p0 $0x1  }
0x13: {  	[smem:$0x3FA9] =	sst s0;
	s0 =	simm.s32 @!p1 $0x0  }
0x14: {  	s2 =	sld [smem:$0x3F8D];
	s0 =	simm.s32 @p1 $0x1  }
0x15: {  	[smem:$0x3FAA] =	sst s0;
	s0 =	simm.s32 @!p2 $0x0  }
0x16: {  	s3 =	sld [smem:$0x3FDB];
	s0 =	simm.s32 @p2 $0x1  }
0x17: {  	s4 =	simm.s32 $0x1BF5;
	[smem:$0x3FAC] =	sst s0  }
0x18: {  	s0 =	sld [smem:$0x3F8F];
	_ =	swait.ge [sflag:s4], $0x0  }
0x19: {  	s7 =	sld [smem:$0x3F90]  }
0x1a: {  	s8 =	sadd.s32 $0xFFFFE003, lr  }
0x1b: {  	s9 =	sadd.s32 $0xFFFFFEF7, lr;
	s5 =	simm.s32 $0xFFFFFFFF;
	p2 =	slt.u32 s8, $0xFFFFF086  }
0x1c: {  	p1 =	slt.u32 s9, $0xF7A;
	s5 =	simm.s32 @!p2 $0x0  }
0x1d: {  	s5 =	simm.s32 @p1 $0x1;
	p0 =	seq.s32 s7, s2  }
0x1e: {  	s7 =	smul.u32 @!p0 $0xF7A, s2;
	p2 =	seq.s32 @!p0 s5, $0x0  }
0x1f: {  	s9 =	smul.u32 $0xF7A, s1;
	s8 =	simm.s32 @!p0 $0x1BF5;
	p2 =	por !p2, p0  }
0x20: {  	[sflag:s8] =	ssyncset.s32 @!p0 $0xFFFFF086;
	s6 =	sadd.s32 @!p0 s3, s7;
	s7 =	simm.s32 @!p0 $0x108  }
0x21: {  	s3 =	sadd.s32 s3, s9;
	s6 =	sadd.s32 @!p0 $0x88, s6;
	s7 =	simm.s32 @p2 $0x1082  }
0x22: {  	[simem:s7], [sflag:s8] =	dma.local @!p0 [hbm:s6], $0xF7A  }
0x23: {  	s9 =	sor.u32 $0xD0000000, s2;
	s6 =	simm.s32 $0x108;
	_ =	swait.ge @!p0 [sflag:s8], $0x0  }
0x24: {  	s3 =	sadd.s32 $0x88, s3;
	s6 =	simm.s32 @!p1 $0x1082;
	[sflag:s4] =	ssyncset.s32 $0xFFFFF086  }
0x25: {  	[simem:s6], [sflag:s4] =	dma.local [hbm:s3], $0xF7A  }
0x26: {  	[smem:$0x3F90] =	sst s1;
	(tag) =	ssettag s2;
	_ =	strace s9  }
0x27: {  	s1 =	sld [smem:$0x3FA0]  }
0x28: {  	s2 =	sld [smem:$0x3FA1]  }
0x29: {  	s4 =	sld [smem:$0x3FA3]  }
0x2a: {  	p0 =	seq.s32 s5, $0x0;
	s5 =	sld [smem:$0x3FA4]  }
0x2b: {  	s6 =	sld [smem:$0x3FA5]  }
0x2c: {  	s7 =	sld [smem:$0x3FA6]  }
0x2d: {  	s3 =	simm.s32 $0x108;
	s8 =	sld [smem:$0x3FA7]  }
0x2e: {  	s3 =	simm.s32 @!p0 $0x1082;
	s9 =	sld [smem:$0x3FA8]  }
0x2f: {  	lr =	sadd.s32 s0, s3;
	s0 =	sld [smem:$0x3F9F]  }
0x30: {  	s3 =	sld [smem:$0x3FA2]  }
0x31: {  	[smem:$0x3FAB] =	sst s10  }
0x32: {  	s10 =	sld [smem:$0x3FA9];
	_ =	sdelay $0x3  }
0x33: {  	p0 =	seq.s32 s10, $0x1;
	s10 =	sld [smem:$0x3FAB];
	_ =	sdelay $0x3  }
0x34: {  	[smem:$0x3FAB] =	sst s10  }
0x35: {  	s10 =	sld [smem:$0x3FAA];
	_ =	sdelay $0x3  }
0x36: {  	p1 =	seq.s32 s10, $0x1;
	s10 =	sld [smem:$0x3FAB];
	_ =	sdelay $0x3  }
0x37: {  	[smem:$0x3FAB] =	sst s10  }
0x38: {  	s10 =	sld [smem:$0x3FAC]  }
0x39: {  	_ = 	snop;
	(pc) =	sbr.ind lr, $3  }
0x3a: {  	_ = 	snop  }
0x3b: {  	_ = 	snop  }
0x3c: {  	p2 =	seq.s32 s10, $0x1;
	s10 =	sld [smem:$0x3FAB]  }
0x3d: {  	_ =	shalt  }
0x3e: {  	_ =	shalt  }
0x3f: {  	_ =	shalt  }
0x40: {  	_ =	shalt  }
0x41: {  	_ =	shalt  }
0x42: {  	_ =	shalt  }
0x43: {  	_ =	shalt  }
0x44: {  	_ =	shalt  }
0x45: {  	_ =	shalt  }
0x46: {  	_ =	shalt  }
0x47: {  	_ =	shalt  }
0x48: {  	_ =	shalt  }
0x49: {  	_ =	shalt  }
0x4a: {  	_ =	shalt  }
0x4b: {  	_ =	shalt  }
0x4c: {  	_ =	shalt  }
0x4d: {  	_ =	shalt  }
0x4e: {  	_ =	shalt  }
0x4f: {  	_ =	shalt  }
0x50: {  	_ =	shalt  }
0x51: {  	_ =	shalt  }
0x52: {  	_ =	shalt  }
0x53: {  	_ =	shalt  }
0x54: {  	_ =	shalt  }
0x55: {  	_ =	shalt  }
0x56: {  	_ =	shalt  }
0x57: {  	_ =	shalt  }
0x58: {  	_ =	shalt  }
0x59: {  	_ =	shalt  }
0x5a: {  	_ =	shalt  }
0x5b: {  	_ =	shalt  }
0x5c: {  	_ =	shalt  }
0x5d: {  	_ =	shalt  }
0x5e: {  	_ =	shalt  }
0x5f: {  	_ =	shalt  }
0x60: {  	_ =	shalt  }
0x61: {  	_ =	shalt  }
0x62: {  	_ =	shalt  }
0x63: {  	_ =	shalt  }
0x64: {  	_ =	shalt  }
0x65: {  	_ =	shalt  }
0x66: {  	_ =	shalt  }
0x67: {  	_ =	shalt  }
0x68: {  	_ =	shalt  }
0x69: {  	_ =	shalt  }
0x6a: {  	_ =	shalt  }
0x6b: {  	_ =	shalt  }
0x6c: {  	_ =	shalt  }
0x6d: {  	_ =	shalt  }
0x6e: {  	_ =	shalt  }
0x6f: {  	_ =	shalt  }
0x70: {  	_ =	shalt  }
0x71: {  	_ =	shalt  }
0x72: {  	_ =	shalt  }
0x73: {  	_ =	shalt  }
0x74: {  	_ =	shalt  }
0x75: {  	_ =	shalt  }
0x76: {  	_ =	shalt  }
0x77: {  	_ =	shalt  }
0x78: {  	_ =	shalt  }
0x79: {  	_ =	shalt  }
0x7a: {  	_ =	shalt  }
0x7b: {  	_ =	shalt  }
0x7c: {  	_ =	shalt  }
0x7d: {  	_ =	shalt  }
0x7e: {  	_ =	shalt  }
0x7f: {  	_ =	shalt  }
0x80: {  	_ =	shalt  }
0x81: {  	_ =	shalt  }
0x82: {  	_ =	shalt  }
0x83: {  	_ =	shalt  }
0x84: {  	_ =	shalt  }
0x85: {  	_ =	shalt  }
0x86: {  	_ =	shalt  }
0x87: {  	_ =	shalt  }
.Lfunc_end0:
.L_simem_size_0:
called_computation.2_lowered:
.L_overlay_start_0:
0x88: {  	s2 =	sld [smem:$0x3FD9]  }
0x89: {  	s3 =	sld [smem:$0x3FFE];
	_ =	sdelay $0x1  }
0x8a: {  	s1 =	srdreg.scid  }
0x8b: {  	s0 =	sand.u32 $0x1, s1  }
0x8c: {  	s17 =	sshll.u32 s0, $0xA;
	s2 =	sadd.s32 s3, s2  }
0x8d: {  	s2 =	sadd.s32 s2, s17  }
0x8e: {  	[smem:$0x3FB7] =	sst s2  }
0x8f: {  	_ = 	snop  }
0x90: {  	s2 =	sld [smem:$0x3FD0];
	(tm) =	ssettm $0x1  }
0x91: {  	s18 =	sld [smem:$0x3FFB];
	_ =	sdelay $0x3  }
0x92: {  	_ =	strace s18  }
0x93: {  	s3 =	sld [smem:$0x3FFC];
	_ =	sdelay $0x3  }
0x94: {  	_ =	strace s3  }
0x95: {  	s3 =	sld [smem:$0x3FFD];
	_ =	sdelay $0x3  }
0x96: {  	_ =	strace s3  }
0x97: {  	_ =	strace $0x8FFFFFFF  }
0x98: {  	s19 =	sld [smem:$0x3FDB];
	_ =	sdelay $0x1  }
0x99: {  	s4 =	simm.s32 $_scs_section_size  }
0x9a: {  	s5 =	simm.s32 $_size__tile_overlayer_lowered;
	s6 =	simm.s32 $_tile_overlayer_lowered  }
0x9b: {  	s22 =	simm.s32 $0x1BFF;
	s21 =	sshll.u32 s6, $0x1;
	s3 =	sadd.s32 s4, s19  }
0x9c: {  	s7 =	simm.s32 $0x0;
	s20 =	sshll.u32 s5, $0x1;
	s5 =	sadd.s32 s21, s3  }
0x9d: {  	[timem:s7], [sflag:s22] =	dma.local [hbm:s5], s20  }
0x9e: {  	_ =	swait.ge [sflag:s22], s20  }
0x9f: {  	s4 =	ssub.s32 $0x0, s20;
	[sflag:s22] =	ssyncset.done $0x0  }
0xa0: {  	[sflag:s22] =	ssyncadd.s32 s4;
	_ =	sdelay $0x1  }
0xa1: {  	s23 =	simm.s32 $0x1B8B  }
0xa2: {  	_ =	swait.ge [sflag:s23], $0x1  }
0xa3: {  	[sflag:s23] =	ssyncset.done $0x0  }
0xa4: {  	s25 =	simm.s32 $0x1B8E;
	s24 =	sld [smem:$0x3FFE];
	[sflag:s23] =	ssyncadd.s32 $0xFFFFFFFF  }
0xa5: {  	s26 =	simm.s32 $execute0_lowered;
	[smem:$0x3FD2] =	sst s25  }
0xa6: {  	s5 =	sshll.u32 s26, $0x1;
	_ =	strace $0x8000004C;
	[dreg:$0x1] =	wrdreg $0xFFFFFFFF  }
0xa7: {  	s28 =	simm.s32 $_size_execute0_lowered;
	s3 =	sadd.s32 s3, s5;
	[dreg:$0x0] =	wrdreg $0x0  }
0xa8: {  	s5 =	sshll.u32 s28, $0x1;
	[dreg:$0x2] =	wrdreg s3  }
0xa9: {  	[dreg:$0x3] =	wrdreg s5  }
0xaa: {  	[dreg:$0x4] =	wrdreg $0xC0  }
0xab: {  	_ =	task [dreg:s7], $0x5FFFF  }
0xac: {  	[dreg:$0x1] =	wrdreg $0xFFFFFFFF  }
0xad: {  	[dreg:$0x0] =	wrdreg $0x60  }
0xae: {  	[dreg:$0x2] =	wrdreg s2  }
0xaf: {  	[dreg:$0x3] =	wrdreg s24  }
0xb0: {  	[dreg:$0x4] =	wrdreg $0x9  }
0xb1: {  	_ =	task.clear_ibuf [dreg:s7], $0x5FFFF;
	_ =	strace $0x9000004C  }
0xb2: {  	s29 =	simm.s32 $0x9;
	_ =	strace $0x8000004E  }
0xb3: {  	_ =	swait.ge [sflag:s29], $0x1  }
0xb4: {  	[sflag:s29] =	ssyncadd.s32 $0xFFFFFFFF  }
0xb5: {  	_ =	strace $0x9000004E  }
0xb6: {  	_ =	sfence  }
0xb7: {  	s30 =	sld [smem:$0x0];
	_ =	sdelay $0x2  }
0xb8: {  	s31 =	sshll.u32 s1, $0xD;
	s1 =	sshrl.u32 s1, $0x2  }
0xb9: {  	s3 =	sand.u32 $0x4000, s31;
	s1 =	sadd.s32 s1, s30  }
0xba: {  	s0 =	sor.u32 s3, s0;
	s1 =	sshll.u32 s1, $0x11  }
0xbb: {  	s0 =	sor.u32 s1, s0  }
0xbc: {  	s0 =	sadd.s32 $0x8F2B, s0  }
0xbd: {  	[sflag:s0] =	ssyncadd.remote.s32 $0x1  }
0xbe: {  	_ =	sfence.sel $0xFFFF  }
0xbf: {  	[dreg:$0x0] =	wrdreg $0xFFFFFFFF;
	(pc) =	sbr.abs _section_cstart, $3  }
0xc0: {  	[dreg:$0x1] =	wrdreg $0xFFFFFFFF  }
0xc1: {  	_ =	task.clear_ibuf [dreg:s7], $0x2FFFF;
	_ =	strace $0x9FFFFFFF  }
0xc2: {  	(tm) =	ssettm $0x7FFFFFFF  }
0xc3: {  	_ =	shalt  }
tec
execute0_lowered:
.L_overlay_start_1:
0x0: {  	(tag) =	ssettag $0x1  }
0x1: {  	s1 =	srdreg.scid  }
0x2: {  	s0 =	stileid.u32;
	s2 =	rddreg [dreg:$0x0]  }
0x3: {  	s6 =	rddreg [dreg:$0x1];
	s3 =	simm.s32 $0x0;
	s10 =	simm.s32 $0x4E80  }
0x4: {  	s11 =	simm.s32 $0xC500;
	s5 =	sand.u32 $0x1, s1;
	s30 =	sshll.u32 s0, $0x1  }
0x5: {  	s12 =	simm.s32 $0x0;
	s1 =	rddreg [dreg:$0x2];
	s4 =	sor.u32 s5, s30  }
0x6: {  	[smem:$0x7FF] =	sst s3;
	s5 =	ssub.s32 $0x2, s5;
	s7 =	smul.u32 $0x271, s4  }
0x7: {  	v0 =	vlaneseq.u32;
	_ =	strace $0x8000004D;
	s8 =	smul.u32 $0x4E2, s4;
	s31 =	sshrl.u32 s5, $0x1  }
0x8: {  	v0 =	vmul.u32 $0x2, v0;
	s4 =	sadd.s32 $0x400, s6;
	s9 =	ssub.s32 s5, s31;
	s7 =	sadd.s32 s7, s6  }
0x9: {  	s8 =	sadd.s32 s8, s6;
	s5 =	sadd.s32 $0x1A1000, s7;
	s6 =	sadd.s32 $0x19C000, s7  }
0xa: {  	v1 =	vor.u32 $0x1, v0;
	v2 =	vadd.s32 $0x26F0, v0;
	v3 =	vadd.s32 $0x26F1, v0;
	s7 =	sadd.s32 $0xE00, s8;
	s8 =	smax.u32 s9, $0x1;
	s9 =	simm.s32 $0x1  }
.LBB2_1:
0xb: {  	[tilespmem:s3], [sflag:$0x1] =	stream.linear.gather [hbm4b:s2+s3], $0x4E80, $0x38;
	[tilespmem:$0xEC80] =	vst v63  }
0xc: {  	_ =	swait.ge [sflag:s9], $0x4E80  }
0xd: {  	[sflag:s9] =	ssyncset.done $0x0  }
0xe: {  	[sflag:s9] =	ssyncadd.s32 $0xFFFFB180  }
0xf: {  	[tilespmem:s10], [sflag:$0x1] =	stream.linear.gather [hbm4b:s4+s3], $0x4E80, $0x38;
	[tilespmem:$0xEC80] =	vst v63  }
0x10: {  	_ =	swait.ge [sflag:s9], $0x4E80  }
0x11: {  	[sflag:s9] =	ssyncset.done $0x0  }
0x12: {  	s13 =	simm.s32 $0x9D00;
	[sflag:s9] =	ssyncadd.s32 $0xFFFFB180  }
0x13: {  	[tilespmem:s13], [sflag:$0x1] =	stream.linear.gather [hbm4b:s5+s3], $0x1388, $0x38;
	[tilespmem:$0xEC80] =	vst v63  }
0x14: {  	_ =	swait.ge [sflag:s9], $0x1388  }
0x15: {  	[sflag:s9] =	ssyncset.done $0x0  }
0x16: {  	s14 =	simm.s32 $0xB100;
	[sflag:s9] =	ssyncadd.s32 $0xFFFFEC78  }
0x17: {  	[tilespmem:s14], [sflag:$0x1] =	stream.linear.gather [hbm4b:s6+s3], $0x1388, $0x38;
	[tilespmem:$0xEC80] =	vst v63  }
0x18: {  	_ =	swait.ge [sflag:s9], $0x1388  }
0x19: {  	[sflag:s9] =	ssyncset.done $0x0  }
0x1a: {  	[sflag:s9] =	ssyncadd.s32 $0xFFFFEC78  }
0x1b: {  	v4 =	vld [tilespmem:s13+$0x0]  }
0x1c: {  	v5 =	vld [tilespmem:s14+$0x0];
	_ =	sdelay $0x3  }
0x1d: {  	v4 =	vshll.u32 v4, $0x1  }
0x1e: {  	v5 =	vshll.u32 v5, $0x1;
	_ =	sdelay $0x1  }
0x1f: {  	v6 =	vor.u32 $0x1, v4  }
0x20: {  	v7 =	vor.u32 $0x1, v5  }
0x21: {  	v4 =	vld.idx.msk [tilespmem:v4+s3+$0x0], $0xffff  }
0x22: {  	v5 =	vld.idx.msk [tilespmem:v5+s10+$0x0], $0xffff;
	_ =	sdelay $0x1  }
0x23: {  	v6 =	vld.idx.msk [tilespmem:v6+s3+$0x0], $0xffff  }
0x24: {  	v7 =	vld.idx.msk [tilespmem:v7+s10+$0x0], $0xffff  }
0x25: {  	v8 =	vor.u32 s3, v0  }
0x26: {  	v9 =	vadd.f32 v5, v4;
	v4 =	vor.u32 s3, v1;
	_ =	sdelay $0x2  }
0x27: {  	v5 =	vadd.f32 v7, v6  }
0x28: {  	s15 =	simm.s32 $0x20;
	[tilespmem:v8+s11+$0x0] =	vst.idx.msk $0xffff, v9  }
.LBB2_2:
0x29: {  	p0 =	sne.s32 s15, $0x26E0;
	[tilespmem:v4+s11+$0x0] =	vst.idx.msk $0xffff, v5;
	s13 =	sadd.s32 $0x10, s13;
	s14 =	sadd.s32 $0x10, s14  }
0x2a: {  	s16 =	smov.u32 s15;
	s15 =	sadd.s32 $0x20, s15;
	v4 =	vld [tilespmem:s13+$0x0];
	_ =	sdelay $0x1  }
0x2b: {  	v5 =	vld [tilespmem:s14+$0x0];
	_ =	sdelay $0x2  }
0x2c: {  	v4 =	vshll.u32 v4, $0x1  }
0x2d: {  	v6 =	vor.u32 $0x1, v4  }
0x2e: {  	v5 =	vshll.u32 v5, $0x1  }
0x2f: {  	v7 =	vor.u32 $0x1, v5;
	_ =	sdelay $0x1  }
0x30: {  	v8 =	vld.idx.msk [tilespmem:v4+s3+$0x0], $0xffff  }
0x31: {  	v6 =	vld.idx.msk [tilespmem:v6+s3+$0x0], $0xffff  }
0x32: {  	v5 =	vld.idx.msk [tilespmem:v5+s10+$0x0], $0xffff  }
0x33: {  	v7 =	vld.idx.msk [tilespmem:v7+s10+$0x0], $0xffff;
	_ =	sdelay $0x1  }
0x34: {  	v9 =	vor.u32 s16, v0  }
.Ltmp0:
0x35: {  	v4 =	vor.u32 s16, v1;
	(pc) =	sbr.rel @p0 .LBB2_2-.Ltmp0, $4  }
0x36: {  	_ = 	snop  }
0x37: {  	v8 =	vadd.f32 v5, v8  }
0x38: {  	v5 =	vadd.f32 v7, v6  }
0x39: {  	[tilespmem:v9+s11+$0x0] =	vst.idx.msk $0xffff, v8  }
0x3a: {  	_ =	sdelay $0x3  }
0x3b: {  	[tilespmem:v4+s11+$0x0] =	vst.idx.msk $0xffff, v5  }
0x3c: {  	v4 =	vld [tilespmem:$0xB078]  }
0x3d: {  	v5 =	vld [tilespmem:$0xC478];
	_ =	sdelay $0x3  }
0x3e: {  	v4 =	vshll.u32 v4, $0x1  }
0x3f: {  	v5 =	vshll.u32 v5, $0x1  }
0x40: {  	v6 =	vor.u32 $0x1, v4  }
0x41: {  	v7 =	vor.u32 $0x1, v5;
	_ =	sdelay $0x1  }
0x42: {  	v4 =	vld.idx.msk [tilespmem:v4+s3+$0x0], $0xffff  }
0x43: {  	v5 =	vld.idx.msk [tilespmem:v5+s10+$0x0], $0xffff  }
0x44: {  	v6 =	vld.idx.msk [tilespmem:v6+s3+$0x0], $0xffff  }
0x45: {  	v7 =	vld.idx.msk [tilespmem:v7+s10+$0x0], $0xffff;
	_ =	sdelay $0x3  }
0x46: {  	v4 =	vadd.f32 v5, v4  }
0x47: {  	s12 =	sadd.s32 $0x1, s12;
	v5 =	vadd.f32 v7, v6  }
0x48: {  	p0 =	sne.s32 s12, s8;
	[tilespmem:v2+s11+$0x0] =	vst.idx.msk $0xffff, v4  }
.Ltmp1:
0x49: {  	[tilespmem:v3+s11+$0x0] =	vst.idx.msk $0xffff, v5;
	(pc) =	sbr.rel @p0 .LBB2_1-.Ltmp1, $4  }
0x4a: {  	[hbm4b:s7+s3] =	stream.linear.scatter [tilespmem:s11], [sflag:$0x1], $0x2710, $0x38;
	[tilespmem:$0xEC80] =	vst v63  }
0x4b: {  	_ =	swait.ge [sflag:s9], $0x2710  }
0x4c: {  	[sflag:s9] =	ssyncset.done $0x0  }
0x4d: {  	[sflag:s9] =	ssyncadd.s32 $0xFFFFD8F0  }
0x4e: {  	_ =	sfence.sel $0x180000  }
0x4f: {  	[bflag:$0x0] =	sbarrier.arrive $0xFFFF  }
0x50: {  	p0 =	sne.s32 s0, $0x0;
	_ =	strace $0x9000004D  }
0x51: {  	s0 =	sadd.s32 @!p0 $0x100000, s1;
	[bflag:$0x2] =	sbarrier.arrive $0xFFFF  }
0x52: {  	[sflag:s0] =	ssyncadd.tile.s32 @!p0 $0x1;
	_ =	shalt  }
.Lfunc_end2:
_tile_overlayer_lowered:
.L_overlay_start_2:
0x53: {  	(tag) =	ssettag $0x2  }
0x54: {  	s0 =	rddreg [dreg:$0x0];
	s2 =	stileid.u32  }
0x55: {  	s1 =	rddreg [dreg:$0x1];
	p0 =	sne.s32 s2, $0x0  }
0x56: {  	s3 =	rddreg [dreg:$0x2];
	[bflag:$0x3] =	sbarrier.arrive $0xFFFF;
	s2 =	simm.s32 @!p0 $0x1C01  }
0x57: {  	[timem:s3], [sflag:s2] =	dma.local @!p0 [hbm:s0], s1  }
0x58: {  	s0 =	simm.s32 @!p0 $0x1  }
0x59: {  	_ =	swait.ge @!p0 [sflag:s0], s1  }
0x5a: {  	s1 =	ssub.s32 @!p0 $0x0, s1;
	[sflag:s0] =	ssyncset.done @!p0 $0x0  }
0x5b: {  	[sflag:s0] =	ssyncadd.s32 @!p0 s1  }
0x5c: {  	[bflag:$0x3] =	sbarrier.arrive $0xFFFF  }
0x5d: {  	_ =	shalt  }

// kernel: kernel.8.cloned.1.call-start
scs
__scs_entry_jumppad:
0x0: {  	(pc) =	sbr.rel $0x88, $3  }
0x1: {  	(tag) =	ssettag $0x0;
	lr =	simm.s32 $0x1  }
0x2: {  	[smem:$0x3F90] =	sst lr;
	_ =	strace $0xD0000000  }
0x3: {  	_ = 	snop  }
0x4: {  	_ = 	snop  }
0x5: {  	_ = 	snop  }
0x6: {  	_ = 	snop  }
0x7: {  	_ = 	snop  }
__scs_overlays_trampoline_lowered:
0x8: {  	[smem:$0x3F9F] =	sst s0  }
0x9: {  	[smem:$0x3FA0] =	sst s1  }
0xa: {  	[smem:$0x3FA1] =	sst s2  }
0xb: {  	[smem:$0x3FA2] =	sst s3  }
0xc: {  	[smem:$0x3FA3] =	sst s4  }
0xd: {  	[smem:$0x3FA4] =	sst s5  }
0xe: {  	[smem:$0x3FA5] =	sst s6  }
0xf: {  	[smem:$0x3FA6] =	sst s7  }
0x10: {  	[smem:$0x3FA7] =	sst s8  }
0x11: {  	[smem:$0x3FA8] =	sst s9;
	s0 =	simm.s32 @!p0 $0x0  }
0x12: {  	s1 =	sld [smem:$0x3F8E];
	s0 =	simm.s32 @p0 $0x1  }
0x13: {  	[smem:$0x3FA9] =	sst s0;
	s0 =	simm.s32 @!p1 $0x0  }
0x14: {  	s2 =	sld [smem:$0x3F8D];
	s0 =	simm.s32 @p1 $0x1  }
0x15: {  	[smem:$0x3FAA] =	sst s0;
	s0 =	simm.s32 @!p2 $0x0  }
0x16: {  	s3 =	sld [smem:$0x3FDB];
	s0 =	simm.s32 @p2 $0x1  }
0x17: {  	s4 =	simm.s32 $0x1BF5;
	[smem:$0x3FAC] =	sst s0  }
0x18: {  	s0 =	sld [smem:$0x3F8F];
	_ =	swait.ge [sflag:s4], $0x0  }
0x19: {  	s7 =	sld [smem:$0x3F90]  }
0x1a: {  	s8 =	sadd.s32 $0xFFFFE003, lr  }
0x1b: {  	s9 =	sadd.s32 $0xFFFFFEF7, lr;
	s5 =	simm.s32 $0xFFFFFFFF;
	p2 =	slt.u32 s8, $0xFFFFF086  }
0x1c: {  	p1 =	slt.u32 s9, $0xF7A;
	s5 =	simm.s32 @!p2 $0x0  }
0x1d: {  	s5 =	simm.s32 @p1 $0x1;
	p0 =	seq.s32 s7, s2  }
0x1e: {  	s7 =	smul.u32 @!p0 $0xF7A, s2;
	p2 =	seq.s32 @!p0 s5, $0x0  }
0x1f: {  	s9 =	smul.u32 $0xF7A, s1;
	s8 =	simm.s32 @!p0 $0x1BF5;
	p2 =	por !p2, p0  }
0x20: {  	[sflag:s8] =	ssyncset.s32 @!p0 $0xFFFFF086;
	s6 =	sadd.s32 @!p0 s3, s7;
	s7 =	simm.s32 @!p0 $0x108  }
0x21: {  	s3 =	sadd.s32 s3, s9;
	s6 =	sadd.s32 @!p0 $0x88, s6;
	s7 =	simm.s32 @p2 $0x1082  }
0x22: {  	[simem:s7], [sflag:s8] =	dma.local @!p0 [hbm:s6], $0xF7A  }
0x23: {  	s9 =	sor.u32 $0xD0000000, s2;
	s6 =	simm.s32 $0x108;
	_ =	swait.ge @!p0 [sflag:s8], $0x0  }
0x24: {  	s3 =	sadd.s32 $0x88, s3;
	s6 =	simm.s32 @!p1 $0x1082;
	[sflag:s4] =	ssyncset.s32 $0xFFFFF086  }
0x25: {  	[simem:s6], [sflag:s4] =	dma.local [hbm:s3], $0xF7A  }
0x26: {  	[smem:$0x3F90] =	sst s1;
	(tag) =	ssettag s2;
	_ =	strace s9  }
0x27: {  	s1 =	sld [smem:$0x3FA0]  }
0x28: {  	s2 =	sld [smem:$0x3FA1]  }
0x29: {  	s4 =	sld [smem:$0x3FA3]  }
0x2a: {  	p0 =	seq.s32 s5, $0x0;
	s5 =	sld [smem:$0x3FA4]  }
0x2b: {  	s6 =	sld [smem:$0x3FA5]  }
0x2c: {  	s7 =	sld [smem:$0x3FA6]  }
0x2d: {  	s3 =	simm.s32 $0x108;
	s8 =	sld [smem:$0x3FA7]  }
0x2e: {  	s3 =	simm.s32 @!p0 $0x1082;
	s9 =	sld [smem:$0x3FA8]  }
0x2f: {  	lr =	sadd.s32 s0, s3;
	s0 =	sld [smem:$0x3F9F]  }
0x30: {  	s3 =	sld [smem:$0x3FA2]  }
0x31: {  	[smem:$0x3FAB] =	sst s10  }
0x32: {  	s10 =	sld [smem:$0x3FA9];
	_ =	sdelay $0x3  }
0x33: {  	p0 =	seq.s32 s10, $0x1;
	s10 =	sld [smem:$0x3FAB];
	_ =	sdelay $0x3  }
0x34: {  	[smem:$0x3FAB] =	sst s10  }
0x35: {  	s10 =	sld [smem:$0x3FAA];
	_ =	sdelay $0x3  }
0x36: {  	p1 =	seq.s32 s10, $0x1;
	s10 =	sld [smem:$0x3FAB];
	_ =	sdelay $0x3  }
0x37: {  	[smem:$0x3FAB] =	sst s10  }
0x38: {  	s10 =	sld [smem:$0x3FAC]  }
0x39: {  	_ = 	snop;
	(pc) =	sbr.ind lr, $3  }
0x3a: {  	_ = 	snop  }
0x3b: {  	_ = 	snop  }
0x3c: {  	p2 =	seq.s32 s10, $0x1;
	s10 =	sld [smem:$0x3FAB]  }
0x3d: {  	_ =	shalt  }
0x3e: {  	_ =	shalt  }
0x3f: {  	_ =	shalt  }
0x40: {  	_ =	shalt  }
0x41: {  	_ =	shalt  }
0x42: {  	_ =	shalt  }
0x43: {  	_ =	shalt  }
0x44: {  	_ =	shalt  }
0x45: {  	_ =	shalt  }
0x46: {  	_ =	shalt  }
0x47: {  	_ =	shalt  }
0x48: {  	_ =	shalt  }
0x49: {  	_ =	shalt  }
0x4a: {  	_ =	shalt  }
0x4b: {  	_ =	shalt  }
0x4c: {  	_ =	shalt  }
0x4d: {  	_ =	shalt  }
0x4e: {  	_ =	shalt  }
0x4f: {  	_ =	shalt  }
0x50: {  	_ =	shalt  }
0x51: {  	_ =	shalt  }
0x52: {  	_ =	shalt  }
0x53: {  	_ =	shalt  }
0x54: {  	_ =	shalt  }
0x55: {  	_ =	shalt  }
0x56: {  	_ =	shalt  }
0x57: {  	_ =	shalt  }
0x58: {  	_ =	shalt  }
0x59: {  	_ =	shalt  }
0x5a: {  	_ =	shalt  }
0x5b: {  	_ =	shalt  }
0x5c: {  	_ =	shalt  }
0x5d: {  	_ =	shalt  }
0x5e: {  	_ =	shalt  }
0x5f: {  	_ =	shalt  }
0x60: {  	_ =	shalt  }
0x61: {  	_ =	shalt  }
0x62: {  	_ =	shalt  }
0x63: {  	_ =	shalt  }
0x64: {  	_ =	shalt  }
0x65: {  	_ =	shalt  }
0x66: {  	_ =	shalt  }
0x67: {  	_ =	shalt  }
0x68: {  	_ =	shalt  }
0x69: {  	_ =	shalt  }
0x6a: {  	_ =	shalt  }
0x6b: {  	_ =	shalt  }
0x6c: {  	_ =	shalt  }
0x6d: {  	_ =	shalt  }
0x6e: {  	_ =	shalt  }
0x6f: {  	_ =	shalt  }
0x70: {  	_ =	shalt  }
0x71: {  	_ =	shalt  }
0x72: {  	_ =	shalt  }
0x73: {  	_ =	shalt  }
0x74: {  	_ =	shalt  }
0x75: {  	_ =	shalt  }
0x76: {  	_ =	shalt  }
0x77: {  	_ =	shalt  }
0x78: {  	_ =	shalt  }
0x79: {  	_ =	shalt  }
0x7a: {  	_ =	shalt  }
0x7b: {  	_ =	shalt  }
0x7c: {  	_ =	shalt  }
0x7d: {  	_ =	shalt  }
0x7e: {  	_ =	shalt  }
0x7f: {  	_ =	shalt  }
0x80: {  	_ =	shalt  }
0x81: {  	_ =	shalt  }
0x82: {  	_ =	shalt  }
0x83: {  	_ =	shalt  }
0x84: {  	_ =	shalt  }
0x85: {  	_ =	shalt  }
0x86: {  	_ =	shalt  }
0x87: {  	_ =	shalt  }
.Lfunc_end0:
.L_simem_size_0:
called_computation_lowered:
.L_overlay_start_0:
0x88: {  	s2 =	sld [smem:$0x3FD9]  }
0x89: {  	s3 =	sld [smem:$0x3FFE];
	_ =	sdelay $0x1  }
0x8a: {  	s1 =	srdreg.scid  }
0x8b: {  	s0 =	sand.u32 $0x1, s1  }
0x8c: {  	s17 =	sshll.u32 s0, $0xA;
	s2 =	sadd.s32 s3, s2  }
0x8d: {  	s2 =	sadd.s32 s2, s17  }
0x8e: {  	[smem:$0x3FB7] =	sst s2  }
0x8f: {  	_ = 	snop  }
0x90: {  	s2 =	sld [smem:$0x3FD0];
	(tm) =	ssettm $0x1  }
0x91: {  	s18 =	sld [smem:$0x3FFB];
	_ =	sdelay $0x3  }
0x92: {  	_ =	strace s18  }
0x93: {  	s3 =	sld [smem:$0x3FFC];
	_ =	sdelay $0x3  }
0x94: {  	_ =	strace s3  }
0x95: {  	s3 =	sld [smem:$0x3FFD];
	_ =	sdelay $0x3  }
0x96: {  	_ =	strace s3  }
0x97: {  	_ =	strace $0x8FFFFFFF  }
0x98: {  	s19 =	sld [smem:$0x3FDB];
	_ =	sdelay $0x1  }
0x99: {  	s4 =	simm.s32 $_scs_section_size  }
0x9a: {  	s5 =	simm.s32 $_size__tile_overlayer_lowered;
	s6 =	simm.s32 $_tile_overlayer_lowered  }
0x9b: {  	s22 =	simm.s32 $0x1BFF;
	s21 =	sshll.u32 s6, $0x1;
	s3 =	sadd.s32 s4, s19  }
0x9c: {  	s7 =	simm.s32 $0x0;
	s20 =	sshll.u32 s5, $0x1;
	s5 =	sadd.s32 s21, s3  }
0x9d: {  	[timem:s7], [sflag:s22] =	dma.local [hbm:s5], s20  }
0x9e: {  	_ =	swait.ge [sflag:s22], s20  }
0x9f: {  	s4 =	ssub.s32 $0x0, s20;
	[sflag:s22] =	ssyncset.done $0x0  }
0xa0: {  	[sflag:s22] =	ssyncadd.s32 s4;
	_ =	sdelay $0x1  }
0xa1: {  	s23 =	simm.s32 $0x1B8B  }
0xa2: {  	_ =	swait.ge [sflag:s23], $0x1  }
0xa3: {  	[sflag:s23] =	ssyncset.done $0x0  }
0xa4: {  	s25 =	simm.s32 $0x1B8E;
	s24 =	sld [smem:$0x3FFE];
	[sflag:s23] =	ssyncadd.s32 $0xFFFFFFFF  }
0xa5: {  	s26 =	simm.s32 $execute0_lowered;
	[smem:$0x3FD2] =	sst s25  }
0xa6: {  	s5 =	sshll.u32 s26, $0x1;
	_ =	strace $0x80000046;
	[dreg:$0x1] =	wrdreg $0xFFFFFFFF  }
0xa7: {  	s28 =	simm.s32 $_size_execute0_lowered;
	s3 =	sadd.s32 s3, s5;
	[dreg:$0x0] =	wrdreg $0x0  }
0xa8: {  	s5 =	sshll.u32 s28, $0x1;
	[dreg:$0x2] =	wrdreg s3  }
0xa9: {  	[dreg:$0x3] =	wrdreg s5  }
0xaa: {  	[dreg:$0x4] =	wrdreg $0xC0  }
0xab: {  	_ =	task [dreg:s7], $0x5FFFF  }
0xac: {  	[dreg:$0x1] =	wrdreg $0xFFFFFFFF  }
0xad: {  	[dreg:$0x0] =	wrdreg $0x60  }
0xae: {  	[dreg:$0x2] =	wrdreg s24  }
0xaf: {  	[dreg:$0x3] =	wrdreg s2  }
0xb0: {  	[dreg:$0x4] =	wrdreg $0x41800  }
0xb1: {  	[dreg:$0x5] =	wrdreg $0x17A000  }
0xb2: {  	[dreg:$0x6] =	wrdreg $0x9  }
0xb3: {  	_ =	task.clear_ibuf [dreg:s7], $0x7FFFF;
	_ =	strace $0x90000046  }
0xb4: {  	s29 =	simm.s32 $0x9;
	_ =	strace $0x80000048  }
0xb5: {  	_ =	swait.ge [sflag:s29], $0x1  }
0xb6: {  	[sflag:s29] =	ssyncadd.s32 $0xFFFFFFFF  }
0xb7: {  	_ =	strace $0x90000048  }
0xb8: {  	_ =	sfence  }
0xb9: {  	s30 =	sld [smem:$0x0];
	_ =	sdelay $0x2  }
0xba: {  	s31 =	sshll.u32 s1, $0xD;
	s1 =	sshrl.u32 s1, $0x2  }
0xbb: {  	s3 =	sand.u32 $0x4000, s31;
	s1 =	sadd.s32 s1, s30  }
0xbc: {  	s0 =	sor.u32 s3, s0;
	s1 =	sshll.u32 s1, $0x11  }
0xbd: {  	s0 =	sor.u32 s1, s0  }
0xbe: {  	s0 =	sadd.s32 $0x8F2B, s0  }
0xbf: {  	[sflag:s0] =	ssyncadd.remote.s32 $0x1  }
0xc0: {  	_ =	sfence.sel $0xFFFF  }
0xc1: {  	[dreg:$0x0] =	wrdreg $0xFFFFFFFF;
	(pc) =	sbr.abs _section_cstart, $3  }
0xc2: {  	[dreg:$0x1] =	wrdreg $0xFFFFFFFF  }
0xc3: {  	_ =	task.clear_ibuf [dreg:s7], $0x2FFFF;
	_ =	strace $0x9FFFFFFF  }
0xc4: {  	(tm) =	ssettm $0x7FFFFFFF  }
0xc5: {  	_ =	shalt  }
tec
execute0_lowered:
.L_overlay_start_1:
0x0: {  	(tag) =	ssettag $0x1  }
0x1: {  	s0 =	rddreg [dreg:$0x0]  }
0x2: {  	s9 =	rddreg [dreg:$0x1]  }
0x3: {  	s1 =	rddreg [dreg:$0x2]  }
0x4: {  	s2 =	rddreg [dreg:$0x3];
	s3 =	simm.s32 $0x0;
	s4 =	srdreg.scid  }
0x5: {  	s28 =	simm.s32 $0x2;
	s29 =	simm.s32 $0x10;
	s30 =	simm.s32 $0x0  }
0x6: {  	[smem:$0x7FF] =	sst s3;
	s10 =	sand.u32 $0x1, s4;
	s4 =	stileid.u32  }
0x7: {  	s5 =	sadd.s32 $0xF400, s0;
	s6 =	sadd.s32 $0x5D600, s0;
	s12 =	sadd.s32 $0x5400, s0  }
0x8: {  	s13 =	sadd.s32 $0xA400, s0;
	s14 =	sadd.s32 $0x400, s0;
	s11 =	smul.u32 $0x2710, s10  }
0x9: {  	s7 =	sadd.s32 $0xABE00, s0;
	s17 =	sadd.s32 $0xAFE00, s0;
	s8 =	smul.u32 $0x3E8, s4  }
0xa: {  	_ =	strace $0x80000047;
	s16 =	smul.u32 $0x7D000, s4;
	[dreg:$0x5] =	wrdreg s17  }
0xb: {  	s31 =	ssub.s32 $0x2, s10;
	s19 =	smul.u32 $0x2710, s4;
	p0 =	seq.s32 s4, $0x0  }
0xc: {  	s23 =	sor.u32 s4, s10;
	p1 =	seq.s32 s10, $0x1;
	s22 =	smul.u32 $0x4E2, s4  }
0xd: {  	p3 =	sne.s32 s10, $0x0;
	s18 =	sshrl.u32 s31, $0x1;
	s17 =	simm.s32 @!p1 $0x0  }
0xe: {  	p0 =	por !p0, !p1;
	p2 =	sne.s32 s23, $0x0;
	s23 =	simm.s32 $0x3  }
0xf: {  	s15 =	sadd.s32 s8, s11;
	s8 =	sadd.s32 $0xAB800, s0;
	s16 =	sshrl.u32 s16, $0x2  }
0x10: {  	s20 =	ssub.s32 s31, s18;
	s21 =	sshrl.u32 s19, $0x3;
	s17 =	simm.s32 @p1 $0x1  }
0x11: {  	s18 =	sadd.s32 s22, s9;
	s19 =	sadd.s32 s22, s14;
	s15 =	sshll.u32 s15, $0x4  }
0x12: {  	s16 =	sadd.s32 s16, s1;
	[smem:$0x7FA] =	sst s17;
	s15 =	sadd.s32 s15, s0  }
0x13: {  	s0 =	sadd.s32 $0xB0400, s0;
	[dreg:$0x7] =	wrdreg s16;
	s16 =	sadd.s32 $0x4E0, s21  }
0x14: {  	p0 =	por !p0, !p0;
	[dreg:$0x6] =	wrdreg s0;
	s24 =	sadd.s32 s12, s16  }
0x15: {  	p1 =	sgt.u32 s4, $0x9;
	s25 =	sadd.s32 s13, s16;
	[dreg:$0x8] =	wrdreg s24  }
0x16: {  	p0 =	por !p0, p1;
	s26 =	sadd.s32 s14, s16;
	[dreg:$0x9] =	wrdreg s25  }
0x17: {  	s16 =	sadd.s32 s9, s16;
	s0 =	simm.s32 @!p0 $0x0;
	[dreg:$0xa] =	wrdreg s26  }
0x18: {  	s17 =	sadd.s32 s22, s12;
	[dreg:$0xb] =	wrdreg s16;
	s0 =	simm.s32 @p0 $0x1  }
0x19: {  	s31 =	sadd.s32 $0xB0A00, s15;
	[smem:$0x7FB] =	sst s0;
	s0 =	simm.s32 @!p2 $0x0  }
0x1a: {  	s21 =	sadd.s32 $0xFEC00, s15;
	[dreg:$0xc] =	wrdreg s31;
	s0 =	simm.s32 @p2 $0x1  }
0x1b: {  	s16 =	sadd.s32 s22, s13;
	[smem:$0x7FC] =	sst s0;
	s0 =	simm.s32 @!p1 $0x0  }
0x1c: {  	s22 =	smax.u32 s20, $0x1;
	s24 =	simm.s32 $0x80;
	s0 =	simm.s32 @p1 $0x1  }
0x1d: {  	v1 =	vimm.f32 $1.000000000e+00;
	v0 =	vmov s11;
	s25 =	simm.s32 $0x100;
	s26 =	simm.s32 $0x1;
	[smem:$0x7FD] =	sst s0  }
.LBB2_1:
0x1e: {  	[tilespmem:$0x4100] =	vst v1  }
0x1f: {  	[tilespmem:$0x4110] =	vst v1  }
0x20: {  	[tilespmem:$0x4120] =	vst v1  }
0x21: {  	[tilespmem:$0x4130] =	vst v1  }
0x22: {  	[tilespmem:$0x4140] =	vst v1  }
0x23: {  	[tilespmem:$0x4150] =	vst v1;
	s0 =	sshll.u32 @!p1 s4, $0x6  }
0x24: {  	[tilespmem:$0x4160] =	vst v1;
	s31 =	sor.u32 @!p1 $0x1C02, s0;
	s0 =	rddreg [dreg:$0x7]  }
0x25: {  	[tilespmem:$0x4170] =	vst v1;
	s9 =	simm.s32 @!p1 $0x2;
	s0 =	sshrl.u32 @!p1 s0, $0x3  }
0x26: {  	[spmem:s0], [sflag:s31] =	dma.local @!p1 [hbm:s7], $0x3E80  }
0x27: {  	_ =	swait.ge @!p1 [sflag:s9], $0x3E80  }
0x28: {  	s10 =	sshll.u32 @!p2 s4, $0x6;
	s11 =	simm.s32 @!p2 $0x2;
	[sflag:s9] =	ssyncset.done @!p1 $0x0  }
0x29: {  	[sflag:s9] =	ssyncadd.s32 @!p1 $0xFFFFC180;
	s9 =	sor.u32 @!p2 $0x1C02, s10;
	s10 =	sshrl.u32 @!p2 s2, $0x3  }
0x2a: {  	[spmem:s10], [sflag:s9] =	dma.local @!p2 [hbm:s8], $0x4F0  }
0x2b: {  	_ =	swait.ge @!p2 [sflag:s11], $0x4F0  }
0x2c: {  	[sflag:s11] =	ssyncset.done @!p2 $0x0  }
0x2d: {  	[sflag:s11] =	ssyncadd.s32 @!p2 $0xFFFFFB10  }
0x2e: {  	s15 =	sadd.s32 $0x0, s17;
	[bflag:$0x0] =	sbarrier.arrive $0xFFFF  }
0x2f: {  	[tilespmem:s3], [sflag:$0x3] =	stream.linear.gather [hbm4b:s15+s3], $0x80, $0x38;
	[tilespmem:$0x17C78] =	vst v63  }
0x30: {  	_ =	swait.ge [sflag:s23], $0x80  }
0x31: {  	[sflag:s23] =	ssyncset.done $0x0  }
0x32: {  	[sflag:s23] =	ssyncadd.s32 $0xFFFFFF80  }
0x33: {  	v2 =	vld [tilespmem:$0x70]  }
0x34: {  	v3 =	vld [tilespmem:$0x30]  }
0x35: {  	v6 =	vld [tilespmem:$0x20]  }
0x36: {  	v4 =	vld [tilespmem:$0x50]  }
0x37: {  	v5 =	vld [tilespmem:$0x60]  }
0x38: {  	v7 =	vld [tilespmem:$0x10];
	v2 =	vadd.s32 v0, v2  }
0x39: {  	v8 =	vld [tilespmem:$0x40];
	v3 =	vadd.s32 v0, v3;
	[tilespmem:$0x70] =	vst v2  }
0x3a: {  	v63 =	vadd.s32 v0, v6;
	v2 =	vld [tilespmem:$0x0];
	[tilespmem:$0x30] =	vst v3  }
0x3b: {  	v3 =	vadd.s32 v0, v4;
	[tilespmem:$0x20] =	vst v63  }
0x3c: {  	[tilespmem:$0x50] =	vst v3;
	v3 =	vadd.s32 v0, v5  }
0x3d: {  	[tilespmem:$0x60] =	vst v3;
	v3 =	vadd.s32 v0, v7  }
0x3e: {  	[tilespmem:$0x10] =	vst v3;
	v3 =	vadd.s32 v0, v8  }
0x3f: {  	[tilespmem:$0x40] =	vst v3;
	v2 =	vadd.s32 v0, v2  }
0x40: {  	[tilespmem:$0x0] =	vst v2  }
0x41: {  	[tilespmem:s25], [sflag:$0x1] =	stream.indirect.gather [hbm4b:s5+s24], $0x80, s3, s24, $0xb8;
	[tilespmem:$0x17C78] =	vst v63  }
0x42: {  	_ =	swait.ge [sflag:s26], $0x4000  }
0x43: {  	[sflag:s26] =	ssyncset.done $0x0  }
0x44: {  	s20 =	sadd.s32 $0x0, s16;
	[sflag:s26] =	ssyncadd.s32 $0xFFFFC000  }
0x45: {  	[tilespmem:s24], [sflag:$0x3] =	stream.linear.gather [hbm4b:s20+s3], $0x80, $0x38;
	[tilespmem:$0x17C78] =	vst v63  }
0x46: {  	_ =	swait.ge [sflag:s23], $0x80  }
0x47: {  	[sflag:s23] =	ssyncset.done $0x0  }
0x48: {  	s14 =	simm.s32 $0x10;
	[sflag:s23] =	ssyncadd.s32 $0xFFFFFF80  }
.LBB2_2:
0x49: {  	[spmem:s1] =	stream.indirect.scatter.add.f32 [tilespmem:s25], [sflag:$0x3], $0x80, s24, s24, $0xb8;
	[tilespmem:$0x17C78] =	vst v63  }
0x4a: {  	s15 =	smov.u32 s14;
	s14 =	sadd.s32 $0x10, s14;
	_ =	swait.ge [sflag:s23], $0x4000  }
0x4b: {  	s11 =	simm.s32 @!p3 $0x2;
	p5 =	sne.s32 s14, $0x4E0;
	[sflag:s23] =	ssyncset.done $0x0  }
0x4c: {  	s12 =	simm.s32 @!p3 $0x80;
	s13 =	simm.s32 @!p3 $0x4100;
	[sflag:s23] =	ssyncadd.s32 $0xFFFFC000  }
0x4d: {  	[spmem:s2] =	stream.indirect.scatter.add.f32 @!p3 [tilespmem:s13], [sflag:$0x2], $0x1, s12, s12, $0xb8;
	[tilespmem:$0x17C78] =	vst v63  }
0x4e: {  	_ =	swait.ge @!p3 [sflag:s11], $0x80  }
0x4f: {  	[sflag:s11] =	ssyncset.done @!p3 $0x0  }
0x50: {  	s20 =	sadd.s32 s15, s17;
	[sflag:s11] =	ssyncadd.s32 @!p3 $0xFFFFFF80  }
0x51: {  	[tilespmem:s3], [sflag:$0x3] =	stream.linear.gather [hbm4b:s20+s3], $0x80, $0x38;
	[tilespmem:$0x17C78] =	vst v63  }
0x52: {  	_ =	swait.ge [sflag:s23], $0x80  }
0x53: {  	[sflag:s23] =	ssyncset.done $0x0  }
0x54: {  	[sflag:s23] =	ssyncadd.s32 $0xFFFFFF80  }
0x55: {  	v2 =	vld [tilespmem:$0x70]  }
0x56: {  	v3 =	vld [tilespmem:$0x30]  }
0x57: {  	v4 =	vld [tilespmem:$0x50]  }
0x58: {  	v5 =	vld [tilespmem:$0x60]  }
0x59: {  	v6 =	vld [tilespmem:$0x20]  }
0x5a: {  	v7 =	vld [tilespmem:$0x10];
	v2 =	vadd.s32 v0, v2  }
0x5b: {  	v3 =	vadd.s32 v0, v3;
	v8 =	vld [tilespmem:$0x40];
	[tilespmem:$0x70] =	vst v2  }
0x5c: {  	v2 =	vld [tilespmem:$0x0];
	[tilespmem:$0x30] =	vst v3;
	v3 =	vadd.s32 v0, v4  }
0x5d: {  	[tilespmem:$0x50] =	vst v3;
	v3 =	vadd.s32 v0, v5  }
0x5e: {  	v4 =	vadd.s32 v0, v6;
	[tilespmem:$0x60] =	vst v3  }
0x5f: {  	v3 =	vadd.s32 v0, v7;
	[tilespmem:$0x20] =	vst v4  }
0x60: {  	[tilespmem:$0x10] =	vst v3;
	v3 =	vadd.s32 v0, v8  }
0x61: {  	v2 =	vadd.s32 v0, v2;
	[tilespmem:$0x40] =	vst v3  }
0x62: {  	[tilespmem:$0x0] =	vst v2  }
0x63: {  	[tilespmem:s25], [sflag:$0x1] =	stream.indirect.gather [hbm4b:s5+s24], $0x80, s3, s24, $0xb8;
	[tilespmem:$0x17C78] =	vst v63  }
0x64: {  	_ =	swait.ge [sflag:s26], $0x4000  }
0x65: {  	[sflag:s26] =	ssyncset.done $0x0  }
.Ltmp0:
0x66: {  	s15 =	sadd.s32 s15, s16;
	[sflag:s26] =	ssyncadd.s32 $0xFFFFC000;
	(pc) =	sbr.rel @p5 .LBB2_2-.Ltmp0, $4  }
0x67: {  	[tilespmem:s24], [sflag:$0x3] =	stream.linear.gather [hbm4b:s15+s3], $0x80, $0x38;
	[tilespmem:$0x17C78] =	vst v63  }
0x68: {  	_ =	swait.ge [sflag:s23], $0x80  }
0x69: {  	[sflag:s23] =	ssyncset.done $0x0  }
0x6a: {  	[sflag:s23] =	ssyncadd.s32 $0xFFFFFF80  }
0x6b: {  	[spmem:s1] =	stream.indirect.scatter.add.f32 [tilespmem:s25], [sflag:$0x3], $0x80, s24, s24, $0xb8;
	[tilespmem:$0x17C78] =	vst v63  }
0x6c: {  	_ =	swait.ge [sflag:s23], $0x4000  }
0x6d: {  	[sflag:s23] =	ssyncset.done $0x0  }
0x6e: {  	[sflag:s23] =	ssyncadd.s32 $0xFFFFC000  }
0x6f: {  	[spmem:s2] =	stream.indirect.scatter.add.f32 @!p3 [tilespmem:s13], [sflag:$0x2], $0x1, s12, s12, $0xb8;
	[tilespmem:$0x17C78] =	vst v63  }
0x70: {  	_ =	swait.ge @!p3 [sflag:s11], $0x80  }
0x71: {  	[sflag:s11] =	ssyncset.done @!p3 $0x0  }
0x72: {  	s14 =	rddreg [dreg:$0x8];
	[sflag:s11] =	ssyncadd.s32 @!p3 $0xFFFFFF80  }
0x73: {  	[tilespmem:s3], [sflag:$0x2] =	stream.linear.gather [hbm4b:s14+s3], $0x10, $0x38;
	[tilespmem:$0x17C78] =	vst v63  }
0x74: {  	_ =	swait.ge [sflag:s28], $0x10  }
0x75: {  	[sflag:s28] =	ssyncset.done $0x0  }
0x76: {  	[sflag:s28] =	ssyncadd.s32 $0xFFFFFFF0  }
0x77: {  	v2 =	vld [tilespmem:$0x0];
	_ =	sdelay $0x4  }
0x78: {  	v2 =	vadd.s32 v0, v2  }
0x79: {  	[tilespmem:$0x0] =	vst v2  }
0x7a: {  	[tilespmem:s25], [sflag:$0x1] =	stream.indirect.gather [hbm4b:s5+s29], $0x80, s3, s29, $0xb8;
	[tilespmem:$0x17C78] =	vst v63  }
0x7b: {  	_ =	swait.ge [sflag:s26], $0x800  }
0x7c: {  	[sflag:s26] =	ssyncset.done $0x0  }
0x7d: {  	s20 =	rddreg [dreg:$0x9];
	[sflag:s26] =	ssyncadd.s32 $0xFFFFF800  }
0x7e: {  	[tilespmem:s24], [sflag:$0x2] =	stream.linear.gather [hbm4b:s20+s3], $0x10, $0x38;
	[tilespmem:$0x17C78] =	vst v63  }
0x7f: {  	_ =	swait.ge [sflag:s28], $0x10  }
0x80: {  	[sflag:s28] =	ssyncset.done $0x0  }
0x81: {  	[sflag:s28] =	ssyncadd.s32 $0xFFFFFFF0  }
0x82: {  	[spmem:s1] =	stream.indirect.scatter.add.f32 [tilespmem:s25], [sflag:$0x2], $0x80, s24, s29, $0xb8;
	[tilespmem:$0x17C78] =	vst v63  }
0x83: {  	_ =	swait.ge [sflag:s28], $0x800  }
0x84: {  	[sflag:s28] =	ssyncset.done $0x0  }
0x85: {  	s14 =	simm.s32 @!p3 $0x10;
	[sflag:s28] =	ssyncadd.s32 $0xFFFFF800  }
0x86: {  	[spmem:s2] =	stream.indirect.scatter.add.f32 @!p3 [tilespmem:s13], [sflag:$0x2], $0x1, s12, s14, $0xb8;
	[tilespmem:$0x17C78] =	vst v63  }
0x87: {  	_ =	swait.ge @!p3 [sflag:s11], $0x10  }
0x88: {  	[sflag:s11] =	ssyncset.done @!p3 $0x0  }
0x89: {  	[sflag:s11] =	ssyncadd.s32 @!p3 $0xFFFFFFF0  }
0x8a: {  	[bflag:$0x0] =	sbarrier.arrive $0xFFFF  }
0x8b: {  	s11 =	rddreg [dreg:$0xc]  }
0x8c: {  	[hbm:s11], [sflag:s31] =	dma.local @!p1 [spmem:s0], $0x3E80  }
0x8d: {  	s11 =	simm.s32 @!p1 $0x2  }
0x8e: {  	_ =	swait.ge @!p1 [sflag:s11], $0x3E80  }
0x8f: {  	[sflag:s11] =	ssyncset.done @!p1 $0x0  }
0x90: {  	s12 =	rddreg [dreg:$0x5];
	[sflag:s11] =	ssyncadd.s32 @!p1 $0xFFFFC180  }
0x91: {  	[hbm:s12], [sflag:s9] =	dma.local @!p2 [spmem:s10], $0x4F0  }
0x92: {  	s9 =	simm.s32 @!p2 $0x2  }
0x93: {  	_ =	swait.ge @!p2 [sflag:s9], $0x4F0  }
0x94: {  	[sflag:s9] =	ssyncset.done @!p2 $0x0  }
0x95: {  	[sflag:s9] =	ssyncadd.s32 @!p2 $0xFFFFFB10  }
0x96: {  	[bflag:$0x0] =	sbarrier.arrive $0xFFFF  }
0x97: {  	[spmem:s0], [sflag:s31] =	dma.local @!p1 [hbm:s7], $0x3E80  }
0x98: {  	_ =	swait.ge @!p1 [sflag:s11], $0x3E80  }
0x99: {  	[sflag:s11] =	ssyncset.done @!p1 $0x0  }
0x9a: {  	[sflag:s11] =	ssyncadd.s32 @!p1 $0xFFFFC180;
	s11 =	sld [smem:$0x7FB];
	_ =	sdelay $0x2  }
0x9b: {  	p1 =	seq.s32 s11, $0x1  }
0x9c: {  	s9 =	sshrl.u32 @!p1 s2, $0x3;
	s10 =	simm.s32 @!p1 $0x1C02  }
0x9d: {  	[spmem:s9], [sflag:s10] =	dma.local @!p1 [hbm:s8], $0x4F0  }
0x9e: {  	s9 =	simm.s32 @!p1 $0x2  }
0x9f: {  	_ =	swait.ge @!p1 [sflag:s9], $0x4F0  }
0xa0: {  	[sflag:s9] =	ssyncset.done @!p1 $0x0  }
0xa1: {  	[sflag:s9] =	ssyncadd.s32 @!p1 $0xFFFFFB10  }
0xa2: {  	s12 =	sadd.s32 $0x0, s19;
	[bflag:$0x0] =	sbarrier.arrive $0xFFFF  }
0xa3: {  	[tilespmem:s3], [sflag:$0x3] =	stream.linear.gather [hbm4b:s12+s3], $0x80, $0x38;
	[tilespmem:$0x17C78] =	vst v63  }
0xa4: {  	_ =	swait.ge [sflag:s23], $0x80  }
0xa5: {  	[sflag:s23] =	ssyncset.done $0x0  }
0xa6: {  	[sflag:s23] =	ssyncadd.s32 $0xFFFFFF80  }
0xa7: {  	v2 =	vld [tilespmem:$0x70]  }
0xa8: {  	v3 =	vld [tilespmem:$0x30]  }
0xa9: {  	v6 =	vld [tilespmem:$0x20]  }
0xaa: {  	v4 =	vld [tilespmem:$0x50]  }
0xab: {  	v5 =	vld [tilespmem:$0x60]  }
0xac: {  	v7 =	vld [tilespmem:$0x10];
	v2 =	vadd.s32 v0, v2  }
0xad: {  	v8 =	vld [tilespmem:$0x40];
	v3 =	vadd.s32 v0, v3;
	[tilespmem:$0x70] =	vst v2  }
0xae: {  	v63 =	vadd.s32 v0, v6;
	v2 =	vld [tilespmem:$0x0];
	[tilespmem:$0x30] =	vst v3  }
0xaf: {  	v3 =	vadd.s32 v0, v4;
	[tilespmem:$0x20] =	vst v63  }
0xb0: {  	[tilespmem:$0x50] =	vst v3;
	v3 =	vadd.s32 v0, v5  }
0xb1: {  	[tilespmem:$0x60] =	vst v3;
	v3 =	vadd.s32 v0, v7  }
0xb2: {  	[tilespmem:$0x10] =	vst v3;
	v3 =	vadd.s32 v0, v8  }
0xb3: {  	[tilespmem:$0x40] =	vst v3;
	v2 =	vadd.s32 v0, v2  }
0xb4: {  	[tilespmem:$0x0] =	vst v2  }
0xb5: {  	[tilespmem:s25], [sflag:$0x1] =	stream.indirect.gather [hbm4b:s6+s24], $0x80, s3, s24, $0xb8;
	[tilespmem:$0x17C78] =	vst v63  }
0xb6: {  	_ =	swait.ge [sflag:s26], $0x4000  }
0xb7: {  	s13 =	sld [smem:$0x7FD];
	[sflag:s26] =	ssyncset.done $0x0  }
0xb8: {  	s14 =	sadd.s32 $0x0, s18;
	s15 =	sld [smem:$0x7FA];
	[sflag:s26] =	ssyncadd.s32 $0xFFFFC000  }
0xb9: {  	[tilespmem:s24], [sflag:$0x3] =	stream.linear.gather [hbm4b:s14+s3], $0x80, $0x38;
	[tilespmem:$0x17C78] =	vst v63  }
0xba: {  	_ =	swait.ge [sflag:s23], $0x80  }
0xbb: {  	p5 =	por $0x0, $0x0;
	p2 =	por @!p1 $0x1, $0x1;
	s20 =	sld [smem:$0x7FD]  }
0xbc: {  	s12 =	simm.s32 $0x10;
	p0 =	seq.s32 s13, $0x1;
	p6 =	seq.s32 s15, $0x1  }
0xbd: {  	p0 =	por @!p0 $0x0, $0x0;
	p4 =	por p6, p6;
	[sflag:s23] =	ssyncset.done $0x0  }
0xbe: {  	p0 =	por @!p1 p2, p2;
	p4 =	por @!p1 p2, p2;
	p1 =	seq.s32 s20, $0x1  }
0xbf: {  	[sflag:s23] =	ssyncadd.s32 $0xFFFFFF80;
	p5 =	por @!p1 p0, p0;
	p6 =	por @!p1 p4, p4  }
.LBB2_4:
0xc0: {  	[spmem:s1] =	stream.indirect.scatter.add.f32 [tilespmem:s25], [sflag:$0x3], $0x80, s24, s24, $0xb8;
	[tilespmem:$0x17C78] =	vst v63  }
0xc1: {  	s13 =	smov.u32 s12;
	s12 =	sadd.s32 $0x10, s12;
	_ =	swait.ge [sflag:s23], $0x4000  }
0xc2: {  	s9 =	simm.s32 @p6 $0x2;
	p0 =	sne.s32 s12, $0x4E0;
	[sflag:s23] =	ssyncset.done $0x0  }
0xc3: {  	s10 =	simm.s32 @p6 $0x80;
	s11 =	simm.s32 @p6 $0x4100;
	[sflag:s23] =	ssyncadd.s32 $0xFFFFC000  }
0xc4: {  	[spmem:s2] =	stream.indirect.scatter.add.f32 @p6 [tilespmem:s11], [sflag:$0x2], $0x1, s10, s10, $0xb8;
	[tilespmem:$0x17C78] =	vst v63  }
0xc5: {  	_ =	swait.ge @p6 [sflag:s9], $0x80  }
0xc6: {  	[sflag:s9] =	ssyncset.done @p6 $0x0  }
0xc7: {  	s14 =	sadd.s32 s13, s19;
	[sflag:s9] =	ssyncadd.s32 @p6 $0xFFFFFF80  }
0xc8: {  	[tilespmem:s3], [sflag:$0x3] =	stream.linear.gather [hbm4b:s14+s3], $0x80, $0x38;
	[tilespmem:$0x17C78] =	vst v63  }
0xc9: {  	_ =	swait.ge [sflag:s23], $0x80  }
0xca: {  	[sflag:s23] =	ssyncset.done $0x0  }
0xcb: {  	[sflag:s23] =	ssyncadd.s32 $0xFFFFFF80  }
0xcc: {  	v2 =	vld [tilespmem:$0x70]  }
0xcd: {  	v3 =	vld [tilespmem:$0x30]  }
0xce: {  	v4 =	vld [tilespmem:$0x50]  }
0xcf: {  	v5 =	vld [tilespmem:$0x60]  }
0xd0: {  	v6 =	vld [tilespmem:$0x20]  }
0xd1: {  	v7 =	vld [tilespmem:$0x10];
	v2 =	vadd.s32 v0, v2  }
0xd2: {  	v3 =	vadd.s32 v0, v3;
	v8 =	vld [tilespmem:$0x40];
	[tilespmem:$0x70] =	vst v2  }
0xd3: {  	v2 =	vld [tilespmem:$0x0];
	[tilespmem:$0x30] =	vst v3;
	v3 =	vadd.s32 v0, v4  }
0xd4: {  	[tilespmem:$0x50] =	vst v3;
	v3 =	vadd.s32 v0, v5  }
0xd5: {  	v4 =	vadd.s32 v0, v6;
	[tilespmem:$0x60] =	vst v3  }
0xd6: {  	v3 =	vadd.s32 v0, v7;
	[tilespmem:$0x20] =	vst v4  }
0xd7: {  	[tilespmem:$0x10] =	vst v3;
	v3 =	vadd.s32 v0, v8  }
0xd8: {  	v2 =	vadd.s32 v0, v2;
	[tilespmem:$0x40] =	vst v3  }
0xd9: {  	[tilespmem:$0x0] =	vst v2  }
0xda: {  	[tilespmem:s25], [sflag:$0x1] =	stream.indirect.gather [hbm4b:s6+s24], $0x80, s3, s24, $0xb8;
	[tilespmem:$0x17C78] =	vst v63  }
0xdb: {  	_ =	swait.ge [sflag:s26], $0x4000  }
0xdc: {  	[sflag:s26] =	ssyncset.done $0x0  }
.Ltmp1:
0xdd: {  	s13 =	sadd.s32 s13, s18;
	[sflag:s26] =	ssyncadd.s32 $0xFFFFC000;
	(pc) =	sbr.rel @p0 .LBB2_4-.Ltmp1, $4  }
0xde: {  	[tilespmem:s24], [sflag:$0x3] =	stream.linear.gather [hbm4b:s13+s3], $0x80, $0x38;
	[tilespmem:$0x17C78] =	vst v63  }
0xdf: {  	_ =	swait.ge [sflag:s23], $0x80  }
0xe0: {  	[sflag:s23] =	ssyncset.done $0x0  }
0xe1: {  	[sflag:s23] =	ssyncadd.s32 $0xFFFFFF80  }
0xe2: {  	[spmem:s1] =	stream.indirect.scatter.add.f32 [tilespmem:s25], [sflag:$0x3], $0x80, s24, s24, $0xb8;
	[tilespmem:$0x17C78] =	vst v63  }
0xe3: {  	_ =	swait.ge [sflag:s23], $0x4000  }
0xe4: {  	[sflag:s23] =	ssyncset.done $0x0  }
0xe5: {  	[sflag:s23] =	ssyncadd.s32 $0xFFFFC000  }
0xe6: {  	[spmem:s2] =	stream.indirect.scatter.add.f32 @p6 [tilespmem:s11], [sflag:$0x2], $0x1, s10, s10, $0xb8;
	[tilespmem:$0x17C78] =	vst v63  }
0xe7: {  	_ =	swait.ge @p6 [sflag:s9], $0x80  }
0xe8: {  	[sflag:s9] =	ssyncset.done @p6 $0x0  }
0xe9: {  	s12 =	rddreg [dreg:$0xa];
	[sflag:s9] =	ssyncadd.s32 @p6 $0xFFFFFF80  }
0xea: {  	[tilespmem:s3], [sflag:$0x2] =	stream.linear.gather [hbm4b:s12+s3], $0x10, $0x38;
	[tilespmem:$0x17C78] =	vst v63  }
0xeb: {  	_ =	swait.ge [sflag:s28], $0x10  }
0xec: {  	[sflag:s28] =	ssyncset.done $0x0  }
0xed: {  	[sflag:s28] =	ssyncadd.s32 $0xFFFFFFF0  }
0xee: {  	v2 =	vld [tilespmem:$0x0];
	_ =	sdelay $0x4  }
0xef: {  	v2 =	vadd.s32 v0, v2  }
0xf0: {  	[tilespmem:$0x0] =	vst v2  }
0xf1: {  	[tilespmem:s25], [sflag:$0x1] =	stream.indirect.gather [hbm4b:s6+s29], $0x80, s3, s29, $0xb8;
	[tilespmem:$0x17C78] =	vst v63  }
0xf2: {  	_ =	swait.ge [sflag:s26], $0x800  }
0xf3: {  	[sflag:s26] =	ssyncset.done $0x0  }
0xf4: {  	s20 =	rddreg [dreg:$0xb];
	[sflag:s26] =	ssyncadd.s32 $0xFFFFF800  }
0xf5: {  	[tilespmem:s24], [sflag:$0x2] =	stream.linear.gather [hbm4b:s20+s3], $0x10, $0x38;
	[tilespmem:$0x17C78] =	vst v63  }
0xf6: {  	_ =	swait.ge [sflag:s28], $0x10  }
0xf7: {  	[sflag:s28] =	ssyncset.done $0x0  }
0xf8: {  	[sflag:s28] =	ssyncadd.s32 $0xFFFFFFF0  }
0xf9: {  	[spmem:s1] =	stream.indirect.scatter.add.f32 [tilespmem:s25], [sflag:$0x2], $0x80, s24, s29, $0xb8;
	[tilespmem:$0x17C78] =	vst v63  }
0xfa: {  	_ =	swait.ge [sflag:s28], $0x800  }
0xfb: {  	[sflag:s28] =	ssyncset.done $0x0  }
0xfc: {  	s12 =	simm.s32 @p6 $0x10;
	[sflag:s28] =	ssyncadd.s32 $0xFFFFF800  }
0xfd: {  	[spmem:s2] =	stream.indirect.scatter.add.f32 @p6 [tilespmem:s11], [sflag:$0x2], $0x1, s10, s12, $0xb8;
	[tilespmem:$0x17C78] =	vst v63  }
0xfe: {  	_ =	swait.ge @p6 [sflag:s9], $0x10  }
0xff: {  	[sflag:s9] =	ssyncset.done @p6 $0x0  }
0x100: {  	[sflag:s9] =	ssyncadd.s32 @p6 $0xFFFFFFF0  }
0x101: {  	[bflag:$0x0] =	sbarrier.arrive $0xFFFF  }
0x102: {  	[hbm:s21], [sflag:s31] =	dma.local @!p1 [spmem:s0], $0x3E80  }
0x103: {  	s0 =	simm.s32 @!p1 $0x2  }
0x104: {  	_ =	swait.ge @!p1 [sflag:s0], $0x3E80  }
0x105: {  	s9 =	sshll.u32 @p5 s4, $0x6;
	[sflag:s0] =	ssyncset.done @!p1 $0x0;
	s10 =	rddreg [dreg:$0x6]  }
0x106: {  	[sflag:s0] =	ssyncadd.s32 @!p1 $0xFFFFC180;
	s0 =	sor.u32 @p5 $0x1C02, s9;
	s9 =	sshrl.u32 @p5 s2, $0x3  }
0x107: {  	[hbm:s10], [sflag:s0] =	dma.local @p5 [spmem:s9], $0x4F0  }
0x108: {  	s0 =	simm.s32 @p5 $0x2  }
0x109: {  	_ =	swait.ge @p5 [sflag:s0], $0x4F0  }
0x10a: {  	s30 =	sadd.s32 $0x1, s30;
	[sflag:s0] =	ssyncset.done @p5 $0x0  }
0x10b: {  	p0 =	sne.s32 s30, s22;
	[sflag:s0] =	ssyncadd.s32 @p5 $0xFFFFFB10  }
.Ltmp2:
0x10c: {  	[bflag:$0x0] =	sbarrier.arrive $0xFFFF;
	(pc) =	sbr.rel @p0 .LBB2_1-.Ltmp2, $2  }
0x10d: {  	s31 =	sld [smem:$0x7FC];
	_ =	sdelay $0x2  }
0x10e: {  	p2 =	seq.s32 s31, $0x1  }
0x10f: {  	_ =	sfence.sel $0x180000  }
0x110: {  	[bflag:$0x0] =	sbarrier.arrive $0xFFFF  }
0x111: {  	_ =	strace $0x90000047  }
0x112: {  	[bflag:$0x2] =	sbarrier.arrive $0xFFFF  }
0x113: {  	p0 =	sne.s32 s4, $0x0;
	s0 =	rddreg [dreg:$0x4]  }
0x114: {  	s0 =	sadd.s32 @!p0 $0x100000, s0  }
0x115: {  	[sflag:s0] =	ssyncadd.tile.s32 @!p0 $0x1;
	_ =	shalt  }
.Lfunc_end2:
_tile_overlayer_lowered:
.L_overlay_start_2:
0x116: {  	(tag) =	ssettag $0x2  }
0x117: {  	s0 =	rddreg [dreg:$0x0];
	s2 =	stileid.u32  }
0x118: {  	s1 =	rddreg [dreg:$0x1];
	p0 =	sne.s32 s2, $0x0  }
0x119: {  	s3 =	rddreg [dreg:$0x2];
	[bflag:$0x3] =	sbarrier.arrive $0xFFFF;
	s2 =	simm.s32 @!p0 $0x1C02  }
0x11a: {  	[timem:s3], [sflag:s2] =	dma.local @!p0 [hbm:s0], s1  }
0x11b: {  	s0 =	simm.s32 @!p0 $0x2  }
0x11c: {  	_ =	swait.ge @!p0 [sflag:s0], s1  }
0x11d: {  	s1 =	ssub.s32 @!p0 $0x0, s1;
	[sflag:s0] =	ssyncset.done @!p0 $0x0  }
0x11e: {  	[sflag:s0] =	ssyncadd.s32 @!p0 s1  }
0x11f: {  	[bflag:$0x3] =	sbarrier.arrive $0xFFFF  }
0x120: {  	_ =	shalt  }

</sc_bundles>
